<compile_context>
chip_gen: v7x
topology: tpu7x:2x2x1
jax: 0.10.2.dev20260603
libtpu: 0.0.44.dev20260713+nightly
codegen_flags: <defaults>
</compile_context>

<pallas_src>
import functools

import jax
import jax.numpy as jnp
from jax import lax
from jax.experimental import pallas as pl
from jax.experimental.pallas import tpu as pltpu
from jax.experimental.pallas import tpu_sc as plsc

N_NODES = 10000
D_FEAT = 128
D_EDGE = 16
OUT_FEATURES = 128

NPAD = 10240
CHUNK = 64
KG = 160
NW = 32
EPW = KG * CHUNK
EPAD = NW * EPW
RPT = NPAD // 16


def _sc_accumulate(x, rc, attr):
    mesh = plsc.VectorSubcoreMesh(core_axis_name="c", subcore_axis_name="s")

    @functools.partial(
        pl.kernel,
        out_type=(
            jax.ShapeDtypeStruct((2, NPAD, D_FEAT), jnp.float32),
            jax.ShapeDtypeStruct((2, NPAD, D_EDGE), jnp.float32),
            jax.ShapeDtypeStruct((2, NPAD, 16), jnp.float32),
        ),
        mesh=mesh,
        compiler_params=pltpu.CompilerParams(use_tc_tiling_on_sc=False),
        scratch_types=[
            pltpu.VMEM((4, 2, CHUNK), jnp.int32),
            pltpu.VMEM((2, CHUNK, D_FEAT), jnp.float32),
            pltpu.VMEM((4, CHUNK, D_EDGE), jnp.float32),
            pltpu.VMEM((CHUNK, 16), jnp.float32),
            pltpu.VMEM_SHARED((NPAD, D_FEAT), jnp.float32),
            pltpu.VMEM_SHARED((NPAD, D_EDGE), jnp.float32),
            pltpu.VMEM_SHARED((NPAD, 16), jnp.float32),
            [pltpu.SemaphoreType.DMA] * 4,
            [pltpu.SemaphoreType.DMA] * 4,
            [pltpu.SemaphoreType.DMA] * 2,
            [pltpu.SemaphoreType.DMA] * 2,
            [pltpu.SemaphoreType.DMA] * 4,
        ],
    )
    def kern(x_hbm, rc_hbm, attr_hbm, g_out, a_out, cnt_out,
             rc, xb, ab, ones_b, g_sp, a_sp, cnt_sp,
             semi, sema, semx, semg, semsa):
        c = lax.axis_index("c")
        s = lax.axis_index("s")
        w = c * 16 + s

        @pl.loop(0, CHUNK)
        def _(r):
            ones_b[pl.ds(r, 1), pl.ds(0, 16)] = jnp.zeros((1, 16), jnp.float32)

            @pl.loop(0, D_FEAT, step=16)
            def _(cc):
                xb[0, pl.ds(r, 1), pl.ds(cc, 16)] = jnp.zeros((1, 16), jnp.float32)

        for k in range(RPT // CHUNK):
            r0 = s * RPT + k * CHUNK
            pltpu.sync_copy(xb.at[0], g_sp.at[pl.ds(r0, CHUNK)])
            pltpu.sync_copy(ones_b, a_sp.at[pl.ds(r0, CHUNK)])
            pltpu.sync_copy(ones_b, cnt_sp.at[pl.ds(r0, CHUNK)])
        plsc.subcore_barrier()

        @pl.loop(0, CHUNK)
        def _(r):
            ones_b[pl.ds(r, 1), pl.ds(0, 16)] = jnp.ones((1, 16), jnp.float32)

        nblk = attr_hbm.shape[0] // CHUNK

        def fire_idx(j, k):
            pltpu.make_async_copy(rc_hbm.at[w, j], rc.at[k], semi[k]).start()
            gc = w * KG + j

            @pl.when(gc < nblk)
            def _():
                pltpu.make_async_copy(
                    attr_hbm.at[pl.ds(gc * CHUNK, CHUNK)], ab.at[k],
                    sema[k]).start()

        def wait_idx(j, k):
            pltpu.make_async_copy(rc_hbm.at[w, j], rc.at[k], semi[k]).wait()

        def fire_gather(j, k, b):
            pltpu.make_async_copy(x_hbm.at[rc.at[k, 0]], xb.at[b], semx[b]).start()

        def fire_scatter(j, k, b):
            pltpu.make_async_copy(x_hbm.at[rc.at[k, 0]], xb.at[b], semx[b]).wait()
            pltpu.async_copy(xb.at[b], g_sp.at[rc.at[k, 1]], semg[b], add=True)

            gc = w * KG + j

            @pl.when(gc < nblk)
            def _():
                pltpu.make_async_copy(
                    attr_hbm.at[pl.ds(gc * CHUNK, CHUNK)], ab.at[k],
                    sema[k]).wait()
                pltpu.async_copy(ab.at[k], a_sp.at[rc.at[k, 1]],
                                 semsa[k], add=True)
                pltpu.async_copy(ones_b, cnt_sp.at[rc.at[k, 1]],
                                 semsa[k], add=True)

        def wait_scatter(j, k, b):
            pltpu.make_async_copy(xb.at[b], g_sp.at[rc.at[k, 1]], semg[b]).wait()

            gc = w * KG + j

            @pl.when(gc < nblk)
            def _():
                pltpu.make_async_copy(
                    ab.at[k], a_sp.at[rc.at[k, 1]], semsa[k]).wait()
                pltpu.make_async_copy(
                    ones_b, cnt_sp.at[rc.at[k, 1]], semsa[k]).wait()

        for k in range(4):
            fire_idx(k, k)
        wait_idx(0, 0)
        fire_gather(0, 0, 0)
        wait_idx(1, 1)
        fire_gather(1, 1, 1)

        @pl.loop(0, KG, step=4)
        def _(j):
            fire_scatter(j, 0, 0)
            fire_scatter(j + 1, 1, 1)

            wait_scatter(j, 0, 0)

            @pl.when(j + 4 < KG)
            def _():
                fire_idx(j + 4, 0)

            wait_idx(j + 2, 2)
            fire_gather(j + 2, 2, 0)

            wait_scatter(j + 1, 1, 1)

            @pl.when(j + 5 < KG)
            def _():
                fire_idx(j + 5, 1)

            wait_idx(j + 3, 3)
            fire_gather(j + 3, 3, 1)

            fire_scatter(j + 2, 2, 0)
            fire_scatter(j + 3, 3, 1)

            wait_scatter(j + 2, 2, 0)

            @pl.when(j + 6 < KG)
            def _():
                fire_idx(j + 6, 2)

            @pl.when(j + 4 < KG)
            def _():
                wait_idx(j + 4, 0)
                fire_gather(j + 4, 0, 0)

            wait_scatter(j + 3, 3, 1)

            @pl.when(j + 7 < KG)
            def _():
                fire_idx(j + 7, 3)

            @pl.when(j + 5 < KG)
            def _():
                wait_idx(j + 5, 1)
                fire_gather(j + 5, 1, 1)

        plsc.subcore_barrier()

        r0 = s * RPT
        pltpu.sync_copy(g_sp.at[pl.ds(r0, RPT)], g_out.at[c, pl.ds(r0, RPT)])
        pltpu.sync_copy(a_sp.at[pl.ds(r0, RPT)], a_out.at[c, pl.ds(r0, RPT)])
        pltpu.sync_copy(cnt_sp.at[pl.ds(r0, RPT)], cnt_out.at[c, pl.ds(r0, RPT)])

    return kern(x, rc, attr)


def _tc_finish(g, a, cnt, w1t, w2t, bb):
    R = 1024
    grid = NPAD // R

    def body(g_ref, a_ref, c_ref, w1_ref, w2_ref, b_ref, o_ref):
        gm = g_ref[0] + g_ref[1]
        am = a_ref[0] + a_ref[1]
        cm = c_ref[0] + c_ref[1]
        cnt1 = cm[:, :1]
        y = jnp.dot(gm, w1_ref[...], preferred_element_type=jnp.float32)
        y = y + jnp.dot(am, w2_ref[...], preferred_element_type=jnp.float32)
        y = y + cnt1 * b_ref[...]
        o_ref[...] = y / jnp.maximum(cnt1, 1.0)

    return pl.pallas_call(
        body,
        grid=(grid,),
        in_specs=[
            pl.BlockSpec((2, R, D_FEAT), lambda i: (0, i, 0)),
            pl.BlockSpec((2, R, D_EDGE), lambda i: (0, i, 0)),
            pl.BlockSpec((2, R, 16), lambda i: (0, i, 0)),
            pl.BlockSpec((D_FEAT, OUT_FEATURES), lambda i: (0, 0)),
            pl.BlockSpec((D_EDGE, OUT_FEATURES), lambda i: (0, 0)),
            pl.BlockSpec((1, OUT_FEATURES), lambda i: (0, 0)),
        ],
        out_specs=pl.BlockSpec((R, OUT_FEATURES), lambda i: (i, 0)),
        out_shape=jax.ShapeDtypeStruct((NPAD, OUT_FEATURES), jnp.float32),
    )(g, a, cnt, w1t, w2t, bb)


def kernel(x, edge_index, edge_attr, W, b):
    row = edge_index[0].astype(jnp.int32)
    col = edge_index[1].astype(jnp.int32)
    e = row.shape[0]
    pad = EPAD - e
    row_p = jnp.concatenate([row, jnp.zeros((pad,), jnp.int32)])
    col_p = jnp.concatenate([col, jnp.full((pad,), NPAD - 1, jnp.int32)])
    rowi = row_p.reshape(NW, KG, CHUNK)
    coli = col_p.reshape(NW, KG, CHUNK)
    rc = jnp.stack([rowi, coli], axis=2)

    g, a, cnt = _sc_accumulate(x, rc, edge_attr)

    w1t = W[:, :D_FEAT].T
    w2t = W[:, D_FEAT:].T
    bb = b.reshape(1, OUT_FEATURES)
    out_full = _tc_finish(g, a, cnt, w1t, w2t, bb)
    return out_full[:N_NODES]

# --- scband reference (transcript-rebuilt; emitter-appended) ---
"""Pipeline reference for scband-atom-edge-interaction-46840913330368 (READ-ONLY COPY).

The authoritative reference and input builder live on the scoring server;
editing this copy changes nothing except your own understanding.
"""

import jax, jax.numpy as jnp
import numpy as np

N_NODES = 10000
N_EDGES = 320000
D_FEAT = 128
D_EDGE = 16
OUT_FEATURES = 128
EDGE_IMPORTANCE = 1.0


def setup_inputs(seed: int = 0) -> dict:
    key = jax.random.key(seed)
    k1, k2, k3, k4, k5 = jax.random.split(key, 5)
    x = jax.random.normal(k1, (N_NODES, D_FEAT), dtype=jnp.float32)
    edge_index = jax.random.randint(k2, (2, N_EDGES), 0, N_NODES, dtype=jnp.int64)
    edge_attr = jax.random.normal(k3, (N_EDGES, D_EDGE), dtype=jnp.float32)
    fan_in = D_FEAT + D_EDGE
    bound = 1.0 / np.sqrt(fan_in)
    W = jax.random.uniform(k4, (OUT_FEATURES, fan_in), minval=-bound, maxval=bound, dtype=jnp.float32)
    b = jax.random.uniform(k5, (OUT_FEATURES,), minval=-bound, maxval=bound, dtype=jnp.float32)
    return {"x": x, "edge_index": edge_index, "edge_attr": edge_attr, "W": W, "b": b}


def reference(x, edge_index, edge_attr, W, b):
    row = edge_index[0]
    col = edge_index[1]
    edge_features = edge_attr * EDGE_IMPORTANCE
    atom_features = jnp.take(x, row, axis=0)
    combined_features = jnp.concatenate([atom_features, edge_features], axis=-1)
    updated_features = combined_features @ W.T + b
    sums = jax.ops.segment_sum(updated_features, col, num_segments=x.shape[0])
    counts = jax.ops.segment_sum(jnp.ones((col.shape[0], 1), dtype=jnp.float32), col, num_segments=x.shape[0])
    out = sums / jnp.maximum(counts, 1.0)
    return out

if __name__ == "__main__":
    import jax
    _d = setup_inputs()
    print(jax.jit(kernel)(*tuple(_d.values())))

</pallas_src>

<mosaic_0001>
#map = affine_map<(d0, d1) -> (0, 0)>
#map1 = affine_map<(d0, d1) -> (0, 0, 0, 0)>
#map2 = affine_map<(d0, d1) -> (0, 0, 0)>
module attributes {stable_mosaic.version = 14 : i64} {
  func.func @kern(%arg0: i32, %arg1: i32, %arg2: memref<10000x128xf32, #tpu.memory_space<hbm>>, %arg3: memref<32x160x2x64xi32, #tpu.memory_space<hbm>>, %arg4: memref<320000x16xf32, #tpu.memory_space<hbm>>, %arg5: memref<2x10240x128xf32, #tpu.memory_space<hbm>>, %arg6: memref<2x10240x16xf32, #tpu.memory_space<hbm>>, %arg7: memref<2x10240x16xf32, #tpu.memory_space<hbm>>, %arg8: memref<4x2x64xi32, #tpu.memory_space<vmem>>, %arg9: memref<2x64x128xf32, #tpu.memory_space<vmem>>, %arg10: memref<4x64x16xf32, #tpu.memory_space<vmem>>, %arg11: memref<64x16xf32, #tpu.memory_space<vmem>>, %arg12: memref<10240x128xf32, #tpu.memory_space<vmem_shared>>, %arg13: memref<10240x16xf32, #tpu.memory_space<vmem_shared>>, %arg14: memref<10240x16xf32, #tpu.memory_space<vmem_shared>>, %arg15: memref<!tpu.dma_semaphore, #tpu.memory_space<semaphore_mem>>, %arg16: memref<!tpu.dma_semaphore, #tpu.memory_space<semaphore_mem>>, %arg17: memref<!tpu.dma_semaphore, #tpu.memory_space<semaphore_mem>>, %arg18: memref<!tpu.dma_semaphore, #tpu.memory_space<semaphore_mem>>, %arg19: memref<!tpu.dma_semaphore, #tpu.memory_space<semaphore_mem>>, %arg20: memref<!tpu.dma_semaphore, #tpu.memory_space<semaphore_mem>>, %arg21: memref<!tpu.dma_semaphore, #tpu.memory_space<semaphore_mem>>, %arg22: memref<!tpu.dma_semaphore, #tpu.memory_space<semaphore_mem>>, %arg23: memref<!tpu.dma_semaphore, #tpu.memory_space<semaphore_mem>>, %arg24: memref<!tpu.dma_semaphore, #tpu.memory_space<semaphore_mem>>, %arg25: memref<!tpu.dma_semaphore, #tpu.memory_space<semaphore_mem>>, %arg26: memref<!tpu.dma_semaphore, #tpu.memory_space<semaphore_mem>>, %arg27: memref<!tpu.dma_semaphore, #tpu.memory_space<semaphore_mem>>, %arg28: memref<!tpu.dma_semaphore, #tpu.memory_space<semaphore_mem>>, %arg29: memref<!tpu.dma_semaphore, #tpu.memory_space<semaphore_mem>>, %arg30: memref<!tpu.dma_semaphore, #tpu.memory_space<semaphore_mem>>) attributes {dimension_semantics = [#tpu.dimension_semantics<core_parallel>, #tpu.dimension_semantics<subcore_parallel>], iteration_bounds = array<i64: 2, 16>, scalar_prefetch = 0 : i64, scratch_operands = 23 : i64, tpu.core_type = #tpu.core_type<sc_vector_subcore>, window_params = [{transform_indices = #map}, {transform_indices = #map1}, {transform_indices = #map}, {transform_indices = #map2}, {transform_indices = #map2}, {transform_indices = #map2}]} {
    %mul3A = arith.constant 16 : i32
    %mul3A_0 = arith.muli %arg0, %mul3A : i32
    %add3A = arith.addi %mul3A_0, %arg1 : i32
    %scan3A = arith.constant 0 : i32
    %scan3A_1 = arith.constant 64 : i32
    %scan3A_2 = arith.addi %scan3A, %scan3A_1 : i32
    %scan3A_3 = arith.constant 1 : i32
    scf.for %scan3A_232 = %scan3A to %scan3A_2 step %scan3A_3  : i32 {
      %mul3A_233 = arith.constant 1 : i32
      %mul3A_234 = arith.muli %scan3A_232, %mul3A_233 : i32
      %add3A_235 = arith.constant 0 : i32
      %add3A_236 = arith.addi %add3A_235, %mul3A_234 : i32
      %broadcast_in_dim3A = arith.constant 0.000000e+00 : f32
      %broadcast_in_dim3A_237 = vector.broadcast %broadcast_in_dim3A : f32 to vector<1x16xf32>
      %swap3A = arith.index_cast %add3A_236 : i32 to index
      %swap3A_238 = arith.constant 0 : index
      %swap3A_239 = tpu.vector_load %arg11[%swap3A, %swap3A_238] {strides = array<i32>} : memref<64x16xf32, #tpu.memory_space<vmem>>, vector<1x16xf32>,
      %swap3A_240 = vector.shape_cast %swap3A_239 : vector<1x16xf32> to vector<1x16xf32>
      %swap3A_241 = vector.shape_cast %broadcast_in_dim3A_237 : vector<1x16xf32> to vector<1x16xf32>
      tpu.vector_store %arg11[%swap3A, %swap3A_238], %swap3A_241 {strides = array<i32>} : memref<64x16xf32, #tpu.memory_space<vmem>>, vector<1x16xf32>,
      %scan3A_242 = arith.constant 0 : i32
      %scan3A_243 = arith.constant 8 : i32
      %scan3A_244 = arith.addi %scan3A_242, %scan3A_243 : i32
      %scan3A_245 = arith.constant 1 : i32
      scf.for %scan3A_247 = %scan3A_242 to %scan3A_244 step %scan3A_245  : i32 {
        %mul3A_248 = arith.constant 16 : i32
        %mul3A_249 = arith.muli %scan3A_247, %mul3A_248 : i32
        %add3A_250 = arith.constant 0 : i32
        %add3A_251 = arith.addi %add3A_250, %mul3A_249 : i32
        %broadcast_in_dim3A_252 = arith.constant 0.000000e+00 : f32
        %broadcast_in_dim3A_253 = vector.broadcast %broadcast_in_dim3A_252 : f32 to vector<1x16xf32>
        %swap3A_254 = arith.constant 0 : i32
        %swap3A_255 = arith.index_cast %swap3A_254 : i32 to index
        %swap3A_256 = arith.index_cast %add3A_236 : i32 to index
        %swap3A_257 = arith.index_cast %add3A_251 : i32 to index
        %swap3A_258 = tpu.vector_load %arg9[%swap3A_255, %swap3A_256, %swap3A_257] {strides = array<i32>} : memref<2x64x128xf32, #tpu.memory_space<vmem>>, vector<1x1x16xf32>,
        %swap3A_259 = vector.shape_cast %swap3A_258 : vector<1x1x16xf32> to vector<1x16xf32>
        %swap3A_260 = vector.shape_cast %broadcast_in_dim3A_253 : vector<1x16xf32> to vector<1x1x16xf32>
        tpu.vector_store %arg9[%swap3A_255, %swap3A_256, %swap3A_257], %swap3A_260 {strides = array<i32>} : memref<2x64x128xf32, #tpu.memory_space<vmem>>, vector<1x1x16xf32>,
      }
      %scan3A_246 = arith.constant 8 : i32
    }
    %scan3A_4 = arith.constant 64 : i32
    %mul3A_5 = arith.constant 640 : i32
    %mul3A_6 = arith.muli %arg1, %mul3A_5 : i32
    %add3A_7 = arith.constant 0 : i32
    %add3A_8 = arith.addi %mul3A_6, %add3A_7 : i32
    %run_scoped3A = arith.constant 0 : i32
    "tpu.region"() ({
      %run_scoped3A_232 = tpu.sem_alloc : memref<!tpu.dma_semaphore, #tpu.memory_space<semaphore_mem>>
      %dma_start3A_233 = arith.constant 0 : i32
      %dma_start3A_234 = arith.constant 0 : i32
      %dma_start3A_235 = tpu.memref_slice %arg9[%run_scoped3A, %dma_start3A_233, %dma_start3A_234] : memref<2x64x128xf32, #tpu.memory_space<vmem>> -> memref<1x64x128xf32, #tpu.memory_space<vmem>>
      %dma_start3A_236 = tpu.memref_squeeze %dma_start3A_235 : memref<1x64x128xf32, #tpu.memory_space<vmem>> -> memref<64x128xf32, #tpu.memory_space<vmem>>
      %dma_start3A_237 = arith.constant 0 : i32
      %dma_start3A_238 = tpu.memref_slice %arg12[%add3A_8, %dma_start3A_237] : memref<10240x128xf32, #tpu.memory_space<vmem_shared>> -> memref<64x128xf32, #tpu.memory_space<vmem_shared>>
      %dma_start3A_239 = arith.constant 0 : i32
      %dma_start3A_240 = tpu.memref_slice %arg12[%add3A_8, %dma_start3A_239] : memref<10240x128xf32, #tpu.memory_space<vmem_shared>> -> memref<64x128xf32, #tpu.memory_space<vmem_shared>>
      %dma_start3A_241 = arith.constant 0 : i32
      %dma_start3A_242 = arith.constant 0 : i32
      %dma_start3A_243 = tpu.memref_slice %arg9[%run_scoped3A, %dma_start3A_241, %dma_start3A_242] : memref<2x64x128xf32, #tpu.memory_space<vmem>> -> memref<1x64x128xf32, #tpu.memory_space<vmem>>
      %dma_start3A_244 = tpu.memref_squeeze %dma_start3A_243 : memref<1x64x128xf32, #tpu.memory_space<vmem>> -> memref<64x128xf32, #tpu.memory_space<vmem>>
      tpu.enqueue_dma source(%dma_start3A_244 : memref<64x128xf32, #tpu.memory_space<vmem>>) target(%dma_start3A_240 : memref<64x128xf32, #tpu.memory_space<vmem_shared>>) target_semaphore(%run_scoped3A_232 : memref<!tpu.dma_semaphore, #tpu.memory_space<semaphore_mem>>)
      %dma_wait3A_245 = arith.constant 0 : i32
      %dma_wait3A_246 = arith.constant 0 : i32
      %dma_wait3A_247 = tpu.memref_slice %arg9[%run_scoped3A, %dma_wait3A_245, %dma_wait3A_246] : memref<2x64x128xf32, #tpu.memory_space<vmem>> -> memref<1x64x128xf32, #tpu.memory_space<vmem>>
      %dma_wait3A_248 = tpu.memref_squeeze %dma_wait3A_247 : memref<1x64x128xf32, #tpu.memory_space<vmem>> -> memref<64x128xf32, #tpu.memory_space<vmem>>
      %dma_wait3A_249 = arith.constant 0 : i32
      %dma_wait3A_250 = tpu.memref_slice %arg12[%add3A_8, %dma_wait3A_249] : memref<10240x128xf32, #tpu.memory_space<vmem_shared>> -> memref<64x128xf32, #tpu.memory_space<vmem_shared>>
      %dma_wait3A_251 = arith.constant 0 : i32
      %dma_wait3A_252 = tpu.memref_slice %arg12[%add3A_8, %dma_wait3A_251] : memref<10240x128xf32, #tpu.memory_space<vmem_shared>> -> memref<64x128xf32, #tpu.memory_space<vmem_shared>>
      %dma_wait3A_253 = arith.constant 0 : i32
      %dma_wait3A_254 = arith.constant 0 : i32
      %dma_wait3A_255 = tpu.memref_slice %arg9[%run_scoped3A, %dma_wait3A_253, %dma_wait3A_254] : memref<2x64x128xf32, #tpu.memory_space<vmem>> -> memref<1x64x128xf32, #tpu.memory_space<vmem>>
      %dma_wait3A_256 = tpu.memref_squeeze %dma_wait3A_255 : memref<1x64x128xf32, #tpu.memory_space<vmem>> -> memref<64x128xf32, #tpu.memory_space<vmem>>
      tpu.wait_dma2 semaphore(%run_scoped3A_232 : memref<!tpu.dma_semaphore, #tpu.memory_space<semaphore_mem>>) src(%dma_wait3A_256 : memref<64x128xf32, #tpu.memory_space<vmem>>) dst(%dma_wait3A_252 : memref<64x128xf32, #tpu.memory_space<vmem_shared>>)
      tpu.yield
    }) : () -> ()
    "tpu.region"() ({
      %run_scoped3A_232 = tpu.sem_alloc : memref<!tpu.dma_semaphore, #tpu.memory_space<semaphore_mem>>
      %dma_start3A_233 = arith.constant 0 : i32
      %dma_start3A_234 = tpu.memref_slice %arg13[%add3A_8, %dma_start3A_233] : memref<10240x16xf32, #tpu.memory_space<vmem_shared>> -> memref<64x16xf32, #tpu.memory_space<vmem_shared>>
      %dma_start3A_235 = arith.constant 0 : i32
      %dma_start3A_236 = tpu.memref_slice %arg13[%add3A_8, %dma_start3A_235] : memref<10240x16xf32, #tpu.memory_space<vmem_shared>> -> memref<64x16xf32, #tpu.memory_space<vmem_shared>>
      tpu.enqueue_dma source(%arg11 : memref<64x16xf32, #tpu.memory_space<vmem>>) target(%dma_start3A_236 : memref<64x16xf32, #tpu.memory_space<vmem_shared>>) target_semaphore(%run_scoped3A_232 : memref<!tpu.dma_semaphore, #tpu.memory_space<semaphore_mem>>)
      %dma_wait3A_237 = arith.constant 0 : i32
      %dma_wait3A_238 = tpu.memref_slice %arg13[%add3A_8, %dma_wait3A_237] : memref<10240x16xf32, #tpu.memory_space<vmem_shared>> -> memref<64x16xf32, #tpu.memory_space<vmem_shared>>
      %dma_wait3A_239 = arith.constant 0 : i32
      %dma_wait3A_240 = tpu.memref_slice %arg13[%add3A_8, %dma_wait3A_239] : memref<10240x16xf32, #tpu.memory_space<vmem_shared>> -> memref<64x16xf32, #tpu.memory_space<vmem_shared>>
      tpu.wait_dma2 semaphore(%run_scoped3A_232 : memref<!tpu.dma_semaphore, #tpu.memory_space<semaphore_mem>>) src(%arg11 : memref<64x16xf32, #tpu.memory_space<vmem>>) dst(%dma_wait3A_240 : memref<64x16xf32, #tpu.memory_space<vmem_shared>>)
      tpu.yield
    }) : () -> ()
    "tpu.region"() ({
      %run_scoped3A_232 = tpu.sem_alloc : memref<!tpu.dma_semaphore, #tpu.memory_space<semaphore_mem>>
      %dma_start3A_233 = arith.constant 0 : i32
      %dma_start3A_234 = tpu.memref_slice %arg14[%add3A_8, %dma_start3A_233] : memref<10240x16xf32, #tpu.memory_space<vmem_shared>> -> memref<64x16xf32, #tpu.memory_space<vmem_shared>>
      %dma_start3A_235 = arith.constant 0 : i32
      %dma_start3A_236 = tpu.memref_slice %arg14[%add3A_8, %dma_start3A_235] : memref<10240x16xf32, #tpu.memory_space<vmem_shared>> -> memref<64x16xf32, #tpu.memory_space<vmem_shared>>
      tpu.enqueue_dma source(%arg11 : memref<64x16xf32, #tpu.memory_space<vmem>>) target(%dma_start3A_236 : memref<64x16xf32, #tpu.memory_space<vmem_shared>>) target_semaphore(%run_scoped3A_232 : memref<!tpu.dma_semaphore, #tpu.memory_space<semaphore_mem>>)
      %dma_wait3A_237 = arith.constant 0 : i32
      %dma_wait3A_238 = tpu.memref_slice %arg14[%add3A_8, %dma_wait3A_237] : memref<10240x16xf32, #tpu.memory_space<vmem_shared>> -> memref<64x16xf32, #tpu.memory_space<vmem_shared>>
      %dma_wait3A_239 = arith.constant 0 : i32
      %dma_wait3A_240 = tpu.memref_slice %arg14[%add3A_8, %dma_wait3A_239] : memref<10240x16xf32, #tpu.memory_space<vmem_shared>> -> memref<64x16xf32, #tpu.memory_space<vmem_shared>>
      tpu.wait_dma2 semaphore(%run_scoped3A_232 : memref<!tpu.dma_semaphore, #tpu.memory_space<semaphore_mem>>) src(%arg11 : memref<64x16xf32, #tpu.memory_space<vmem>>) dst(%dma_wait3A_240 : memref<64x16xf32, #tpu.memory_space<vmem_shared>>)
      tpu.yield
    }) : () -> ()
    %mul3A_9 = arith.constant 640 : i32
    %mul3A_10 = arith.muli %arg1, %mul3A_9 : i32
    %add3A_11 = arith.constant 64 : i32
    %add3A_12 = arith.addi %mul3A_10, %add3A_11 : i32
    %run_scoped3A_13 = arith.constant 0 : i32
    "tpu.region"() ({
      %run_scoped3A_232 = tpu.sem_alloc : memref<!tpu.dma_semaphore, #tpu.memory_space<semaphore_mem>>
      %dma_start3A_233 = arith.constant 0 : i32
      %dma_start3A_234 = arith.constant 0 : i32
      %dma_start3A_235 = tpu.memref_slice %arg9[%run_scoped3A_13, %dma_start3A_233, %dma_start3A_234] : memref<2x64x128xf32, #tpu.memory_space<vmem>> -> memref<1x64x128xf32, #tpu.memory_space<vmem>>
      %dma_start3A_236 = tpu.memref_squeeze %dma_start3A_235 : memref<1x64x128xf32, #tpu.memory_space<vmem>> -> memref<64x128xf32, #tpu.memory_space<vmem>>
      %dma_start3A_237 = arith.constant 0 : i32
      %dma_start3A_238 = tpu.memref_slice %arg12[%add3A_12, %dma_start3A_237] : memref<10240x128xf32, #tpu.memory_space<vmem_shared>> -> memref<64x128xf32, #tpu.memory_space<vmem_shared>>
      %dma_start3A_239 = arith.constant 0 : i32
      %dma_start3A_240 = tpu.memref_slice %arg12[%add3A_12, %dma_start3A_239] : memref<10240x128xf32, #tpu.memory_space<vmem_shared>> -> memref<64x128xf32, #tpu.memory_space<vmem_shared>>
      %dma_start3A_241 = arith.constant 0 : i32
      %dma_start3A_242 = arith.constant 0 : i32
      %dma_start3A_243 = tpu.memref_slice %arg9[%run_scoped3A_13, %dma_start3A_241, %dma_start3A_242] : memref<2x64x128xf32, #tpu.memory_space<vmem>> -> memref<1x64x128xf32, #tpu.memory_space<vmem>>
      %dma_start3A_244 = tpu.memref_squeeze %dma_start3A_243 : memref<1x64x128xf32, #tpu.memory_space<vmem>> -> memref<64x128xf32, #tpu.memory_space<vmem>>
      tpu.enqueue_dma source(%dma_start3A_244 : memref<64x128xf32, #tpu.memory_space<vmem>>) target(%dma_start3A_240 : memref<64x128xf32, #tpu.memory_space<vmem_shared>>) target_semaphore(%run_scoped3A_232 : memref<!tpu.dma_semaphore, #tpu.memory_space<semaphore_mem>>)
      %dma_wait3A_245 = arith.constant 0 : i32
      %dma_wait3A_246 = arith.constant 0 : i32
      %dma_wait3A_247 = tpu.memref_slice %arg9[%run_scoped3A_13, %dma_wait3A_245, %dma_wait3A_246] : memref<2x64x128xf32, #tpu.memory_space<vmem>> -> memref<1x64x128xf32, #tpu.memory_space<vmem>>
      %dma_wait3A_248 = tpu.memref_squeeze %dma_wait3A_247 : memref<1x64x128xf32, #tpu.memory_space<vmem>> -> memref<64x128xf32, #tpu.memory_space<vmem>>
      %dma_wait3A_249 = arith.constant 0 : i32
      %dma_wait3A_250 = tpu.memref_slice %arg12[%add3A_12, %dma_wait3A_249] : memref<10240x128xf32, #tpu.memory_space<vmem_shared>> -> memref<64x128xf32, #tpu.memory_space<vmem_shared>>
      %dma_wait3A_251 = arith.constant 0 : i32
      %dma_wait3A_252 = tpu.memref_slice %arg12[%add3A_12, %dma_wait3A_251] : memref<10240x128xf32, #tpu.memory_space<vmem_shared>> -> memref<64x128xf32, #tpu.memory_space<vmem_shared>>
      %dma_wait3A_253 = arith.constant 0 : i32
      %dma_wait3A_254 = arith.constant 0 : i32
      %dma_wait3A_255 = tpu.memref_slice %arg9[%run_scoped3A_13, %dma_wait3A_253, %dma_wait3A_254] : memref<2x64x128xf32, #tpu.memory_space<vmem>> -> memref<1x64x128xf32, #tpu.memory_space<vmem>>
      %dma_wait3A_256 = tpu.memref_squeeze %dma_wait3A_255 : memref<1x64x128xf32, #tpu.memory_space<vmem>> -> memref<64x128xf32, #tpu.memory_space<vmem>>
      tpu.wait_dma2 semaphore(%run_scoped3A_232 : memref<!tpu.dma_semaphore, #tpu.memory_space<semaphore_mem>>) src(%dma_wait3A_256 : memref<64x128xf32, #tpu.memory_space<vmem>>) dst(%dma_wait3A_252 : memref<64x128xf32, #tpu.memory_space<vmem_shared>>)
      tpu.yield
    }) : () -> ()
    "tpu.region"() ({
      %run_scoped3A_232 = tpu.sem_alloc : memref<!tpu.dma_semaphore, #tpu.memory_space<semaphore_mem>>
      %dma_start3A_233 = arith.constant 0 : i32
      %dma_start3A_234 = tpu.memref_slice %arg13[%add3A_12, %dma_start3A_233] : memref<10240x16xf32, #tpu.memory_space<vmem_shared>> -> memref<64x16xf32, #tpu.memory_space<vmem_shared>>
      %dma_start3A_235 = arith.constant 0 : i32
      %dma_start3A_236 = tpu.memref_slice %arg13[%add3A_12, %dma_start3A_235] : memref<10240x16xf32, #tpu.memory_space<vmem_shared>> -> memref<64x16xf32, #tpu.memory_space<vmem_shared>>
      tpu.enqueue_dma source(%arg11 : memref<64x16xf32, #tpu.memory_space<vmem>>) target(%dma_start3A_236 : memref<64x16xf32, #tpu.memory_space<vmem_shared>>) target_semaphore(%run_scoped3A_232 : memref<!tpu.dma_semaphore, #tpu.memory_space<semaphore_mem>>)
      %dma_wait3A_237 = arith.constant 0 : i32
      %dma_wait3A_238 = tpu.memref_slice %arg13[%add3A_12, %dma_wait3A_237] : memref<10240x16xf32, #tpu.memory_space<vmem_shared>> -> memref<64x16xf32, #tpu.memory_space<vmem_shared>>
      %dma_wait3A_239 = arith.constant 0 : i32
      %dma_wait3A_240 = tpu.memref_slice %arg13[%add3A_12, %dma_wait3A_239] : memref<10240x16xf32, #tpu.memory_space<vmem_shared>> -> memref<64x16xf32, #tpu.memory_space<vmem_shared>>
      tpu.wait_dma2 semaphore(%run_scoped3A_232 : memref<!tpu.dma_semaphore, #tpu.memory_space<semaphore_mem>>) src(%arg11 : memref<64x16xf32, #tpu.memory_space<vmem>>) dst(%dma_wait3A_240 : memref<64x16xf32, #tpu.memory_space<vmem_shared>>)
      tpu.yield
    }) : () -> ()
    "tpu.region"() ({
      %run_scoped3A_232 = tpu.sem_alloc : memref<!tpu.dma_semaphore, #tpu.memory_space<semaphore_mem>>
      %dma_start3A_233 = arith.constant 0 : i32
      %dma_start3A_234 = tpu.memref_slice %arg14[%add3A_12, %dma_start3A_233] : memref<10240x16xf32, #tpu.memory_space<vmem_shared>> -> memref<64x16xf32, #tpu.memory_space<vmem_shared>>
      %dma_start3A_235 = arith.constant 0 : i32
      %dma_start3A_236 = tpu.memref_slice %arg14[%add3A_12, %dma_start3A_235] : memref<10240x16xf32, #tpu.memory_space<vmem_shared>> -> memref<64x16xf32, #tpu.memory_space<vmem_shared>>
      tpu.enqueue_dma source(%arg11 : memref<64x16xf32, #tpu.memory_space<vmem>>) target(%dma_start3A_236 : memref<64x16xf32, #tpu.memory_space<vmem_shared>>) target_semaphore(%run_scoped3A_232 : memref<!tpu.dma_semaphore, #tpu.memory_space<semaphore_mem>>)
      %dma_wait3A_237 = arith.constant 0 : i32
      %dma_wait3A_238 = tpu.memref_slice %arg14[%add3A_12, %dma_wait3A_237] : memref<10240x16xf32, #tpu.memory_space<vmem_shared>> -> memref<64x16xf32, #tpu.memory_space<vmem_shared>>
      %dma_wait3A_239 = arith.constant 0 : i32
      %dma_wait3A_240 = tpu.memref_slice %arg14[%add3A_12, %dma_wait3A_239] : memref<10240x16xf32, #tpu.memory_space<vmem_shared>> -> memref<64x16xf32, #tpu.memory_space<vmem_shared>>
      tpu.wait_dma2 semaphore(%run_scoped3A_232 : memref<!tpu.dma_semaphore, #tpu.memory_space<semaphore_mem>>) src(%arg11 : memref<64x16xf32, #tpu.memory_space<vmem>>) dst(%dma_wait3A_240 : memref<64x16xf32, #tpu.memory_space<vmem_shared>>)
      tpu.yield
    }) : () -> ()
    %mul3A_14 = arith.constant 640 : i32
    %mul3A_15 = arith.muli %arg1, %mul3A_14 : i32
    %add3A_16 = arith.constant 128 : i32
    %add3A_17 = arith.addi %mul3A_15, %add3A_16 : i32
    %run_scoped3A_18 = arith.constant 0 : i32
    "tpu.region"() ({
      %run_scoped3A_232 = tpu.sem_alloc : memref<!tpu.dma_semaphore, #tpu.memory_space<semaphore_mem>>
      %dma_start3A_233 = arith.constant 0 : i32
      %dma_start3A_234 = arith.constant 0 : i32
      %dma_start3A_235 = tpu.memref_slice %arg9[%run_scoped3A_18, %dma_start3A_233, %dma_start3A_234] : memref<2x64x128xf32, #tpu.memory_space<vmem>> -> memref<1x64x128xf32, #tpu.memory_space<vmem>>
      %dma_start3A_236 = tpu.memref_squeeze %dma_start3A_235 : memref<1x64x128xf32, #tpu.memory_space<vmem>> -> memref<64x128xf32, #tpu.memory_space<vmem>>
      %dma_start3A_237 = arith.constant 0 : i32
      %dma_start3A_238 = tpu.memref_slice %arg12[%add3A_17, %dma_start3A_237] : memref<10240x128xf32, #tpu.memory_space<vmem_shared>> -> memref<64x128xf32, #tpu.memory_space<vmem_shared>>
      %dma_start3A_239 = arith.constant 0 : i32
      %dma_start3A_240 = tpu.memref_slice %arg12[%add3A_17, %dma_start3A_239] : memref<10240x128xf32, #tpu.memory_space<vmem_shared>> -> memref<64x128xf32, #tpu.memory_space<vmem_shared>>
      %dma_start3A_241 = arith.constant 0 : i32
      %dma_start3A_242 = arith.constant 0 : i32
      %dma_start3A_243 = tpu.memref_slice %arg9[%run_scoped3A_18, %dma_start3A_241, %dma_start3A_242] : memref<2x64x128xf32, #tpu.memory_space<vmem>> -> memref<1x64x128xf32, #tpu.memory_space<vmem>>
      %dma_start3A_244 = tpu.memref_squeeze %dma_start3A_243 : memref<1x64x128xf32, #tpu.memory_space<vmem>> -> memref<64x128xf32, #tpu.memory_space<vmem>>
      tpu.enqueue_dma source(%dma_start3A_244 : memref<64x128xf32, #tpu.memory_space<vmem>>) target(%dma_start3A_240 : memref<64x128xf32, #tpu.memory_space<vmem_shared>>) target_semaphore(%run_scoped3A_232 : memref<!tpu.dma_semaphore, #tpu.memory_space<semaphore_mem>>)
      %dma_wait3A_245 = arith.constant 0 : i32
      %dma_wait3A_246 = arith.constant 0 : i32
      %dma_wait3A_247 = tpu.memref_slice %arg9[%run_scoped3A_18, %dma_wait3A_245, %dma_wait3A_246] : memref<2x64x128xf32, #tpu.memory_space<vmem>> -> memref<1x64x128xf32, #tpu.memory_space<vmem>>
      %dma_wait3A_248 = tpu.memref_squeeze %dma_wait3A_247 : memref<1x64x128xf32, #tpu.memory_space<vmem>> -> memref<64x128xf32, #tpu.memory_space<vmem>>
      %dma_wait3A_249 = arith.constant 0 : i32
      %dma_wait3A_250 = tpu.memref_slice %arg12[%add3A_17, %dma_wait3A_249] : memref<10240x128xf32, #tpu.memory_space<vmem_shared>> -> memref<64x128xf32, #tpu.memory_space<vmem_shared>>
      %dma_wait3A_251 = arith.constant 0 : i32
      %dma_wait3A_252 = tpu.memref_slice %arg12[%add3A_17, %dma_wait3A_251] : memref<10240x128xf32, #tpu.memory_space<vmem_shared>> -> memref<64x128xf32, #tpu.memory_space<vmem_shared>>
      %dma_wait3A_253 = arith.constant 0 : i32
      %dma_wait3A_254 = arith.constant 0 : i32
      %dma_wait3A_255 = tpu.memref_slice %arg9[%run_scoped3A_18, %dma_wait3A_253, %dma_wait3A_254] : memref<2x64x128xf32, #tpu.memory_space<vmem>> -> memref<1x64x128xf32, #tpu.memory_space<vmem>>
      %dma_wait3A_256 = tpu.memref_squeeze %dma_wait3A_255 : memref<1x64x128xf32, #tpu.memory_space<vmem>> -> memref<64x128xf32, #tpu.memory_space<vmem>>
      tpu.wait_dma2 semaphore(%run_scoped3A_232 : memref<!tpu.dma_semaphore, #tpu.memory_space<semaphore_mem>>) src(%dma_wait3A_256 : memref<64x128xf32, #tpu.memory_space<vmem>>) dst(%dma_wait3A_252 : memref<64x128xf32, #tpu.memory_space<vmem_shared>>)
      tpu.yield
    }) : () -> ()
    "tpu.region"() ({
      %run_scoped3A_232 = tpu.sem_alloc : memref<!tpu.dma_semaphore, #tpu.memory_space<semaphore_mem>>
      %dma_start3A_233 = arith.constant 0 : i32
      %dma_start3A_234 = tpu.memref_slice %arg13[%add3A_17, %dma_start3A_233] : memref<10240x16xf32, #tpu.memory_space<vmem_shared>> -> memref<64x16xf32, #tpu.memory_space<vmem_shared>>
      %dma_start3A_235 = arith.constant 0 : i32
      %dma_start3A_236 = tpu.memref_slice %arg13[%add3A_17, %dma_start3A_235] : memref<10240x16xf32, #tpu.memory_space<vmem_shared>> -> memref<64x16xf32, #tpu.memory_space<vmem_shared>>
      tpu.enqueue_dma source(%arg11 : memref<64x16xf32, #tpu.memory_space<vmem>>) target(%dma_start3A_236 : memref<64x16xf32, #tpu.memory_space<vmem_shared>>) target_semaphore(%run_scoped3A_232 : memref<!tpu.dma_semaphore, #tpu.memory_space<semaphore_mem>>)
      %dma_wait3A_237 = arith.constant 0 : i32
      %dma_wait3A_238 = tpu.memref_slice %arg13[%add3A_17, %dma_wait3A_237] : memref<10240x16xf32, #tpu.memory_space<vmem_shared>> -> memref<64x16xf32, #tpu.memory_space<vmem_shared>>
      %dma_wait3A_239 = arith.constant 0 : i32
      %dma_wait3A_240 = tpu.memref_slice %arg13[%add3A_17, %dma_wait3A_239] : memref<10240x16xf32, #tpu.memory_space<vmem_shared>> -> memref<64x16xf32, #tpu.memory_space<vmem_shared>>
      tpu.wait_dma2 semaphore(%run_scoped3A_232 : memref<!tpu.dma_semaphore, #tpu.memory_space<semaphore_mem>>) src(%arg11 : memref<64x16xf32, #tpu.memory_space<vmem>>) dst(%dma_wait3A_240 : memref<64x16xf32, #tpu.memory_space<vmem_shared>>)
      tpu.yield
    }) : () -> ()
    "tpu.region"() ({
      %run_scoped3A_232 = tpu.sem_alloc : memref<!tpu.dma_semaphore, #tpu.memory_space<semaphore_mem>>
      %dma_start3A_233 = arith.constant 0 : i32
      %dma_start3A_234 = tpu.memref_slice %arg14[%add3A_17, %dma_start3A_233] : memref<10240x16xf32, #tpu.memory_space<vmem_shared>> -> memref<64x16xf32, #tpu.memory_space<vmem_shared>>
      %dma_start3A_235 = arith.constant 0 : i32
      %dma_start3A_236 = tpu.memref_slice %arg14[%add3A_17, %dma_start3A_235] : memref<10240x16xf32, #tpu.memory_space<vmem_shared>> -> memref<64x16xf32, #tpu.memory_space<vmem_shared>>
      tpu.enqueue_dma source(%arg11 : memref<64x16xf32, #tpu.memory_space<vmem>>) target(%dma_start3A_236 : memref<64x16xf32, #tpu.memory_space<vmem_shared>>) target_semaphore(%run_scoped3A_232 : memref<!tpu.dma_semaphore, #tpu.memory_space<semaphore_mem>>)
      %dma_wait3A_237 = arith.constant 0 : i32
      %dma_wait3A_238 = tpu.memref_slice %arg14[%add3A_17, %dma_wait3A_237] : memref<10240x16xf32, #tpu.memory_space<vmem_shared>> -> memref<64x16xf32, #tpu.memory_space<vmem_shared>>
      %dma_wait3A_239 = arith.constant 0 : i32
      %dma_wait3A_240 = tpu.memref_slice %arg14[%add3A_17, %dma_wait3A_239] : memref<10240x16xf32, #tpu.memory_space<vmem_shared>> -> memref<64x16xf32, #tpu.memory_space<vmem_shared>>
      tpu.wait_dma2 semaphore(%run_scoped3A_232 : memref<!tpu.dma_semaphore, #tpu.memory_space<semaphore_mem>>) src(%arg11 : memref<64x16xf32, #tpu.memory_space<vmem>>) dst(%dma_wait3A_240 : memref<64x16xf32, #tpu.memory_space<vmem_shared>>)
      tpu.yield
    }) : () -> ()
    %mul3A_19 = arith.constant 640 : i32
    %mul3A_20 = arith.muli %arg1, %mul3A_19 : i32
    %add3A_21 = arith.constant 192 : i32
    %add3A_22 = arith.addi %mul3A_20, %add3A_21 : i32
    %run_scoped3A_23 = arith.constant 0 : i32
    "tpu.region"() ({
      %run_scoped3A_232 = tpu.sem_alloc : memref<!tpu.dma_semaphore, #tpu.memory_space<semaphore_mem>>
      %dma_start3A_233 = arith.constant 0 : i32
      %dma_start3A_234 = arith.constant 0 : i32
      %dma_start3A_235 = tpu.memref_slice %arg9[%run_scoped3A_23, %dma_start3A_233, %dma_start3A_234] : memref<2x64x128xf32, #tpu.memory_space<vmem>> -> memref<1x64x128xf32, #tpu.memory_space<vmem>>
      %dma_start3A_236 = tpu.memref_squeeze %dma_start3A_235 : memref<1x64x128xf32, #tpu.memory_space<vmem>> -> memref<64x128xf32, #tpu.memory_space<vmem>>
      %dma_start3A_237 = arith.constant 0 : i32
      %dma_start3A_238 = tpu.memref_slice %arg12[%add3A_22, %dma_start3A_237] : memref<10240x128xf32, #tpu.memory_space<vmem_shared>> -> memref<64x128xf32, #tpu.memory_space<vmem_shared>>
      %dma_start3A_239 = arith.constant 0 : i32
      %dma_start3A_240 = tpu.memref_slice %arg12[%add3A_22, %dma_start3A_239] : memref<10240x128xf32, #tpu.memory_space<vmem_shared>> -> memref<64x128xf32, #tpu.memory_space<vmem_shared>>
      %dma_start3A_241 = arith.constant 0 : i32
      %dma_start3A_242 = arith.constant 0 : i32
      %dma_start3A_243 = tpu.memref_slice %arg9[%run_scoped3A_23, %dma_start3A_241, %dma_start3A_242] : memref<2x64x128xf32, #tpu.memory_space<vmem>> -> memref<1x64x128xf32, #tpu.memory_space<vmem>>
      %dma_start3A_244 = tpu.memref_squeeze %dma_start3A_243 : memref<1x64x128xf32, #tpu.memory_space<vmem>> -> memref<64x128xf32, #tpu.memory_space<vmem>>
      tpu.enqueue_dma source(%dma_start3A_244 : memref<64x128xf32, #tpu.memory_space<vmem>>) target(%dma_start3A_240 : memref<64x128xf32, #tpu.memory_space<vmem_shared>>) target_semaphore(%run_scoped3A_232 : memref<!tpu.dma_semaphore, #tpu.memory_space<semaphore_mem>>)
      %dma_wait3A_245 = arith.constant 0 : i32
      %dma_wait3A_246 = arith.constant 0 : i32
      %dma_wait3A_247 = tpu.memref_slice %arg9[%run_scoped3A_23, %dma_wait3A_245, %dma_wait3A_246] : memref<2x64x128xf32, #tpu.memory_space<vmem>> -> memref<1x64x128xf32, #tpu.memory_space<vmem>>
      %dma_wait3A_248 = tpu.memref_squeeze %dma_wait3A_247 : memref<1x64x128xf32, #tpu.memory_space<vmem>> -> memref<64x128xf32, #tpu.memory_space<vmem>>
      %dma_wait3A_249 = arith.constant 0 : i32
      %dma_wait3A_250 = tpu.memref_slice %arg12[%add3A_22, %dma_wait3A_249] : memref<10240x128xf32, #tpu.memory_space<vmem_shared>> -> memref<64x128xf32, #tpu.memory_space<vmem_shared>>
      %dma_wait3A_251 = arith.constant 0 : i32
      %dma_wait3A_252 = tpu.memref_slice %arg12[%add3A_22, %dma_wait3A_251] : memref<10240x128xf32, #tpu.memory_space<vmem_shared>> -> memref<64x128xf32, #tpu.memory_space<vmem_shared>>
      %dma_wait3A_253 = arith.constant 0 : i32
      %dma_wait3A_254 = arith.constant 0 : i32
      %dma_wait3A_255 = tpu.memref_slice %arg9[%run_scoped3A_23, %dma_wait3A_253, %dma_wait3A_254] : memref<2x64x128xf32, #tpu.memory_space<vmem>> -> memref<1x64x128xf32, #tpu.memory_space<vmem>>
      %dma_wait3A_256 = tpu.memref_squeeze %dma_wait3A_255 : memref<1x64x128xf32, #tpu.memory_space<vmem>> -> memref<64x128xf32, #tpu.memory_space<vmem>>
      tpu.wait_dma2 semaphore(%run_scoped3A_232 : memref<!tpu.dma_semaphore, #tpu.memory_space<semaphore_mem>>) src(%dma_wait3A_256 : memref<64x128xf32, #tpu.memory_space<vmem>>) dst(%dma_wait3A_252 : memref<64x128xf32, #tpu.memory_space<vmem_shared>>)
      tpu.yield
    }) : () -> ()
    "tpu.region"() ({
      %run_scoped3A_232 = tpu.sem_alloc : memref<!tpu.dma_semaphore, #tpu.memory_space<semaphore_mem>>
      %dma_start3A_233 = arith.constant 0 : i32
      %dma_start3A_234 = tpu.memref_slice %arg13[%add3A_22, %dma_start3A_233] : memref<10240x16xf32, #tpu.memory_space<vmem_shared>> -> memref<64x16xf32, #tpu.memory_space<vmem_shared>>
      %dma_start3A_235 = arith.constant 0 : i32
      %dma_start3A_236 = tpu.memref_slice %arg13[%add3A_22, %dma_start3A_235] : memref<10240x16xf32, #tpu.memory_space<vmem_shared>> -> memref<64x16xf32, #tpu.memory_space<vmem_shared>>
      tpu.enqueue_dma source(%arg11 : memref<64x16xf32, #tpu.memory_space<vmem>>) target(%dma_start3A_236 : memref<64x16xf32, #tpu.memory_space<vmem_shared>>) target_semaphore(%run_scoped3A_232 : memref<!tpu.dma_semaphore, #tpu.memory_space<semaphore_mem>>)
      %dma_wait3A_237 = arith.constant 0 : i32
      %dma_wait3A_238 = tpu.memref_slice %arg13[%add3A_22, %dma_wait3A_237] : memref<10240x16xf32, #tpu.memory_space<vmem_shared>> -> memref<64x16xf32, #tpu.memory_space<vmem_shared>>
      %dma_wait3A_239 = arith.constant 0 : i32
      %dma_wait3A_240 = tpu.memref_slice %arg13[%add3A_22, %dma_wait3A_239] : memref<10240x16xf32, #tpu.memory_space<vmem_shared>> -> memref<64x16xf32, #tpu.memory_space<vmem_shared>>
      tpu.wait_dma2 semaphore(%run_scoped3A_232 : memref<!tpu.dma_semaphore, #tpu.memory_space<semaphore_mem>>) src(%arg11 : memref<64x16xf32, #tpu.memory_space<vmem>>) dst(%dma_wait3A_240 : memref<64x16xf32, #tpu.memory_space<vmem_shared>>)
      tpu.yield
    }) : () -> ()
    "tpu.region"() ({
      %run_scoped3A_232 = tpu.sem_alloc : memref<!tpu.dma_semaphore, #tpu.memory_space<semaphore_mem>>
      %dma_start3A_233 = arith.constant 0 : i32
      %dma_start3A_234 = tpu.memref_slice %arg14[%add3A_22, %dma_start3A_233] : memref<10240x16xf32, #tpu.memory_space<vmem_shared>> -> memref<64x16xf32, #tpu.memory_space<vmem_shared>>
      %dma_start3A_235 = arith.constant 0 : i32
      %dma_start3A_236 = tpu.memref_slice %arg14[%add3A_22, %dma_start3A_235] : memref<10240x16xf32, #tpu.memory_space<vmem_shared>> -> memref<64x16xf32, #tpu.memory_space<vmem_shared>>
      tpu.enqueue_dma source(%arg11 : memref<64x16xf32, #tpu.memory_space<vmem>>) target(%dma_start3A_236 : memref<64x16xf32, #tpu.memory_space<vmem_shared>>) target_semaphore(%run_scoped3A_232 : memref<!tpu.dma_semaphore, #tpu.memory_space<semaphore_mem>>)
      %dma_wait3A_237 = arith.constant 0 : i32
      %dma_wait3A_238 = tpu.memref_slice %arg14[%add3A_22, %dma_wait3A_237] : memref<10240x16xf32, #tpu.memory_space<vmem_shared>> -> memref<64x16xf32, #tpu.memory_space<vmem_shared>>
      %dma_wait3A_239 = arith.constant 0 : i32
      %dma_wait3A_240 = tpu.memref_slice %arg14[%add3A_22, %dma_wait3A_239] : memref<10240x16xf32, #tpu.memory_space<vmem_shared>> -> memref<64x16xf32, #tpu.memory_space<vmem_shared>>
      tpu.wait_dma2 semaphore(%run_scoped3A_232 : memref<!tpu.dma_semaphore, #tpu.memory_space<semaphore_mem>>) src(%arg11 : memref<64x16xf32, #tpu.memory_space<vmem>>) dst(%dma_wait3A_240 : memref<64x16xf32, #tpu.memory_space<vmem_shared>>)
      tpu.yield
    }) : () -> ()
    %mul3A_24 = arith.constant 640 : i32
    %mul3A_25 = arith.muli %arg1, %mul3A_24 : i32
    %add3A_26 = arith.constant 256 : i32
    %add3A_27 = arith.addi %mul3A_25, %add3A_26 : i32
    %run_scoped3A_28 = arith.constant 0 : i32
    "tpu.region"() ({
      %run_scoped3A_232 = tpu.sem_alloc : memref<!tpu.dma_semaphore, #tpu.memory_space<semaphore_mem>>
      %dma_start3A_233 = arith.constant 0 : i32
      %dma_start3A_234 = arith.constant 0 : i32
      %dma_start3A_235 = tpu.memref_slice %arg9[%run_scoped3A_28, %dma_start3A_233, %dma_start3A_234] : memref<2x64x128xf32, #tpu.memory_space<vmem>> -> memref<1x64x128xf32, #tpu.memory_space<vmem>>
      %dma_start3A_236 = tpu.memref_squeeze %dma_start3A_235 : memref<1x64x128xf32, #tpu.memory_space<vmem>> -> memref<64x128xf32, #tpu.memory_space<vmem>>
      %dma_start3A_237 = arith.constant 0 : i32
      %dma_start3A_238 = tpu.memref_slice %arg12[%add3A_27, %dma_start3A_237] : memref<10240x128xf32, #tpu.memory_space<vmem_shared>> -> memref<64x128xf32, #tpu.memory_space<vmem_shared>>
      %dma_start3A_239 = arith.constant 0 : i32
      %dma_start3A_240 = tpu.memref_slice %arg12[%add3A_27, %dma_start3A_239] : memref<10240x128xf32, #tpu.memory_space<vmem_shared>> -> memref<64x128xf32, #tpu.memory_space<vmem_shared>>
      %dma_start3A_241 = arith.constant 0 : i32
      %dma_start3A_242 = arith.constant 0 : i32
      %dma_start3A_243 = tpu.memref_slice %arg9[%run_scoped3A_28, %dma_start3A_241, %dma_start3A_242] : memref<2x64x128xf32, #tpu.memory_space<vmem>> -> memref<1x64x128xf32, #tpu.memory_space<vmem>>
      %dma_start3A_244 = tpu.memref_squeeze %dma_start3A_243 : memref<1x64x128xf32, #tpu.memory_space<vmem>> -> memref<64x128xf32, #tpu.memory_space<vmem>>
      tpu.enqueue_dma source(%dma_start3A_244 : memref<64x128xf32, #tpu.memory_space<vmem>>) target(%dma_start3A_240 : memref<64x128xf32, #tpu.memory_space<vmem_shared>>) target_semaphore(%run_scoped3A_232 : memref<!tpu.dma_semaphore, #tpu.memory_space<semaphore_mem>>)
      %dma_wait3A_245 = arith.constant 0 : i32
      %dma_wait3A_246 = arith.constant 0 : i32
      %dma_wait3A_247 = tpu.memref_slice %arg9[%run_scoped3A_28, %dma_wait3A_245, %dma_wait3A_246] : memref<2x64x128xf32, #tpu.memory_space<vmem>> -> memref<1x64x128xf32, #tpu.memory_space<vmem>>
      %dma_wait3A_248 = tpu.memref_squeeze %dma_wait3A_247 : memref<1x64x128xf32, #tpu.memory_space<vmem>> -> memref<64x128xf32, #tpu.memory_space<vmem>>
      %dma_wait3A_249 = arith.constant 0 : i32
      %dma_wait3A_250 = tpu.memref_slice %arg12[%add3A_27, %dma_wait3A_249] : memref<10240x128xf32, #tpu.memory_space<vmem_shared>> -> memref<64x128xf32, #tpu.memory_space<vmem_shared>>
      %dma_wait3A_251 = arith.constant 0 : i32
      %dma_wait3A_252 = tpu.memref_slice %arg12[%add3A_27, %dma_wait3A_251] : memref<10240x128xf32, #tpu.memory_space<vmem_shared>> -> memref<64x128xf32, #tpu.memory_space<vmem_shared>>
      %dma_wait3A_253 = arith.constant 0 : i32
      %dma_wait3A_254 = arith.constant 0 : i32
      %dma_wait3A_255 = tpu.memref_slice %arg9[%run_scoped3A_28, %dma_wait3A_253, %dma_wait3A_254] : memref<2x64x128xf32, #tpu.memory_space<vmem>> -> memref<1x64x128xf32, #tpu.memory_space<vmem>>
      %dma_wait3A_256 = tpu.memref_squeeze %dma_wait3A_255 : memref<1x64x128xf32, #tpu.memory_space<vmem>> -> memref<64x128xf32, #tpu.memory_space<vmem>>
      tpu.wait_dma2 semaphore(%run_scoped3A_232 : memref<!tpu.dma_semaphore, #tpu.memory_space<semaphore_mem>>) src(%dma_wait3A_256 : memref<64x128xf32, #tpu.memory_space<vmem>>) dst(%dma_wait3A_252 : memref<64x128xf32, #tpu.memory_space<vmem_shared>>)
      tpu.yield
    }) : () -> ()
    "tpu.region"() ({
      %run_scoped3A_232 = tpu.sem_alloc : memref<!tpu.dma_semaphore, #tpu.memory_space<semaphore_mem>>
      %dma_start3A_233 = arith.constant 0 : i32
      %dma_start3A_234 = tpu.memref_slice %arg13[%add3A_27, %dma_start3A_233] : memref<10240x16xf32, #tpu.memory_space<vmem_shared>> -> memref<64x16xf32, #tpu.memory_space<vmem_shared>>
      %dma_start3A_235 = arith.constant 0 : i32
      %dma_start3A_236 = tpu.memref_slice %arg13[%add3A_27, %dma_start3A_235] : memref<10240x16xf32, #tpu.memory_space<vmem_shared>> -> memref<64x16xf32, #tpu.memory_space<vmem_shared>>
      tpu.enqueue_dma source(%arg11 : memref<64x16xf32, #tpu.memory_space<vmem>>) target(%dma_start3A_236 : memref<64x16xf32, #tpu.memory_space<vmem_shared>>) target_semaphore(%run_scoped3A_232 : memref<!tpu.dma_semaphore, #tpu.memory_space<semaphore_mem>>)
      %dma_wait3A_237 = arith.constant 0 : i32
      %dma_wait3A_238 = tpu.memref_slice %arg13[%add3A_27, %dma_wait3A_237] : memref<10240x16xf32, #tpu.memory_space<vmem_shared>> -> memref<64x16xf32, #tpu.memory_space<vmem_shared>>
      %dma_wait3A_239 = arith.constant 0 : i32
      %dma_wait3A_240 = tpu.memref_slice %arg13[%add3A_27, %dma_wait3A_239] : memref<10240x16xf32, #tpu.memory_space<vmem_shared>> -> memref<64x16xf32, #tpu.memory_space<vmem_shared>>
      tpu.wait_dma2 semaphore(%run_scoped3A_232 : memref<!tpu.dma_semaphore, #tpu.memory_space<semaphore_mem>>) src(%arg11 : memref<64x16xf32, #tpu.memory_space<vmem>>) dst(%dma_wait3A_240 : memref<64x16xf32, #tpu.memory_space<vmem_shared>>)
      tpu.yield
    }) : () -> ()
    "tpu.region"() ({
      %run_scoped3A_232 = tpu.sem_alloc : memref<!tpu.dma_semaphore, #tpu.memory_space<semaphore_mem>>
      %dma_start3A_233 = arith.constant 0 : i32
      %dma_start3A_234 = tpu.memref_slice %arg14[%add3A_27, %dma_start3A_233] : memref<10240x16xf32, #tpu.memory_space<vmem_shared>> -> memref<64x16xf32, #tpu.memory_space<vmem_shared>>
      %dma_start3A_235 = arith.constant 0 : i32
      %dma_start3A_236 = tpu.memref_slice %arg14[%add3A_27, %dma_start3A_235] : memref<10240x16xf32, #tpu.memory_space<vmem_shared>> -> memref<64x16xf32, #tpu.memory_space<vmem_shared>>
      tpu.enqueue_dma source(%arg11 : memref<64x16xf32, #tpu.memory_space<vmem>>) target(%dma_start3A_236 : memref<64x16xf32, #tpu.memory_space<vmem_shared>>) target_semaphore(%run_scoped3A_232 : memref<!tpu.dma_semaphore, #tpu.memory_space<semaphore_mem>>)
      %dma_wait3A_237 = arith.constant 0 : i32
      %dma_wait3A_238 = tpu.memref_slice %arg14[%add3A_27, %dma_wait3A_237] : memref<10240x16xf32, #tpu.memory_space<vmem_shared>> -> memref<64x16xf32, #tpu.memory_space<vmem_shared>>
      %dma_wait3A_239 = arith.constant 0 : i32
      %dma_wait3A_240 = tpu.memref_slice %arg14[%add3A_27, %dma_wait3A_239] : memref<10240x16xf32, #tpu.memory_space<vmem_shared>> -> memref<64x16xf32, #tpu.memory_space<vmem_shared>>
      tpu.wait_dma2 semaphore(%run_scoped3A_232 : memref<!tpu.dma_semaphore, #tpu.memory_space<semaphore_mem>>) src(%arg11 : memref<64x16xf32, #tpu.memory_space<vmem>>) dst(%dma_wait3A_240 : memref<64x16xf32, #tpu.memory_space<vmem_shared>>)
      tpu.yield
    }) : () -> ()
    %mul3A_29 = arith.constant 640 : i32
    %mul3A_30 = arith.muli %arg1, %mul3A_29 : i32
    %add3A_31 = arith.constant 320 : i32
    %add3A_32 = arith.addi %mul3A_30, %add3A_31 : i32
    %run_scoped3A_33 = arith.constant 0 : i32
    "tpu.region"() ({
      %run_scoped3A_232 = tpu.sem_alloc : memref<!tpu.dma_semaphore, #tpu.memory_space<semaphore_mem>>
      %dma_start3A_233 = arith.constant 0 : i32
      %dma_start3A_234 = arith.constant 0 : i32
      %dma_start3A_235 = tpu.memref_slice %arg9[%run_scoped3A_33, %dma_start3A_233, %dma_start3A_234] : memref<2x64x128xf32, #tpu.memory_space<vmem>> -> memref<1x64x128xf32, #tpu.memory_space<vmem>>
      %dma_start3A_236 = tpu.memref_squeeze %dma_start3A_235 : memref<1x64x128xf32, #tpu.memory_space<vmem>> -> memref<64x128xf32, #tpu.memory_space<vmem>>
      %dma_start3A_237 = arith.constant 0 : i32
      %dma_start3A_238 = tpu.memref_slice %arg12[%add3A_32, %dma_start3A_237] : memref<10240x128xf32, #tpu.memory_space<vmem_shared>> -> memref<64x128xf32, #tpu.memory_space<vmem_shared>>
      %dma_start3A_239 = arith.constant 0 : i32
      %dma_start3A_240 = tpu.memref_slice %arg12[%add3A_32, %dma_start3A_239] : memref<10240x128xf32, #tpu.memory_space<vmem_shared>> -> memref<64x128xf32, #tpu.memory_space<vmem_shared>>
      %dma_start3A_241 = arith.constant 0 : i32
      %dma_start3A_242 = arith.constant 0 : i32
      %dma_start3A_243 = tpu.memref_slice %arg9[%run_scoped3A_33, %dma_start3A_241, %dma_start3A_242] : memref<2x64x128xf32, #tpu.memory_space<vmem>> -> memref<1x64x128xf32, #tpu.memory_space<vmem>>
      %dma_start3A_244 = tpu.memref_squeeze %dma_start3A_243 : memref<1x64x128xf32, #tpu.memory_space<vmem>> -> memref<64x128xf32, #tpu.memory_space<vmem>>
      tpu.enqueue_dma source(%dma_start3A_244 : memref<64x128xf32, #tpu.memory_space<vmem>>) target(%dma_start3A_240 : memref<64x128xf32, #tpu.memory_space<vmem_shared>>) target_semaphore(%run_scoped3A_232 : memref<!tpu.dma_semaphore, #tpu.memory_space<semaphore_mem>>)
      %dma_wait3A_245 = arith.constant 0 : i32
      %dma_wait3A_246 = arith.constant 0 : i32
      %dma_wait3A_247 = tpu.memref_slice %arg9[%run_scoped3A_33, %dma_wait3A_245, %dma_wait3A_246] : memref<2x64x128xf32, #tpu.memory_space<vmem>> -> memref<1x64x128xf32, #tpu.memory_space<vmem>>
      %dma_wait3A_248 = tpu.memref_squeeze %dma_wait3A_247 : memref<1x64x128xf32, #tpu.memory_space<vmem>> -> memref<64x128xf32, #tpu.memory_space<vmem>>
      %dma_wait3A_249 = arith.constant 0 : i32
      %dma_wait3A_250 = tpu.memref_slice %arg12[%add3A_32, %dma_wait3A_249] : memref<10240x128xf32, #tpu.memory_space<vmem_shared>> -> memref<64x128xf32, #tpu.memory_space<vmem_shared>>
      %dma_wait3A_251 = arith.constant 0 : i32
      %dma_wait3A_252 = tpu.memref_slice %arg12[%add3A_32, %dma_wait3A_251] : memref<10240x128xf32, #tpu.memory_space<vmem_shared>> -> memref<64x128xf32, #tpu.memory_space<vmem_shared>>
      %dma_wait3A_253 = arith.constant 0 : i32
      %dma_wait3A_254 = arith.constant 0 : i32
      %dma_wait3A_255 = tpu.memref_slice %arg9[%run_scoped3A_33, %dma_wait3A_253, %dma_wait3A_254] : memref<2x64x128xf32, #tpu.memory_space<vmem>> -> memref<1x64x128xf32, #tpu.memory_space<vmem>>
      %dma_wait3A_256 = tpu.memref_squeeze %dma_wait3A_255 : memref<1x64x128xf32, #tpu.memory_space<vmem>> -> memref<64x128xf32, #tpu.memory_space<vmem>>
      tpu.wait_dma2 semaphore(%run_scoped3A_232 : memref<!tpu.dma_semaphore, #tpu.memory_space<semaphore_mem>>) src(%dma_wait3A_256 : memref<64x128xf32, #tpu.memory_space<vmem>>) dst(%dma_wait3A_252 : memref<64x128xf32, #tpu.memory_space<vmem_shared>>)
      tpu.yield
    }) : () -> ()
    "tpu.region"() ({
      %run_scoped3A_232 = tpu.sem_alloc : memref<!tpu.dma_semaphore, #tpu.memory_space<semaphore_mem>>
      %dma_start3A_233 = arith.constant 0 : i32
      %dma_start3A_234 = tpu.memref_slice %arg13[%add3A_32, %dma_start3A_233] : memref<10240x16xf32, #tpu.memory_space<vmem_shared>> -> memref<64x16xf32, #tpu.memory_space<vmem_shared>>
      %dma_start3A_235 = arith.constant 0 : i32
      %dma_start3A_236 = tpu.memref_slice %arg13[%add3A_32, %dma_start3A_235] : memref<10240x16xf32, #tpu.memory_space<vmem_shared>> -> memref<64x16xf32, #tpu.memory_space<vmem_shared>>
      tpu.enqueue_dma source(%arg11 : memref<64x16xf32, #tpu.memory_space<vmem>>) target(%dma_start3A_236 : memref<64x16xf32, #tpu.memory_space<vmem_shared>>) target_semaphore(%run_scoped3A_232 : memref<!tpu.dma_semaphore, #tpu.memory_space<semaphore_mem>>)
      %dma_wait3A_237 = arith.constant 0 : i32
      %dma_wait3A_238 = tpu.memref_slice %arg13[%add3A_32, %dma_wait3A_237] : memref<10240x16xf32, #tpu.memory_space<vmem_shared>> -> memref<64x16xf32, #tpu.memory_space<vmem_shared>>
      %dma_wait3A_239 = arith.constant 0 : i32
      %dma_wait3A_240 = tpu.memref_slice %arg13[%add3A_32, %dma_wait3A_239] : memref<10240x16xf32, #tpu.memory_space<vmem_shared>> -> memref<64x16xf32, #tpu.memory_space<vmem_shared>>
      tpu.wait_dma2 semaphore(%run_scoped3A_232 : memref<!tpu.dma_semaphore, #tpu.memory_space<semaphore_mem>>) src(%arg11 : memref<64x16xf32, #tpu.memory_space<vmem>>) dst(%dma_wait3A_240 : memref<64x16xf32, #tpu.memory_space<vmem_shared>>)
      tpu.yield
    }) : () -> ()
    "tpu.region"() ({
      %run_scoped3A_232 = tpu.sem_alloc : memref<!tpu.dma_semaphore, #tpu.memory_space<semaphore_mem>>
      %dma_start3A_233 = arith.constant 0 : i32
      %dma_start3A_234 = tpu.memref_slice %arg14[%add3A_32, %dma_start3A_233] : memref<10240x16xf32, #tpu.memory_space<vmem_shared>> -> memref<64x16xf32, #tpu.memory_space<vmem_shared>>
      %dma_start3A_235 = arith.constant 0 : i32
      %dma_start3A_236 = tpu.memref_slice %arg14[%add3A_32, %dma_start3A_235] : memref<10240x16xf32, #tpu.memory_space<vmem_shared>> -> memref<64x16xf32, #tpu.memory_space<vmem_shared>>
      tpu.enqueue_dma source(%arg11 : memref<64x16xf32, #tpu.memory_space<vmem>>) target(%dma_start3A_236 : memref<64x16xf32, #tpu.memory_space<vmem_shared>>) target_semaphore(%run_scoped3A_232 : memref<!tpu.dma_semaphore, #tpu.memory_space<semaphore_mem>>)
      %dma_wait3A_237 = arith.constant 0 : i32
      %dma_wait3A_238 = tpu.memref_slice %arg14[%add3A_32, %dma_wait3A_237] : memref<10240x16xf32, #tpu.memory_space<vmem_shared>> -> memref<64x16xf32, #tpu.memory_space<vmem_shared>>
      %dma_wait3A_239 = arith.constant 0 : i32
      %dma_wait3A_240 = tpu.memref_slice %arg14[%add3A_32, %dma_wait3A_239] : memref<10240x16xf32, #tpu.memory_space<vmem_shared>> -> memref<64x16xf32, #tpu.memory_space<vmem_shared>>
      tpu.wait_dma2 semaphore(%run_scoped3A_232 : memref<!tpu.dma_semaphore, #tpu.memory_space<semaphore_mem>>) src(%arg11 : memref<64x16xf32, #tpu.memory_space<vmem>>) dst(%dma_wait3A_240 : memref<64x16xf32, #tpu.memory_space<vmem_shared>>)
      tpu.yield
    }) : () -> ()
    %mul3A_34 = arith.constant 640 : i32
    %mul3A_35 = arith.muli %arg1, %mul3A_34 : i32
    %add3A_36 = arith.constant 384 : i32
    %add3A_37 = arith.addi %mul3A_35, %add3A_36 : i32
    %run_scoped3A_38 = arith.constant 0 : i32
    "tpu.region"() ({
      %run_scoped3A_232 = tpu.sem_alloc : memref<!tpu.dma_semaphore, #tpu.memory_space<semaphore_mem>>
      %dma_start3A_233 = arith.constant 0 : i32
      %dma_start3A_234 = arith.constant 0 : i32
      %dma_start3A_235 = tpu.memref_slice %arg9[%run_scoped3A_38, %dma_start3A_233, %dma_start3A_234] : memref<2x64x128xf32, #tpu.memory_space<vmem>> -> memref<1x64x128xf32, #tpu.memory_space<vmem>>
      %dma_start3A_236 = tpu.memref_squeeze %dma_start3A_235 : memref<1x64x128xf32, #tpu.memory_space<vmem>> -> memref<64x128xf32, #tpu.memory_space<vmem>>
      %dma_start3A_237 = arith.constant 0 : i32
      %dma_start3A_238 = tpu.memref_slice %arg12[%add3A_37, %dma_start3A_237] : memref<10240x128xf32, #tpu.memory_space<vmem_shared>> -> memref<64x128xf32, #tpu.memory_space<vmem_shared>>
      %dma_start3A_239 = arith.constant 0 : i32
      %dma_start3A_240 = tpu.memref_slice %arg12[%add3A_37, %dma_start3A_239] : memref<10240x128xf32, #tpu.memory_space<vmem_shared>> -> memref<64x128xf32, #tpu.memory_space<vmem_shared>>
      %dma_start3A_241 = arith.constant 0 : i32
      %dma_start3A_242 = arith.constant 0 : i32
      %dma_start3A_243 = tpu.memref_slice %arg9[%run_scoped3A_38, %dma_start3A_241, %dma_start3A_242] : memref<2x64x128xf32, #tpu.memory_space<vmem>> -> memref<1x64x128xf32, #tpu.memory_space<vmem>>
      %dma_start3A_244 = tpu.memref_squeeze %dma_start3A_243 : memref<1x64x128xf32, #tpu.memory_space<vmem>> -> memref<64x128xf32, #tpu.memory_space<vmem>>
      tpu.enqueue_dma source(%dma_start3A_244 : memref<64x128xf32, #tpu.memory_space<vmem>>) target(%dma_start3A_240 : memref<64x128xf32, #tpu.memory_space<vmem_shared>>) target_semaphore(%run_scoped3A_232 : memref<!tpu.dma_semaphore, #tpu.memory_space<semaphore_mem>>)
      %dma_wait3A_245 = arith.constant 0 : i32
      %dma_wait3A_246 = arith.constant 0 : i32
      %dma_wait3A_247 = tpu.memref_slice %arg9[%run_scoped3A_38, %dma_wait3A_245, %dma_wait3A_246] : memref<2x64x128xf32, #tpu.memory_space<vmem>> -> memref<1x64x128xf32, #tpu.memory_space<vmem>>
      %dma_wait3A_248 = tpu.memref_squeeze %dma_wait3A_247 : memref<1x64x128xf32, #tpu.memory_space<vmem>> -> memref<64x128xf32, #tpu.memory_space<vmem>>
      %dma_wait3A_249 = arith.constant 0 : i32
      %dma_wait3A_250 = tpu.memref_slice %arg12[%add3A_37, %dma_wait3A_249] : memref<10240x128xf32, #tpu.memory_space<vmem_shared>> -> memref<64x128xf32, #tpu.memory_space<vmem_shared>>
      %dma_wait3A_251 = arith.constant 0 : i32
      %dma_wait3A_252 = tpu.memref_slice %arg12[%add3A_37, %dma_wait3A_251] : memref<10240x128xf32, #tpu.memory_space<vmem_shared>> -> memref<64x128xf32, #tpu.memory_space<vmem_shared>>
      %dma_wait3A_253 = arith.constant 0 : i32
      %dma_wait3A_254 = arith.constant 0 : i32
      %dma_wait3A_255 = tpu.memref_slice %arg9[%run_scoped3A_38, %dma_wait3A_253, %dma_wait3A_254] : memref<2x64x128xf32, #tpu.memory_space<vmem>> -> memref<1x64x128xf32, #tpu.memory_space<vmem>>
      %dma_wait3A_256 = tpu.memref_squeeze %dma_wait3A_255 : memref<1x64x128xf32, #tpu.memory_space<vmem>> -> memref<64x128xf32, #tpu.memory_space<vmem>>
      tpu.wait_dma2 semaphore(%run_scoped3A_232 : memref<!tpu.dma_semaphore, #tpu.memory_space<semaphore_mem>>) src(%dma_wait3A_256 : memref<64x128xf32, #tpu.memory_space<vmem>>) dst(%dma_wait3A_252 : memref<64x128xf32, #tpu.memory_space<vmem_shared>>)
      tpu.yield
    }) : () -> ()
    "tpu.region"() ({
      %run_scoped3A_232 = tpu.sem_alloc : memref<!tpu.dma_semaphore, #tpu.memory_space<semaphore_mem>>
      %dma_start3A_233 = arith.constant 0 : i32
      %dma_start3A_234 = tpu.memref_slice %arg13[%add3A_37, %dma_start3A_233] : memref<10240x16xf32, #tpu.memory_space<vmem_shared>> -> memref<64x16xf32, #tpu.memory_space<vmem_shared>>
      %dma_start3A_235 = arith.constant 0 : i32
      %dma_start3A_236 = tpu.memref_slice %arg13[%add3A_37, %dma_start3A_235] : memref<10240x16xf32, #tpu.memory_space<vmem_shared>> -> memref<64x16xf32, #tpu.memory_space<vmem_shared>>
      tpu.enqueue_dma source(%arg11 : memref<64x16xf32, #tpu.memory_space<vmem>>) target(%dma_start3A_236 : memref<64x16xf32, #tpu.memory_space<vmem_shared>>) target_semaphore(%run_scoped3A_232 : memref<!tpu.dma_semaphore, #tpu.memory_space<semaphore_mem>>)
      %dma_wait3A_237 = arith.constant 0 : i32
      %dma_wait3A_238 = tpu.memref_slice %arg13[%add3A_37, %dma_wait3A_237] : memref<10240x16xf32, #tpu.memory_space<vmem_shared>> -> memref<64x16xf32, #tpu.memory_space<vmem_shared>>
      %dma_wait3A_239 = arith.constant 0 : i32
      %dma_wait3A_240 = tpu.memref_slice %arg13[%add3A_37, %dma_wait3A_239] : memref<10240x16xf32, #tpu.memory_space<vmem_shared>> -> memref<64x16xf32, #tpu.memory_space<vmem_shared>>
      tpu.wait_dma2 semaphore(%run_scoped3A_232 : memref<!tpu.dma_semaphore, #tpu.memory_space<semaphore_mem>>) src(%arg11 : memref<64x16xf32, #tpu.memory_space<vmem>>) dst(%dma_wait3A_240 : memref<64x16xf32, #tpu.memory_space<vmem_shared>>)
      tpu.yield
    }) : () -> ()
    "tpu.region"() ({
      %run_scoped3A_232 = tpu.sem_alloc : memref<!tpu.dma_semaphore, #tpu.memory_space<semaphore_mem>>
      %dma_start3A_233 = arith.constant 0 : i32
      %dma_start3A_234 = tpu.memref_slice %arg14[%add3A_37, %dma_start3A_233] : memref<10240x16xf32, #tpu.memory_space<vmem_shared>> -> memref<64x16xf32, #tpu.memory_space<vmem_shared>>
      %dma_start3A_235 = arith.constant 0 : i32
      %dma_start3A_236 = tpu.memref_slice %arg14[%add3A_37, %dma_start3A_235] : memref<10240x16xf32, #tpu.memory_space<vmem_shared>> -> memref<64x16xf32, #tpu.memory_space<vmem_shared>>
      tpu.enqueue_dma source(%arg11 : memref<64x16xf32, #tpu.memory_space<vmem>>) target(%dma_start3A_236 : memref<64x16xf32, #tpu.memory_space<vmem_shared>>) target_semaphore(%run_scoped3A_232 : memref<!tpu.dma_semaphore, #tpu.memory_space<semaphore_mem>>)
      %dma_wait3A_237 = arith.constant 0 : i32
      %dma_wait3A_238 = tpu.memref_slice %arg14[%add3A_37, %dma_wait3A_237] : memref<10240x16xf32, #tpu.memory_space<vmem_shared>> -> memref<64x16xf32, #tpu.memory_space<vmem_shared>>
      %dma_wait3A_239 = arith.constant 0 : i32
      %dma_wait3A_240 = tpu.memref_slice %arg14[%add3A_37, %dma_wait3A_239] : memref<10240x16xf32, #tpu.memory_space<vmem_shared>> -> memref<64x16xf32, #tpu.memory_space<vmem_shared>>
      tpu.wait_dma2 semaphore(%run_scoped3A_232 : memref<!tpu.dma_semaphore, #tpu.memory_space<semaphore_mem>>) src(%arg11 : memref<64x16xf32, #tpu.memory_space<vmem>>) dst(%dma_wait3A_240 : memref<64x16xf32, #tpu.memory_space<vmem_shared>>)
      tpu.yield
    }) : () -> ()
    %mul3A_39 = arith.constant 640 : i32
    %mul3A_40 = arith.muli %arg1, %mul3A_39 : i32
    %add3A_41 = arith.constant 448 : i32
    %add3A_42 = arith.addi %mul3A_40, %add3A_41 : i32
    %run_scoped3A_43 = arith.constant 0 : i32
    "tpu.region"() ({
      %run_scoped3A_232 = tpu.sem_alloc : memref<!tpu.dma_semaphore, #tpu.memory_space<semaphore_mem>>
      %dma_start3A_233 = arith.constant 0 : i32
      %dma_start3A_234 = arith.constant 0 : i32
      %dma_start3A_235 = tpu.memref_slice %arg9[%run_scoped3A_43, %dma_start3A_233, %dma_start3A_234] : memref<2x64x128xf32, #tpu.memory_space<vmem>> -> memref<1x64x128xf32, #tpu.memory_space<vmem>>
      %dma_start3A_236 = tpu.memref_squeeze %dma_start3A_235 : memref<1x64x128xf32, #tpu.memory_space<vmem>> -> memref<64x128xf32, #tpu.memory_space<vmem>>
      %dma_start3A_237 = arith.constant 0 : i32
      %dma_start3A_238 = tpu.memref_slice %arg12[%add3A_42, %dma_start3A_237] : memref<10240x128xf32, #tpu.memory_space<vmem_shared>> -> memref<64x128xf32, #tpu.memory_space<vmem_shared>>
      %dma_start3A_239 = arith.constant 0 : i32
      %dma_start3A_240 = tpu.memref_slice %arg12[%add3A_42, %dma_start3A_239] : memref<10240x128xf32, #tpu.memory_space<vmem_shared>> -> memref<64x128xf32, #tpu.memory_space<vmem_shared>>
      %dma_start3A_241 = arith.constant 0 : i32
      %dma_start3A_242 = arith.constant 0 : i32
      %dma_start3A_243 = tpu.memref_slice %arg9[%run_scoped3A_43, %dma_start3A_241, %dma_start3A_242] : memref<2x64x128xf32, #tpu.memory_space<vmem>> -> memref<1x64x128xf32, #tpu.memory_space<vmem>>
      %dma_start3A_244 = tpu.memref_squeeze %dma_start3A_243 : memref<1x64x128xf32, #tpu.memory_space<vmem>> -> memref<64x128xf32, #tpu.memory_space<vmem>>
      tpu.enqueue_dma source(%dma_start3A_244 : memref<64x128xf32, #tpu.memory_space<vmem>>) target(%dma_start3A_240 : memref<64x128xf32, #tpu.memory_space<vmem_shared>>) target_semaphore(%run_scoped3A_232 : memref<!tpu.dma_semaphore, #tpu.memory_space<semaphore_mem>>)
      %dma_wait3A_245 = arith.constant 0 : i32
      %dma_wait3A_246 = arith.constant 0 : i32
      %dma_wait3A_247 = tpu.memref_slice %arg9[%run_scoped3A_43, %dma_wait3A_245, %dma_wait3A_246] : memref<2x64x128xf32, #tpu.memory_space<vmem>> -> memref<1x64x128xf32, #tpu.memory_space<vmem>>
      %dma_wait3A_248 = tpu.memref_squeeze %dma_wait3A_247 : memref<1x64x128xf32, #tpu.memory_space<vmem>> -> memref<64x128xf32, #tpu.memory_space<vmem>>
      %dma_wait3A_249 = arith.constant 0 : i32
      %dma_wait3A_250 = tpu.memref_slice %arg12[%add3A_42, %dma_wait3A_249] : memref<10240x128xf32, #tpu.memory_space<vmem_shared>> -> memref<64x128xf32, #tpu.memory_space<vmem_shared>>
      %dma_wait3A_251 = arith.constant 0 : i32
      %dma_wait3A_252 = tpu.memref_slice %arg12[%add3A_42, %dma_wait3A_251] : memref<10240x128xf32, #tpu.memory_space<vmem_shared>> -> memref<64x128xf32, #tpu.memory_space<vmem_shared>>
      %dma_wait3A_253 = arith.constant 0 : i32
      %dma_wait3A_254 = arith.constant 0 : i32
      %dma_wait3A_255 = tpu.memref_slice %arg9[%run_scoped3A_43, %dma_wait3A_253, %dma_wait3A_254] : memref<2x64x128xf32, #tpu.memory_space<vmem>> -> memref<1x64x128xf32, #tpu.memory_space<vmem>>
      %dma_wait3A_256 = tpu.memref_squeeze %dma_wait3A_255 : memref<1x64x128xf32, #tpu.memory_space<vmem>> -> memref<64x128xf32, #tpu.memory_space<vmem>>
      tpu.wait_dma2 semaphore(%run_scoped3A_232 : memref<!tpu.dma_semaphore, #tpu.memory_space<semaphore_mem>>) src(%dma_wait3A_256 : memref<64x128xf32, #tpu.memory_space<vmem>>) dst(%dma_wait3A_252 : memref<64x128xf32, #tpu.memory_space<vmem_shared>>)
      tpu.yield
    }) : () -> ()
    "tpu.region"() ({
      %run_scoped3A_232 = tpu.sem_alloc : memref<!tpu.dma_semaphore, #tpu.memory_space<semaphore_mem>>
      %dma_start3A_233 = arith.constant 0 : i32
      %dma_start3A_234 = tpu.memref_slice %arg13[%add3A_42, %dma_start3A_233] : memref<10240x16xf32, #tpu.memory_space<vmem_shared>> -> memref<64x16xf32, #tpu.memory_space<vmem_shared>>
      %dma_start3A_235 = arith.constant 0 : i32
      %dma_start3A_236 = tpu.memref_slice %arg13[%add3A_42, %dma_start3A_235] : memref<10240x16xf32, #tpu.memory_space<vmem_shared>> -> memref<64x16xf32, #tpu.memory_space<vmem_shared>>
      tpu.enqueue_dma source(%arg11 : memref<64x16xf32, #tpu.memory_space<vmem>>) target(%dma_start3A_236 : memref<64x16xf32, #tpu.memory_space<vmem_shared>>) target_semaphore(%run_scoped3A_232 : memref<!tpu.dma_semaphore, #tpu.memory_space<semaphore_mem>>)
      %dma_wait3A_237 = arith.constant 0 : i32
      %dma_wait3A_238 = tpu.memref_slice %arg13[%add3A_42, %dma_wait3A_237] : memref<10240x16xf32, #tpu.memory_space<vmem_shared>> -> memref<64x16xf32, #tpu.memory_space<vmem_shared>>
      %dma_wait3A_239 = arith.constant 0 : i32
      %dma_wait3A_240 = tpu.memref_slice %arg13[%add3A_42, %dma_wait3A_239] : memref<10240x16xf32, #tpu.memory_space<vmem_shared>> -> memref<64x16xf32, #tpu.memory_space<vmem_shared>>
      tpu.wait_dma2 semaphore(%run_scoped3A_232 : memref<!tpu.dma_semaphore, #tpu.memory_space<semaphore_mem>>) src(%arg11 : memref<64x16xf32, #tpu.memory_space<vmem>>) dst(%dma_wait3A_240 : memref<64x16xf32, #tpu.memory_space<vmem_shared>>)
      tpu.yield
    }) : () -> ()
    "tpu.region"() ({
      %run_scoped3A_232 = tpu.sem_alloc : memref<!tpu.dma_semaphore, #tpu.memory_space<semaphore_mem>>
      %dma_start3A_233 = arith.constant 0 : i32
      %dma_start3A_234 = tpu.memref_slice %arg14[%add3A_42, %dma_start3A_233] : memref<10240x16xf32, #tpu.memory_space<vmem_shared>> -> memref<64x16xf32, #tpu.memory_space<vmem_shared>>
      %dma_start3A_235 = arith.constant 0 : i32
      %dma_start3A_236 = tpu.memref_slice %arg14[%add3A_42, %dma_start3A_235] : memref<10240x16xf32, #tpu.memory_space<vmem_shared>> -> memref<64x16xf32, #tpu.memory_space<vmem_shared>>
      tpu.enqueue_dma source(%arg11 : memref<64x16xf32, #tpu.memory_space<vmem>>) target(%dma_start3A_236 : memref<64x16xf32, #tpu.memory_space<vmem_shared>>) target_semaphore(%run_scoped3A_232 : memref<!tpu.dma_semaphore, #tpu.memory_space<semaphore_mem>>)
      %dma_wait3A_237 = arith.constant 0 : i32
      %dma_wait3A_238 = tpu.memref_slice %arg14[%add3A_42, %dma_wait3A_237] : memref<10240x16xf32, #tpu.memory_space<vmem_shared>> -> memref<64x16xf32, #tpu.memory_space<vmem_shared>>
      %dma_wait3A_239 = arith.constant 0 : i32
      %dma_wait3A_240 = tpu.memref_slice %arg14[%add3A_42, %dma_wait3A_239] : memref<10240x16xf32, #tpu.memory_space<vmem_shared>> -> memref<64x16xf32, #tpu.memory_space<vmem_shared>>
      tpu.wait_dma2 semaphore(%run_scoped3A_232 : memref<!tpu.dma_semaphore, #tpu.memory_space<semaphore_mem>>) src(%arg11 : memref<64x16xf32, #tpu.memory_space<vmem>>) dst(%dma_wait3A_240 : memref<64x16xf32, #tpu.memory_space<vmem_shared>>)
      tpu.yield
    }) : () -> ()
    %mul3A_44 = arith.constant 640 : i32
    %mul3A_45 = arith.muli %arg1, %mul3A_44 : i32
    %add3A_46 = arith.constant 512 : i32
    %add3A_47 = arith.addi %mul3A_45, %add3A_46 : i32
    %run_scoped3A_48 = arith.constant 0 : i32
    "tpu.region"() ({
      %run_scoped3A_232 = tpu.sem_alloc : memref<!tpu.dma_semaphore, #tpu.memory_space<semaphore_mem>>
      %dma_start3A_233 = arith.constant 0 : i32
      %dma_start3A_234 = arith.constant 0 : i32
      %dma_start3A_235 = tpu.memref_slice %arg9[%run_scoped3A_48, %dma_start3A_233, %dma_start3A_234] : memref<2x64x128xf32, #tpu.memory_space<vmem>> -> memref<1x64x128xf32, #tpu.memory_space<vmem>>
      %dma_start3A_236 = tpu.memref_squeeze %dma_start3A_235 : memref<1x64x128xf32, #tpu.memory_space<vmem>> -> memref<64x128xf32, #tpu.memory_space<vmem>>
      %dma_start3A_237 = arith.constant 0 : i32
      %dma_start3A_238 = tpu.memref_slice %arg12[%add3A_47, %dma_start3A_237] : memref<10240x128xf32, #tpu.memory_space<vmem_shared>> -> memref<64x128xf32, #tpu.memory_space<vmem_shared>>
      %dma_start3A_239 = arith.constant 0 : i32
      %dma_start3A_240 = tpu.memref_slice %arg12[%add3A_47, %dma_start3A_239] : memref<10240x128xf32, #tpu.memory_space<vmem_shared>> -> memref<64x128xf32, #tpu.memory_space<vmem_shared>>
      %dma_start3A_241 = arith.constant 0 : i32
      %dma_start3A_242 = arith.constant 0 : i32
      %dma_start3A_243 = tpu.memref_slice %arg9[%run_scoped3A_48, %dma_start3A_241, %dma_start3A_242] : memref<2x64x128xf32, #tpu.memory_space<vmem>> -> memref<1x64x128xf32, #tpu.memory_space<vmem>>
      %dma_start3A_244 = tpu.memref_squeeze %dma_start3A_243 : memref<1x64x128xf32, #tpu.memory_space<vmem>> -> memref<64x128xf32, #tpu.memory_space<vmem>>
      tpu.enqueue_dma source(%dma_start3A_244 : memref<64x128xf32, #tpu.memory_space<vmem>>) target(%dma_start3A_240 : memref<64x128xf32, #tpu.memory_space<vmem_shared>>) target_semaphore(%run_scoped3A_232 : memref<!tpu.dma_semaphore, #tpu.memory_space<semaphore_mem>>)
      %dma_wait3A_245 = arith.constant 0 : i32
      %dma_wait3A_246 = arith.constant 0 : i32
      %dma_wait3A_247 = tpu.memref_slice %arg9[%run_scoped3A_48, %dma_wait3A_245, %dma_wait3A_246] : memref<2x64x128xf32, #tpu.memory_space<vmem>> -> memref<1x64x128xf32, #tpu.memory_space<vmem>>
      %dma_wait3A_248 = tpu.memref_squeeze %dma_wait3A_247 : memref<1x64x128xf32, #tpu.memory_space<vmem>> -> memref<64x128xf32, #tpu.memory_space<vmem>>
      %dma_wait3A_249 = arith.constant 0 : i32
      %dma_wait3A_250 = tpu.memref_slice %arg12[%add3A_47, %dma_wait3A_249] : memref<10240x128xf32, #tpu.memory_space<vmem_shared>> -> memref<64x128xf32, #tpu.memory_space<vmem_shared>>
      %dma_wait3A_251 = arith.constant 0 : i32
      %dma_wait3A_252 = tpu.memref_slice %arg12[%add3A_47, %dma_wait3A_251] : memref<10240x128xf32, #tpu.memory_space<vmem_shared>> -> memref<64x128xf32, #tpu.memory_space<vmem_shared>>
      %dma_wait3A_253 = arith.constant 0 : i32
      %dma_wait3A_254 = arith.constant 0 : i32
      %dma_wait3A_255 = tpu.memref_slice %arg9[%run_scoped3A_48, %dma_wait3A_253, %dma_wait3A_254] : memref<2x64x128xf32, #tpu.memory_space<vmem>> -> memref<1x64x128xf32, #tpu.memory_space<vmem>>
      %dma_wait3A_256 = tpu.memref_squeeze %dma_wait3A_255 : memref<1x64x128xf32, #tpu.memory_space<vmem>> -> memref<64x128xf32, #tpu.memory_space<vmem>>
      tpu.wait_dma2 semaphore(%run_scoped3A_232 : memref<!tpu.dma_semaphore, #tpu.memory_space<semaphore_mem>>) src(%dma_wait3A_256 : memref<64x128xf32, #tpu.memory_space<vmem>>) dst(%dma_wait3A_252 : memref<64x128xf32, #tpu.memory_space<vmem_shared>>)
      tpu.yield
    }) : () -> ()
    "tpu.region"() ({
      %run_scoped3A_232 = tpu.sem_alloc : memref<!tpu.dma_semaphore, #tpu.memory_space<semaphore_mem>>
      %dma_start3A_233 = arith.constant 0 : i32
      %dma_start3A_234 = tpu.memref_slice %arg13[%add3A_47, %dma_start3A_233] : memref<10240x16xf32, #tpu.memory_space<vmem_shared>> -> memref<64x16xf32, #tpu.memory_space<vmem_shared>>
      %dma_start3A_235 = arith.constant 0 : i32
      %dma_start3A_236 = tpu.memref_slice %arg13[%add3A_47, %dma_start3A_235] : memref<10240x16xf32, #tpu.memory_space<vmem_shared>> -> memref<64x16xf32, #tpu.memory_space<vmem_shared>>
      tpu.enqueue_dma source(%arg11 : memref<64x16xf32, #tpu.memory_space<vmem>>) target(%dma_start3A_236 : memref<64x16xf32, #tpu.memory_space<vmem_shared>>) target_semaphore(%run_scoped3A_232 : memref<!tpu.dma_semaphore, #tpu.memory_space<semaphore_mem>>)
      %dma_wait3A_237 = arith.constant 0 : i32
      %dma_wait3A_238 = tpu.memref_slice %arg13[%add3A_47, %dma_wait3A_237] : memref<10240x16xf32, #tpu.memory_space<vmem_shared>> -> memref<64x16xf32, #tpu.memory_space<vmem_shared>>
      %dma_wait3A_239 = arith.constant 0 : i32
      %dma_wait3A_240 = tpu.memref_slice %arg13[%add3A_47, %dma_wait3A_239] : memref<10240x16xf32, #tpu.memory_space<vmem_shared>> -> memref<64x16xf32, #tpu.memory_space<vmem_shared>>
      tpu.wait_dma2 semaphore(%run_scoped3A_232 : memref<!tpu.dma_semaphore, #tpu.memory_space<semaphore_mem>>) src(%arg11 : memref<64x16xf32, #tpu.memory_space<vmem>>) dst(%dma_wait3A_240 : memref<64x16xf32, #tpu.memory_space<vmem_shared>>)
      tpu.yield
    }) : () -> ()
    "tpu.region"() ({
      %run_scoped3A_232 = tpu.sem_alloc : memref<!tpu.dma_semaphore, #tpu.memory_space<semaphore_mem>>
      %dma_start3A_233 = arith.constant 0 : i32
      %dma_start3A_234 = tpu.memref_slice %arg14[%add3A_47, %dma_start3A_233] : memref<10240x16xf32, #tpu.memory_space<vmem_shared>> -> memref<64x16xf32, #tpu.memory_space<vmem_shared>>
      %dma_start3A_235 = arith.constant 0 : i32
      %dma_start3A_236 = tpu.memref_slice %arg14[%add3A_47, %dma_start3A_235] : memref<10240x16xf32, #tpu.memory_space<vmem_shared>> -> memref<64x16xf32, #tpu.memory_space<vmem_shared>>
      tpu.enqueue_dma source(%arg11 : memref<64x16xf32, #tpu.memory_space<vmem>>) target(%dma_start3A_236 : memref<64x16xf32, #tpu.memory_space<vmem_shared>>) target_semaphore(%run_scoped3A_232 : memref<!tpu.dma_semaphore, #tpu.memory_space<semaphore_mem>>)
      %dma_wait3A_237 = arith.constant 0 : i32
      %dma_wait3A_238 = tpu.memref_slice %arg14[%add3A_47, %dma_wait3A_237] : memref<10240x16xf32, #tpu.memory_space<vmem_shared>> -> memref<64x16xf32, #tpu.memory_space<vmem_shared>>
      %dma_wait3A_239 = arith.constant 0 : i32
      %dma_wait3A_240 = tpu.memref_slice %arg14[%add3A_47, %dma_wait3A_239] : memref<10240x16xf32, #tpu.memory_space<vmem_shared>> -> memref<64x16xf32, #tpu.memory_space<vmem_shared>>
      tpu.wait_dma2 semaphore(%run_scoped3A_232 : memref<!tpu.dma_semaphore, #tpu.memory_space<semaphore_mem>>) src(%arg11 : memref<64x16xf32, #tpu.memory_space<vmem>>) dst(%dma_wait3A_240 : memref<64x16xf32, #tpu.memory_space<vmem_shared>>)
      tpu.yield
    }) : () -> ()
    %mul3A_49 = arith.constant 640 : i32
    %mul3A_50 = arith.muli %arg1, %mul3A_49 : i32
    %add3A_51 = arith.constant 576 : i32
    %add3A_52 = arith.addi %mul3A_50, %add3A_51 : i32
    %run_scoped3A_53 = arith.constant 0 : i32
    "tpu.region"() ({
      %run_scoped3A_232 = tpu.sem_alloc : memref<!tpu.dma_semaphore, #tpu.memory_space<semaphore_mem>>
      %dma_start3A_233 = arith.constant 0 : i32
      %dma_start3A_234 = arith.constant 0 : i32
      %dma_start3A_235 = tpu.memref_slice %arg9[%run_scoped3A_53, %dma_start3A_233, %dma_start3A_234] : memref<2x64x128xf32, #tpu.memory_space<vmem>> -> memref<1x64x128xf32, #tpu.memory_space<vmem>>
      %dma_start3A_236 = tpu.memref_squeeze %dma_start3A_235 : memref<1x64x128xf32, #tpu.memory_space<vmem>> -> memref<64x128xf32, #tpu.memory_space<vmem>>
      %dma_start3A_237 = arith.constant 0 : i32
      %dma_start3A_238 = tpu.memref_slice %arg12[%add3A_52, %dma_start3A_237] : memref<10240x128xf32, #tpu.memory_space<vmem_shared>> -> memref<64x128xf32, #tpu.memory_space<vmem_shared>>
      %dma_start3A_239 = arith.constant 0 : i32
      %dma_start3A_240 = tpu.memref_slice %arg12[%add3A_52, %dma_start3A_239] : memref<10240x128xf32, #tpu.memory_space<vmem_shared>> -> memref<64x128xf32, #tpu.memory_space<vmem_shared>>
      %dma_start3A_241 = arith.constant 0 : i32
      %dma_start3A_242 = arith.constant 0 : i32
      %dma_start3A_243 = tpu.memref_slice %arg9[%run_scoped3A_53, %dma_start3A_241, %dma_start3A_242] : memref<2x64x128xf32, #tpu.memory_space<vmem>> -> memref<1x64x128xf32, #tpu.memory_space<vmem>>
      %dma_start3A_244 = tpu.memref_squeeze %dma_start3A_243 : memref<1x64x128xf32, #tpu.memory_space<vmem>> -> memref<64x128xf32, #tpu.memory_space<vmem>>
      tpu.enqueue_dma source(%dma_start3A_244 : memref<64x128xf32, #tpu.memory_space<vmem>>) target(%dma_start3A_240 : memref<64x128xf32, #tpu.memory_space<vmem_shared>>) target_semaphore(%run_scoped3A_232 : memref<!tpu.dma_semaphore, #tpu.memory_space<semaphore_mem>>)
      %dma_wait3A_245 = arith.constant 0 : i32
      %dma_wait3A_246 = arith.constant 0 : i32
      %dma_wait3A_247 = tpu.memref_slice %arg9[%run_scoped3A_53, %dma_wait3A_245, %dma_wait3A_246] : memref<2x64x128xf32, #tpu.memory_space<vmem>> -> memref<1x64x128xf32, #tpu.memory_space<vmem>>
      %dma_wait3A_248 = tpu.memref_squeeze %dma_wait3A_247 : memref<1x64x128xf32, #tpu.memory_space<vmem>> -> memref<64x128xf32, #tpu.memory_space<vmem>>
      %dma_wait3A_249 = arith.constant 0 : i32
      %dma_wait3A_250 = tpu.memref_slice %arg12[%add3A_52, %dma_wait3A_249] : memref<10240x128xf32, #tpu.memory_space<vmem_shared>> -> memref<64x128xf32, #tpu.memory_space<vmem_shared>>
      %dma_wait3A_251 = arith.constant 0 : i32
      %dma_wait3A_252 = tpu.memref_slice %arg12[%add3A_52, %dma_wait3A_251] : memref<10240x128xf32, #tpu.memory_space<vmem_shared>> -> memref<64x128xf32, #tpu.memory_space<vmem_shared>>
      %dma_wait3A_253 = arith.constant 0 : i32
      %dma_wait3A_254 = arith.constant 0 : i32
      %dma_wait3A_255 = tpu.memref_slice %arg9[%run_scoped3A_53, %dma_wait3A_253, %dma_wait3A_254] : memref<2x64x128xf32, #tpu.memory_space<vmem>> -> memref<1x64x128xf32, #tpu.memory_space<vmem>>
      %dma_wait3A_256 = tpu.memref_squeeze %dma_wait3A_255 : memref<1x64x128xf32, #tpu.memory_space<vmem>> -> memref<64x128xf32, #tpu.memory_space<vmem>>
      tpu.wait_dma2 semaphore(%run_scoped3A_232 : memref<!tpu.dma_semaphore, #tpu.memory_space<semaphore_mem>>) src(%dma_wait3A_256 : memref<64x128xf32, #tpu.memory_space<vmem>>) dst(%dma_wait3A_252 : memref<64x128xf32, #tpu.memory_space<vmem_shared>>)
      tpu.yield
    }) : () -> ()
    "tpu.region"() ({
      %run_scoped3A_232 = tpu.sem_alloc : memref<!tpu.dma_semaphore, #tpu.memory_space<semaphore_mem>>
      %dma_start3A_233 = arith.constant 0 : i32
      %dma_start3A_234 = tpu.memref_slice %arg13[%add3A_52, %dma_start3A_233] : memref<10240x16xf32, #tpu.memory_space<vmem_shared>> -> memref<64x16xf32, #tpu.memory_space<vmem_shared>>
      %dma_start3A_235 = arith.constant 0 : i32
      %dma_start3A_236 = tpu.memref_slice %arg13[%add3A_52, %dma_start3A_235] : memref<10240x16xf32, #tpu.memory_space<vmem_shared>> -> memref<64x16xf32, #tpu.memory_space<vmem_shared>>
      tpu.enqueue_dma source(%arg11 : memref<64x16xf32, #tpu.memory_space<vmem>>) target(%dma_start3A_236 : memref<64x16xf32, #tpu.memory_space<vmem_shared>>) target_semaphore(%run_scoped3A_232 : memref<!tpu.dma_semaphore, #tpu.memory_space<semaphore_mem>>)
      %dma_wait3A_237 = arith.constant 0 : i32
      %dma_wait3A_238 = tpu.memref_slice %arg13[%add3A_52, %dma_wait3A_237] : memref<10240x16xf32, #tpu.memory_space<vmem_shared>> -> memref<64x16xf32, #tpu.memory_space<vmem_shared>>
      %dma_wait3A_239 = arith.constant 0 : i32
      %dma_wait3A_240 = tpu.memref_slice %arg13[%add3A_52, %dma_wait3A_239] : memref<10240x16xf32, #tpu.memory_space<vmem_shared>> -> memref<64x16xf32, #tpu.memory_space<vmem_shared>>
      tpu.wait_dma2 semaphore(%run_scoped3A_232 : memref<!tpu.dma_semaphore, #tpu.memory_space<semaphore_mem>>) src(%arg11 : memref<64x16xf32, #tpu.memory_space<vmem>>) dst(%dma_wait3A_240 : memref<64x16xf32, #tpu.memory_space<vmem_shared>>)
      tpu.yield
    }) : () -> ()
    "tpu.region"() ({
      %run_scoped3A_232 = tpu.sem_alloc : memref<!tpu.dma_semaphore, #tpu.memory_space<semaphore_mem>>
      %dma_start3A_233 = arith.constant 0 : i32
      %dma_start3A_234 = tpu.memref_slice %arg14[%add3A_52, %dma_start3A_233] : memref<10240x16xf32, #tpu.memory_space<vmem_shared>> -> memref<64x16xf32, #tpu.memory_space<vmem_shared>>
      %dma_start3A_235 = arith.constant 0 : i32
      %dma_start3A_236 = tpu.memref_slice %arg14[%add3A_52, %dma_start3A_235] : memref<10240x16xf32, #tpu.memory_space<vmem_shared>> -> memref<64x16xf32, #tpu.memory_space<vmem_shared>>
      tpu.enqueue_dma source(%arg11 : memref<64x16xf32, #tpu.memory_space<vmem>>) target(%dma_start3A_236 : memref<64x16xf32, #tpu.memory_space<vmem_shared>>) target_semaphore(%run_scoped3A_232 : memref<!tpu.dma_semaphore, #tpu.memory_space<semaphore_mem>>)
      %dma_wait3A_237 = arith.constant 0 : i32
      %dma_wait3A_238 = tpu.memref_slice %arg14[%add3A_52, %dma_wait3A_237] : memref<10240x16xf32, #tpu.memory_space<vmem_shared>> -> memref<64x16xf32, #tpu.memory_space<vmem_shared>>
      %dma_wait3A_239 = arith.constant 0 : i32
      %dma_wait3A_240 = tpu.memref_slice %arg14[%add3A_52, %dma_wait3A_239] : memref<10240x16xf32, #tpu.memory_space<vmem_shared>> -> memref<64x16xf32, #tpu.memory_space<vmem_shared>>
      tpu.wait_dma2 semaphore(%run_scoped3A_232 : memref<!tpu.dma_semaphore, #tpu.memory_space<semaphore_mem>>) src(%arg11 : memref<64x16xf32, #tpu.memory_space<vmem>>) dst(%dma_wait3A_240 : memref<64x16xf32, #tpu.memory_space<vmem_shared>>)
      tpu.yield
    }) : () -> ()
    %barrier3A = arith.constant 0 : index
    tpu.barrier barrier_id(%barrier3A)
    %scan3A_54 = arith.constant 0 : i32
    %scan3A_55 = arith.constant 64 : i32
    %scan3A_56 = arith.addi %scan3A_54, %scan3A_55 : i32
    %scan3A_57 = arith.constant 1 : i32
    scf.for %scan3A_232 = %scan3A_54 to %scan3A_56 step %scan3A_57  : i32 {
      %mul3A_233 = arith.constant 1 : i32
      %mul3A_234 = arith.muli %scan3A_232, %mul3A_233 : i32
      %add3A_235 = arith.constant 0 : i32
      %add3A_236 = arith.addi %add3A_235, %mul3A_234 : i32
      %broadcast_in_dim3A = arith.constant 1.000000e+00 : f32
      %broadcast_in_dim3A_237 = vector.broadcast %broadcast_in_dim3A : f32 to vector<1x16xf32>
      %swap3A = arith.index_cast %add3A_236 : i32 to index
      %swap3A_238 = arith.constant 0 : index
      %swap3A_239 = tpu.vector_load %arg11[%swap3A, %swap3A_238] {strides = array<i32>} : memref<64x16xf32, #tpu.memory_space<vmem>>, vector<1x16xf32>,
      %swap3A_240 = vector.shape_cast %swap3A_239 : vector<1x16xf32> to vector<1x16xf32>
      %swap3A_241 = vector.shape_cast %broadcast_in_dim3A_237 : vector<1x16xf32> to vector<1x16xf32>
      tpu.vector_store %arg11[%swap3A, %swap3A_238], %swap3A_241 {strides = array<i32>} : memref<64x16xf32, #tpu.memory_space<vmem>>, vector<1x16xf32>,
    }
    %scan3A_58 = arith.constant 64 : i32
    %dma_start3A = arith.constant 0 : i32
    %dma_start3A_59 = arith.constant 0 : i32
    %dma_start3A_60 = arith.constant 0 : i32
    %dma_start3A_61 = arith.constant 0 : i32
    %dma_start3A_62 = tpu.memref_slice %arg8[%dma_start3A_59, %dma_start3A_60, %dma_start3A_61] : memref<4x2x64xi32, #tpu.memory_space<vmem>> -> memref<1x2x64xi32, #tpu.memory_space<vmem>>
    %dma_start3A_63 = tpu.memref_squeeze %dma_start3A_62 : memref<1x2x64xi32, #tpu.memory_space<vmem>> -> memref<2x64xi32, #tpu.memory_space<vmem>>
    %dma_start3A_64 = arith.constant 0 : i32
    %dma_start3A_65 = arith.constant 0 : i32
    %dma_start3A_66 = tpu.memref_slice %arg3[%add3A, %dma_start3A, %dma_start3A_64, %dma_start3A_65] : memref<32x160x2x64xi32, #tpu.memory_space<hbm>> -> memref<1x1x2x64xi32, #tpu.memory_space<hbm>>
    %dma_start3A_67 = tpu.memref_squeeze %dma_start3A_66 : memref<1x1x2x64xi32, #tpu.memory_space<hbm>> -> memref<2x64xi32, #tpu.memory_space<hbm>>
    %dma_start3A_68 = arith.constant 0 : i32
    %dma_start3A_69 = arith.constant 0 : i32
    %dma_start3A_70 = tpu.memref_slice %arg8[%dma_start3A_59, %dma_start3A_68, %dma_start3A_69] : memref<4x2x64xi32, #tpu.memory_space<vmem>> -> memref<1x2x64xi32, #tpu.memory_space<vmem>>
    %dma_start3A_71 = tpu.memref_squeeze %dma_start3A_70 : memref<1x2x64xi32, #tpu.memory_space<vmem>> -> memref<2x64xi32, #tpu.memory_space<vmem>>
    %dma_start3A_72 = arith.constant 0 : i32
    %dma_start3A_73 = arith.constant 0 : i32
    %dma_start3A_74 = tpu.memref_slice %arg3[%add3A, %dma_start3A, %dma_start3A_72, %dma_start3A_73] : memref<32x160x2x64xi32, #tpu.memory_space<hbm>> -> memref<1x1x2x64xi32, #tpu.memory_space<hbm>>
    %dma_start3A_75 = tpu.memref_squeeze %dma_start3A_74 : memref<1x1x2x64xi32, #tpu.memory_space<hbm>> -> memref<2x64xi32, #tpu.memory_space<hbm>>
    tpu.enqueue_dma source(%dma_start3A_75 : memref<2x64xi32, #tpu.memory_space<hbm>>) target(%dma_start3A_71 : memref<2x64xi32, #tpu.memory_space<vmem>>) target_semaphore(%arg15 : memref<!tpu.dma_semaphore, #tpu.memory_space<semaphore_mem>>)
    %mul3A_76 = arith.constant 160 : i32
    %mul3A_77 = arith.muli %add3A, %mul3A_76 : i32
    %add3A_78 = arith.constant 0 : i32
    %add3A_79 = arith.addi %mul3A_77, %add3A_78 : i32
    %lt3A = arith.constant 5000 : i32
    %lt3A_80 = arith.cmpi slt, %add3A_79, %lt3A : i32
    %convert_element_type3A = arith.extui %lt3A_80 : i1 to i32
    %cond3A = arith.constant 0 : i32
    %cond3A_81 = arith.cmpi ne, %convert_element_type3A, %cond3A : i32
    scf.if %cond3A_81 {
      %mul3A_232 = arith.constant 64 : i32
      %mul3A_233 = arith.muli %add3A_79, %mul3A_232 : i32
      %dma_start3A_234 = arith.constant 0 : i32
      %dma_start3A_235 = arith.constant 0 : i32
      %dma_start3A_236 = arith.constant 0 : i32
      %dma_start3A_237 = tpu.memref_slice %arg10[%dma_start3A_234, %dma_start3A_235, %dma_start3A_236] : memref<4x64x16xf32, #tpu.memory_space<vmem>> -> memref<1x64x16xf32, #tpu.memory_space<vmem>>
      %dma_start3A_238 = tpu.memref_squeeze %dma_start3A_237 : memref<1x64x16xf32, #tpu.memory_space<vmem>> -> memref<64x16xf32, #tpu.memory_space<vmem>>
      %dma_start3A_239 = arith.constant 0 : i32
      %dma_start3A_240 = tpu.memref_slice %arg4[%mul3A_233, %dma_start3A_239] : memref<320000x16xf32, #tpu.memory_space<hbm>> -> memref<64x16xf32, #tpu.memory_space<hbm>>
      %dma_start3A_241 = arith.constant 0 : i32
      %dma_start3A_242 = arith.constant 0 : i32
      %dma_start3A_243 = tpu.memref_slice %arg10[%dma_start3A_234, %dma_start3A_241, %dma_start3A_242] : memref<4x64x16xf32, #tpu.memory_space<vmem>> -> memref<1x64x16xf32, #tpu.memory_space<vmem>>
      %dma_start3A_244 = tpu.memref_squeeze %dma_start3A_243 : memref<1x64x16xf32, #tpu.memory_space<vmem>> -> memref<64x16xf32, #tpu.memory_space<vmem>>
      %dma_start3A_245 = arith.constant 0 : i32
      %dma_start3A_246 = tpu.memref_slice %arg4[%mul3A_233, %dma_start3A_245] : memref<320000x16xf32, #tpu.memory_space<hbm>> -> memref<64x16xf32, #tpu.memory_space<hbm>>
      tpu.enqueue_dma source(%dma_start3A_246 : memref<64x16xf32, #tpu.memory_space<hbm>>) target(%dma_start3A_244 : memref<64x16xf32, #tpu.memory_space<vmem>>) target_semaphore(%arg19 : memref<!tpu.dma_semaphore, #tpu.memory_space<semaphore_mem>>)
    } else {
    }
    %dma_start3A_82 = arith.constant 1 : i32
    %dma_start3A_83 = arith.constant 1 : i32
    %dma_start3A_84 = arith.constant 0 : i32
    %dma_start3A_85 = arith.constant 0 : i32
    %dma_start3A_86 = tpu.memref_slice %arg8[%dma_start3A_83, %dma_start3A_84, %dma_start3A_85] : memref<4x2x64xi32, #tpu.memory_space<vmem>> -> memref<1x2x64xi32, #tpu.memory_space<vmem>>
    %dma_start3A_87 = tpu.memref_squeeze %dma_start3A_86 : memref<1x2x64xi32, #tpu.memory_space<vmem>> -> memref<2x64xi32, #tpu.memory_space<vmem>>
    %dma_start3A_88 = arith.constant 0 : i32
    %dma_start3A_89 = arith.constant 0 : i32
    %dma_start3A_90 = tpu.memref_slice %arg3[%add3A, %dma_start3A_82, %dma_start3A_88, %dma_start3A_89] : memref<32x160x2x64xi32, #tpu.memory_space<hbm>> -> memref<1x1x2x64xi32, #tpu.memory_space<hbm>>
    %dma_start3A_91 = tpu.memref_squeeze %dma_start3A_90 : memref<1x1x2x64xi32, #tpu.memory_space<hbm>> -> memref<2x64xi32, #tpu.memory_space<hbm>>
    %dma_start3A_92 = arith.constant 0 : i32
    %dma_start3A_93 = arith.constant 0 : i32
    %dma_start3A_94 = tpu.memref_slice %arg8[%dma_start3A_83, %dma_start3A_92, %dma_start3A_93] : memref<4x2x64xi32, #tpu.memory_space<vmem>> -> memref<1x2x64xi32, #tpu.memory_space<vmem>>
    %dma_start3A_95 = tpu.memref_squeeze %dma_start3A_94 : memref<1x2x64xi32, #tpu.memory_space<vmem>> -> memref<2x64xi32, #tpu.memory_space<vmem>>
    %dma_start3A_96 = arith.constant 0 : i32
    %dma_start3A_97 = arith.constant 0 : i32
    %dma_start3A_98 = tpu.memref_slice %arg3[%add3A, %dma_start3A_82, %dma_start3A_96, %dma_start3A_97] : memref<32x160x2x64xi32, #tpu.memory_space<hbm>> -> memref<1x1x2x64xi32, #tpu.memory_space<hbm>>
    %dma_start3A_99 = tpu.memref_squeeze %dma_start3A_98 : memref<1x1x2x64xi32, #tpu.memory_space<hbm>> -> memref<2x64xi32, #tpu.memory_space<hbm>>
    tpu.enqueue_dma source(%dma_start3A_99 : memref<2x64xi32, #tpu.memory_space<hbm>>) target(%dma_start3A_95 : memref<2x64xi32, #tpu.memory_space<vmem>>) target_semaphore(%arg16 : memref<!tpu.dma_semaphore, #tpu.memory_space<semaphore_mem>>)
    %mul3A_100 = arith.constant 160 : i32
    %mul3A_101 = arith.muli %add3A, %mul3A_100 : i32
    %add3A_102 = arith.constant 1 : i32
    %add3A_103 = arith.addi %mul3A_101, %add3A_102 : i32
    %lt3A_104 = arith.constant 5000 : i32
    %lt3A_105 = arith.cmpi slt, %add3A_103, %lt3A_104 : i32
    %convert_element_type3A_106 = arith.extui %lt3A_105 : i1 to i32
    %cond3A_107 = arith.constant 0 : i32
    %cond3A_108 = arith.cmpi ne, %convert_element_type3A_106, %cond3A_107 : i32
    scf.if %cond3A_108 {
      %mul3A_232 = arith.constant 64 : i32
      %mul3A_233 = arith.muli %add3A_103, %mul3A_232 : i32
      %dma_start3A_234 = arith.constant 1 : i32
      %dma_start3A_235 = arith.constant 0 : i32
      %dma_start3A_236 = arith.constant 0 : i32
      %dma_start3A_237 = tpu.memref_slice %arg10[%dma_start3A_234, %dma_start3A_235, %dma_start3A_236] : memref<4x64x16xf32, #tpu.memory_space<vmem>> -> memref<1x64x16xf32, #tpu.memory_space<vmem>>
      %dma_start3A_238 = tpu.memref_squeeze %dma_start3A_237 : memref<1x64x16xf32, #tpu.memory_space<vmem>> -> memref<64x16xf32, #tpu.memory_space<vmem>>
      %dma_start3A_239 = arith.constant 0 : i32
      %dma_start3A_240 = tpu.memref_slice %arg4[%mul3A_233, %dma_start3A_239] : memref<320000x16xf32, #tpu.memory_space<hbm>> -> memref<64x16xf32, #tpu.memory_space<hbm>>
      %dma_start3A_241 = arith.constant 0 : i32
      %dma_start3A_242 = arith.constant 0 : i32
      %dma_start3A_243 = tpu.memref_slice %arg10[%dma_start3A_234, %dma_start3A_241, %dma_start3A_242] : memref<4x64x16xf32, #tpu.memory_space<vmem>> -> memref<1x64x16xf32, #tpu.memory_space<vmem>>
      %dma_start3A_244 = tpu.memref_squeeze %dma_start3A_243 : memref<1x64x16xf32, #tpu.memory_space<vmem>> -> memref<64x16xf32, #tpu.memory_space<vmem>>
      %dma_start3A_245 = arith.constant 0 : i32
      %dma_start3A_246 = tpu.memref_slice %arg4[%mul3A_233, %dma_start3A_245] : memref<320000x16xf32, #tpu.memory_space<hbm>> -> memref<64x16xf32, #tpu.memory_space<hbm>>
      tpu.enqueue_dma source(%dma_start3A_246 : memref<64x16xf32, #tpu.memory_space<hbm>>) target(%dma_start3A_244 : memref<64x16xf32, #tpu.memory_space<vmem>>) target_semaphore(%arg20 : memref<!tpu.dma_semaphore, #tpu.memory_space<semaphore_mem>>)
    } else {
    }
    %dma_start3A_109 = arith.constant 2 : i32
    %dma_start3A_110 = arith.constant 2 : i32
    %dma_start3A_111 = arith.constant 0 : i32
    %dma_start3A_112 = arith.constant 0 : i32
    %dma_start3A_113 = tpu.memref_slice %arg8[%dma_start3A_110, %dma_start3A_111, %dma_start3A_112] : memref<4x2x64xi32, #tpu.memory_space<vmem>> -> memref<1x2x64xi32, #tpu.memory_space<vmem>>
    %dma_start3A_114 = tpu.memref_squeeze %dma_start3A_113 : memref<1x2x64xi32, #tpu.memory_space<vmem>> -> memref<2x64xi32, #tpu.memory_space<vmem>>
    %dma_start3A_115 = arith.constant 0 : i32
    %dma_start3A_116 = arith.constant 0 : i32
    %dma_start3A_117 = tpu.memref_slice %arg3[%add3A, %dma_start3A_109, %dma_start3A_115, %dma_start3A_116] : memref<32x160x2x64xi32, #tpu.memory_space<hbm>> -> memref<1x1x2x64xi32, #tpu.memory_space<hbm>>
    %dma_start3A_118 = tpu.memref_squeeze %dma_start3A_117 : memref<1x1x2x64xi32, #tpu.memory_space<hbm>> -> memref<2x64xi32, #tpu.memory_space<hbm>>
    %dma_start3A_119 = arith.constant 0 : i32
    %dma_start3A_120 = arith.constant 0 : i32
    %dma_start3A_121 = tpu.memref_slice %arg8[%dma_start3A_110, %dma_start3A_119, %dma_start3A_120] : memref<4x2x64xi32, #tpu.memory_space<vmem>> -> memref<1x2x64xi32, #tpu.memory_space<vmem>>
    %dma_start3A_122 = tpu.memref_squeeze %dma_start3A_121 : memref<1x2x64xi32, #tpu.memory_space<vmem>> -> memref<2x64xi32, #tpu.memory_space<vmem>>
    %dma_start3A_123 = arith.constant 0 : i32
    %dma_start3A_124 = arith.constant 0 : i32
    %dma_start3A_125 = tpu.memref_slice %arg3[%add3A, %dma_start3A_109, %dma_start3A_123, %dma_start3A_124] : memref<32x160x2x64xi32, #tpu.memory_space<hbm>> -> memref<1x1x2x64xi32, #tpu.memory_space<hbm>>
    %dma_start3A_126 = tpu.memref_squeeze %dma_start3A_125 : memref<1x1x2x64xi32, #tpu.memory_space<hbm>> -> memref<2x64xi32, #tpu.memory_space<hbm>>
    tpu.enqueue_dma source(%dma_start3A_126 : memref<2x64xi32, #tpu.memory_space<hbm>>) target(%dma_start3A_122 : memref<2x64xi32, #tpu.memory_space<vmem>>) target_semaphore(%arg17 : memref<!tpu.dma_semaphore, #tpu.memory_space<semaphore_mem>>)
    %mul3A_127 = arith.constant 160 : i32
    %mul3A_128 = arith.muli %add3A, %mul3A_127 : i32
    %add3A_129 = arith.constant 2 : i32
    %add3A_130 = arith.addi %mul3A_128, %add3A_129 : i32
    %lt3A_131 = arith.constant 5000 : i32
    %lt3A_132 = arith.cmpi slt, %add3A_130, %lt3A_131 : i32
    %convert_element_type3A_133 = arith.extui %lt3A_132 : i1 to i32
    %cond3A_134 = arith.constant 0 : i32
    %cond3A_135 = arith.cmpi ne, %convert_element_type3A_133, %cond3A_134 : i32
    scf.if %cond3A_135 {
      %mul3A_232 = arith.constant 64 : i32
      %mul3A_233 = arith.muli %add3A_130, %mul3A_232 : i32
      %dma_start3A_234 = arith.constant 2 : i32
      %dma_start3A_235 = arith.constant 0 : i32
      %dma_start3A_236 = arith.constant 0 : i32
      %dma_start3A_237 = tpu.memref_slice %arg10[%dma_start3A_234, %dma_start3A_235, %dma_start3A_236] : memref<4x64x16xf32, #tpu.memory_space<vmem>> -> memref<1x64x16xf32, #tpu.memory_space<vmem>>
      %dma_start3A_238 = tpu.memref_squeeze %dma_start3A_237 : memref<1x64x16xf32, #tpu.memory_space<vmem>> -> memref<64x16xf32, #tpu.memory_space<vmem>>
      %dma_start3A_239 = arith.constant 0 : i32
      %dma_start3A_240 = tpu.memref_slice %arg4[%mul3A_233, %dma_start3A_239] : memref<320000x16xf32, #tpu.memory_space<hbm>> -> memref<64x16xf32, #tpu.memory_space<hbm>>
      %dma_start3A_241 = arith.constant 0 : i32
      %dma_start3A_242 = arith.constant 0 : i32
      %dma_start3A_243 = tpu.memref_slice %arg10[%dma_start3A_234, %dma_start3A_241, %dma_start3A_242] : memref<4x64x16xf32, #tpu.memory_space<vmem>> -> memref<1x64x16xf32, #tpu.memory_space<vmem>>
      %dma_start3A_244 = tpu.memref_squeeze %dma_start3A_243 : memref<1x64x16xf32, #tpu.memory_space<vmem>> -> memref<64x16xf32, #tpu.memory_space<vmem>>
      %dma_start3A_245 = arith.constant 0 : i32
      %dma_start3A_246 = tpu.memref_slice %arg4[%mul3A_233, %dma_start3A_245] : memref<320000x16xf32, #tpu.memory_space<hbm>> -> memref<64x16xf32, #tpu.memory_space<hbm>>
      tpu.enqueue_dma source(%dma_start3A_246 : memref<64x16xf32, #tpu.memory_space<hbm>>) target(%dma_start3A_244 : memref<64x16xf32, #tpu.memory_space<vmem>>) target_semaphore(%arg21 : memref<!tpu.dma_semaphore, #tpu.memory_space<semaphore_mem>>)
    } else {
    }
    %dma_start3A_136 = arith.constant 3 : i32
    %dma_start3A_137 = arith.constant 3 : i32
    %dma_start3A_138 = arith.constant 0 : i32
    %dma_start3A_139 = arith.constant 0 : i32
    %dma_start3A_140 = tpu.memref_slice %arg8[%dma_start3A_137, %dma_start3A_138, %dma_start3A_139] : memref<4x2x64xi32, #tpu.memory_space<vmem>> -> memref<1x2x64xi32, #tpu.memory_space<vmem>>
    %dma_start3A_141 = tpu.memref_squeeze %dma_start3A_140 : memref<1x2x64xi32, #tpu.memory_space<vmem>> -> memref<2x64xi32, #tpu.memory_space<vmem>>
    %dma_start3A_142 = arith.constant 0 : i32
    %dma_start3A_143 = arith.constant 0 : i32
    %dma_start3A_144 = tpu.memref_slice %arg3[%add3A, %dma_start3A_136, %dma_start3A_142, %dma_start3A_143] : memref<32x160x2x64xi32, #tpu.memory_space<hbm>> -> memref<1x1x2x64xi32, #tpu.memory_space<hbm>>
    %dma_start3A_145 = tpu.memref_squeeze %dma_start3A_144 : memref<1x1x2x64xi32, #tpu.memory_space<hbm>> -> memref<2x64xi32, #tpu.memory_space<hbm>>
    %dma_start3A_146 = arith.constant 0 : i32
    %dma_start3A_147 = arith.constant 0 : i32
    %dma_start3A_148 = tpu.memref_slice %arg8[%dma_start3A_137, %dma_start3A_146, %dma_start3A_147] : memref<4x2x64xi32, #tpu.memory_space<vmem>> -> memref<1x2x64xi32, #tpu.memory_space<vmem>>
    %dma_start3A_149 = tpu.memref_squeeze %dma_start3A_148 : memref<1x2x64xi32, #tpu.memory_space<vmem>> -> memref<2x64xi32, #tpu.memory_space<vmem>>
    %dma_start3A_150 = arith.constant 0 : i32
    %dma_start3A_151 = arith.constant 0 : i32
    %dma_start3A_152 = tpu.memref_slice %arg3[%add3A, %dma_start3A_136, %dma_start3A_150, %dma_start3A_151] : memref<32x160x2x64xi32, #tpu.memory_space<hbm>> -> memref<1x1x2x64xi32, #tpu.memory_space<hbm>>
    %dma_start3A_153 = tpu.memref_squeeze %dma_start3A_152 : memref<1x1x2x64xi32, #tpu.memory_space<hbm>> -> memref<2x64xi32, #tpu.memory_space<hbm>>
    tpu.enqueue_dma source(%dma_start3A_153 : memref<2x64xi32, #tpu.memory_space<hbm>>) target(%dma_start3A_149 : memref<2x64xi32, #tpu.memory_space<vmem>>) target_semaphore(%arg18 : memref<!tpu.dma_semaphore, #tpu.memory_space<semaphore_mem>>)
    %mul3A_154 = arith.constant 160 : i32
    %mul3A_155 = arith.muli %add3A, %mul3A_154 : i32
    %add3A_156 = arith.constant 3 : i32
    %add3A_157 = arith.addi %mul3A_155, %add3A_156 : i32
    %lt3A_158 = arith.constant 5000 : i32
    %lt3A_159 = arith.cmpi slt, %add3A_157, %lt3A_158 : i32
    %convert_element_type3A_160 = arith.extui %lt3A_159 : i1 to i32
    %cond3A_161 = arith.constant 0 : i32
    %cond3A_162 = arith.cmpi ne, %convert_element_type3A_160, %cond3A_161 : i32
    scf.if %cond3A_162 {
      %mul3A_232 = arith.constant 64 : i32
      %mul3A_233 = arith.muli %add3A_157, %mul3A_232 : i32
      %dma_start3A_234 = arith.constant 3 : i32
      %dma_start3A_235 = arith.constant 0 : i32
      %dma_start3A_236 = arith.constant 0 : i32
      %dma_start3A_237 = tpu.memref_slice %arg10[%dma_start3A_234, %dma_start3A_235, %dma_start3A_236] : memref<4x64x16xf32, #tpu.memory_space<vmem>> -> memref<1x64x16xf32, #tpu.memory_space<vmem>>
      %dma_start3A_238 = tpu.memref_squeeze %dma_start3A_237 : memref<1x64x16xf32, #tpu.memory_space<vmem>> -> memref<64x16xf32, #tpu.memory_space<vmem>>
      %dma_start3A_239 = arith.constant 0 : i32
      %dma_start3A_240 = tpu.memref_slice %arg4[%mul3A_233, %dma_start3A_239] : memref<320000x16xf32, #tpu.memory_space<hbm>> -> memref<64x16xf32, #tpu.memory_space<hbm>>
      %dma_start3A_241 = arith.constant 0 : i32
      %dma_start3A_242 = arith.constant 0 : i32
      %dma_start3A_243 = tpu.memref_slice %arg10[%dma_start3A_234, %dma_start3A_241, %dma_start3A_242] : memref<4x64x16xf32, #tpu.memory_space<vmem>> -> memref<1x64x16xf32, #tpu.memory_space<vmem>>
      %dma_start3A_244 = tpu.memref_squeeze %dma_start3A_243 : memref<1x64x16xf32, #tpu.memory_space<vmem>> -> memref<64x16xf32, #tpu.memory_space<vmem>>
      %dma_start3A_245 = arith.constant 0 : i32
      %dma_start3A_246 = tpu.memref_slice %arg4[%mul3A_233, %dma_start3A_245] : memref<320000x16xf32, #tpu.memory_space<hbm>> -> memref<64x16xf32, #tpu.memory_space<hbm>>
      tpu.enqueue_dma source(%dma_start3A_246 : memref<64x16xf32, #tpu.memory_space<hbm>>) target(%dma_start3A_244 : memref<64x16xf32, #tpu.memory_space<vmem>>) target_semaphore(%arg22 : memref<!tpu.dma_semaphore, #tpu.memory_space<semaphore_mem>>)
    } else {
    }
    %dma_wait3A = arith.constant 0 : i32
    %dma_wait3A_163 = arith.constant 0 : i32
    %dma_wait3A_164 = arith.constant 0 : i32
    %dma_wait3A_165 = arith.constant 0 : i32
    %dma_wait3A_166 = tpu.memref_slice %arg8[%dma_wait3A_163, %dma_wait3A_164, %dma_wait3A_165] : memref<4x2x64xi32, #tpu.memory_space<vmem>> -> memref<1x2x64xi32, #tpu.memory_space<vmem>>
    %dma_wait3A_167 = tpu.memref_squeeze %dma_wait3A_166 : memref<1x2x64xi32, #tpu.memory_space<vmem>> -> memref<2x64xi32, #tpu.memory_space<vmem>>
    %dma_wait3A_168 = arith.constant 0 : i32
    %dma_wait3A_169 = arith.constant 0 : i32
    %dma_wait3A_170 = tpu.memref_slice %arg3[%add3A, %dma_wait3A, %dma_wait3A_168, %dma_wait3A_169] : memref<32x160x2x64xi32, #tpu.memory_space<hbm>> -> memref<1x1x2x64xi32, #tpu.memory_space<hbm>>
    %dma_wait3A_171 = tpu.memref_squeeze %dma_wait3A_170 : memref<1x1x2x64xi32, #tpu.memory_space<hbm>> -> memref<2x64xi32, #tpu.memory_space<hbm>>
    %dma_wait3A_172 = arith.constant 0 : i32
    %dma_wait3A_173 = arith.constant 0 : i32
    %dma_wait3A_174 = tpu.memref_slice %arg8[%dma_wait3A_163, %dma_wait3A_172, %dma_wait3A_173] : memref<4x2x64xi32, #tpu.memory_space<vmem>> -> memref<1x2x64xi32, #tpu.memory_space<vmem>>
    %dma_wait3A_175 = tpu.memref_squeeze %dma_wait3A_174 : memref<1x2x64xi32, #tpu.memory_space<vmem>> -> memref<2x64xi32, #tpu.memory_space<vmem>>
    %dma_wait3A_176 = arith.constant 0 : i32
    %dma_wait3A_177 = arith.constant 0 : i32
    %dma_wait3A_178 = tpu.memref_slice %arg3[%add3A, %dma_wait3A, %dma_wait3A_176, %dma_wait3A_177] : memref<32x160x2x64xi32, #tpu.memory_space<hbm>> -> memref<1x1x2x64xi32, #tpu.memory_space<hbm>>
    %dma_wait3A_179 = tpu.memref_squeeze %dma_wait3A_178 : memref<1x1x2x64xi32, #tpu.memory_space<hbm>> -> memref<2x64xi32, #tpu.memory_space<hbm>>
    tpu.wait_dma2 semaphore(%arg15 : memref<!tpu.dma_semaphore, #tpu.memory_space<semaphore_mem>>) src(%dma_wait3A_179 : memref<2x64xi32, #tpu.memory_space<hbm>>) dst(%dma_wait3A_175 : memref<2x64xi32, #tpu.memory_space<vmem>>)
    %dma_start3A_180 = arith.constant 0 : i32
    %dma_start3A_181 = arith.constant 0 : i32
    %dma_start3A_182 = arith.constant 0 : i32
    %dma_start3A_183 = arith.constant 0 : i32
    %dma_start3A_184 = arith.constant 0 : i32
    %dma_start3A_185 = tpu.memref_slice %arg9[%dma_start3A_182, %dma_start3A_183, %dma_start3A_184] : memref<2x64x128xf32, #tpu.memory_space<vmem>> -> memref<1x64x128xf32, #tpu.memory_space<vmem>>
    %dma_start3A_186 = tpu.memref_squeeze %dma_start3A_185 : memref<1x64x128xf32, #tpu.memory_space<vmem>> -> memref<64x128xf32, #tpu.memory_space<vmem>>
    %dma_start3A_187 = arith.constant 0 : i32
    %dma_start3A_188 = tpu.memref_slice %arg8[%dma_start3A_180, %dma_start3A_181, %dma_start3A_187] : memref<4x2x64xi32, #tpu.memory_space<vmem>> -> memref<1x1x64xi32, #tpu.memory_space<vmem>>
    %dma_start3A_189 = tpu.memref_squeeze %dma_start3A_188 : memref<1x1x64xi32, #tpu.memory_space<vmem>> -> memref<64xi32, #tpu.memory_space<vmem>>
    %dma_start3A_190 = arith.constant 0 : i32
    %dma_start3A_191 = arith.constant 0 : i32
    %dma_start3A_192 = tpu.memref_slice %arg2[%dma_start3A_190, %dma_start3A_191] : memref<10000x128xf32, #tpu.memory_space<hbm>> -> memref<10000x128xf32, #tpu.memory_space<hbm>>
    tpu.enqueue_indirect_dma source(%dma_start3A_192 : memref<10000x128xf32, #tpu.memory_space<hbm>>) target(%dma_start3A_186 : memref<64x128xf32, #tpu.memory_space<vmem>>) offsets(%dma_start3A_189 : memref<64xi32, #tpu.memory_space<vmem>>) semaphore(%arg23 : memref<!tpu.dma_semaphore, #tpu.memory_space<semaphore_mem>>)
    %dma_wait3A_193 = arith.constant 1 : i32
    %dma_wait3A_194 = arith.constant 1 : i32
    %dma_wait3A_195 = arith.constant 0 : i32
    %dma_wait3A_196 = arith.constant 0 : i32
    %dma_wait3A_197 = tpu.memref_slice %arg8[%dma_wait3A_194, %dma_wait3A_195, %dma_wait3A_196] : memref<4x2x64xi32, #tpu.memory_space<vmem>> -> memref<1x2x64xi32, #tpu.memory_space<vmem>>
    %dma_wait3A_198 = tpu.memref_squeeze %dma_wait3A_197 : memref<1x2x64xi32, #tpu.memory_space<vmem>> -> memref<2x64xi32, #tpu.memory_space<vmem>>
    %dma_wait3A_199 = arith.constant 0 : i32
    %dma_wait3A_200 = arith.constant 0 : i32
    %dma_wait3A_201 = tpu.memref_slice %arg3[%add3A, %dma_wait3A_193, %dma_wait3A_199, %dma_wait3A_200] : memref<32x160x2x64xi32, #tpu.memory_space<hbm>> -> memref<1x1x2x64xi32, #tpu.memory_space<hbm>>
    %dma_wait3A_202 = tpu.memref_squeeze %dma_wait3A_201 : memref<1x1x2x64xi32, #tpu.memory_space<hbm>> -> memref<2x64xi32, #tpu.memory_space<hbm>>
    %dma_wait3A_203 = arith.constant 0 : i32
    %dma_wait3A_204 = arith.constant 0 : i32
    %dma_wait3A_205 = tpu.memref_slice %arg8[%dma_wait3A_194, %dma_wait3A_203, %dma_wait3A_204] : memref<4x2x64xi32, #tpu.memory_space<vmem>> -> memref<1x2x64xi32, #tpu.memory_space<vmem>>
    %dma_wait3A_206 = tpu.memref_squeeze %dma_wait3A_205 : memref<1x2x64xi32, #tpu.memory_space<vmem>> -> memref<2x64xi32, #tpu.memory_space<vmem>>
    %dma_wait3A_207 = arith.constant 0 : i32
    %dma_wait3A_208 = arith.constant 0 : i32
    %dma_wait3A_209 = tpu.memref_slice %arg3[%add3A, %dma_wait3A_193, %dma_wait3A_207, %dma_wait3A_208] : memref<32x160x2x64xi32, #tpu.memory_space<hbm>> -> memref<1x1x2x64xi32, #tpu.memory_space<hbm>>
    %dma_wait3A_210 = tpu.memref_squeeze %dma_wait3A_209 : memref<1x1x2x64xi32, #tpu.memory_space<hbm>> -> memref<2x64xi32, #tpu.memory_space<hbm>>
    tpu.wait_dma2 semaphore(%arg16 : memref<!tpu.dma_semaphore, #tpu.memory_space<semaphore_mem>>) src(%dma_wait3A_210 : memref<2x64xi32, #tpu.memory_space<hbm>>) dst(%dma_wait3A_206 : memref<2x64xi32, #tpu.memory_space<vmem>>)
    %dma_start3A_211 = arith.constant 1 : i32
    %dma_start3A_212 = arith.constant 0 : i32
    %dma_start3A_213 = arith.constant 1 : i32
    %dma_start3A_214 = arith.constant 0 : i32
    %dma_start3A_215 = arith.constant 0 : i32
    %dma_start3A_216 = tpu.memref_slice %arg9[%dma_start3A_213, %dma_start3A_214, %dma_start3A_215] : memref<2x64x128xf32, #tpu.memory_space<vmem>> -> memref<1x64x128xf32, #tpu.memory_space<vmem>>
    %dma_start3A_217 = tpu.memref_squeeze %dma_start3A_216 : memref<1x64x128xf32, #tpu.memory_space<vmem>> -> memref<64x128xf32, #tpu.memory_space<vmem>>
    %dma_start3A_218 = arith.constant 0 : i32
    %dma_start3A_219 = tpu.memref_slice %arg8[%dma_start3A_211, %dma_start3A_212, %dma_start3A_218] : memref<4x2x64xi32, #tpu.memory_space<vmem>> -> memref<1x1x64xi32, #tpu.memory_space<vmem>>
    %dma_start3A_220 = tpu.memref_squeeze %dma_start3A_219 : memref<1x1x64xi32, #tpu.memory_space<vmem>> -> memref<64xi32, #tpu.memory_space<vmem>>
    %dma_start3A_221 = arith.constant 0 : i32
    %dma_start3A_222 = arith.constant 0 : i32
    %dma_start3A_223 = tpu.memref_slice %arg2[%dma_start3A_221, %dma_start3A_222] : memref<10000x128xf32, #tpu.memory_space<hbm>> -> memref<10000x128xf32, #tpu.memory_space<hbm>>
    tpu.enqueue_indirect_dma source(%dma_start3A_223 : memref<10000x128xf32, #tpu.memory_space<hbm>>) target(%dma_start3A_217 : memref<64x128xf32, #tpu.memory_space<vmem>>) offsets(%dma_start3A_220 : memref<64xi32, #tpu.memory_space<vmem>>) semaphore(%arg24 : memref<!tpu.dma_semaphore, #tpu.memory_space<semaphore_mem>>)
    %scan3A_224 = arith.constant 0 : i32
    %scan3A_225 = arith.constant 40 : i32
    %scan3A_226 = arith.addi %scan3A_224, %scan3A_225 : i32
    %scan3A_227 = arith.constant 1 : i32
    scf.for %scan3A_232 = %scan3A_224 to %scan3A_226 step %scan3A_227  : i32 {
      %mul3A_233 = arith.constant 4 : i32
      %mul3A_234 = arith.muli %scan3A_232, %mul3A_233 : i32
      %add3A_235 = arith.constant 0 : i32
      %add3A_236 = arith.addi %add3A_235, %mul3A_234 : i32
      %dma_wait3A_237 = arith.constant 0 : i32
      %dma_wait3A_238 = arith.constant 0 : i32
      %dma_wait3A_239 = arith.constant 0 : i32
      %dma_wait3A_240 = arith.constant 0 : i32
      %dma_wait3A_241 = arith.constant 0 : i32
      %dma_wait3A_242 = tpu.memref_slice %arg9[%dma_wait3A_239, %dma_wait3A_240, %dma_wait3A_241] : memref<2x64x128xf32, #tpu.memory_space<vmem>> -> memref<1x64x128xf32, #tpu.memory_space<vmem>>
      %dma_wait3A_243 = tpu.memref_squeeze %dma_wait3A_242 : memref<1x64x128xf32, #tpu.memory_space<vmem>> -> memref<64x128xf32, #tpu.memory_space<vmem>>
      %dma_wait3A_244 = arith.constant 0 : i32
      %dma_wait3A_245 = tpu.memref_slice %arg8[%dma_wait3A_237, %dma_wait3A_238, %dma_wait3A_244] : memref<4x2x64xi32, #tpu.memory_space<vmem>> -> memref<1x1x64xi32, #tpu.memory_space<vmem>>
      %dma_wait3A_246 = tpu.memref_squeeze %dma_wait3A_245 : memref<1x1x64xi32, #tpu.memory_space<vmem>> -> memref<64xi32, #tpu.memory_space<vmem>>
      %dma_wait3A_247 = arith.constant 0 : i32
      %dma_wait3A_248 = arith.constant 0 : i32
      %dma_wait3A_249 = tpu.memref_slice %arg2[%dma_wait3A_247, %dma_wait3A_248] : memref<10000x128xf32, #tpu.memory_space<hbm>> -> memref<10000x128xf32, #tpu.memory_space<hbm>>
      tpu.wait_indirect_dma semaphore(%arg23 : memref<!tpu.dma_semaphore, #tpu.memory_space<semaphore_mem>>) src(%dma_wait3A_249 : memref<10000x128xf32, #tpu.memory_space<hbm>>) dst(%dma_wait3A_243 : memref<64x128xf32, #tpu.memory_space<vmem>>)
      %dma_start3A_250 = arith.constant 0 : i32
      %dma_start3A_251 = arith.constant 0 : i32
      %dma_start3A_252 = arith.constant 1 : i32
      %dma_start3A_253 = arith.constant 0 : i32
      %dma_start3A_254 = arith.constant 0 : i32
      %dma_start3A_255 = tpu.memref_slice %arg9[%dma_start3A_250, %dma_start3A_253, %dma_start3A_254] : memref<2x64x128xf32, #tpu.memory_space<vmem>> -> memref<1x64x128xf32, #tpu.memory_space<vmem>>
      %dma_start3A_256 = tpu.memref_squeeze %dma_start3A_255 : memref<1x64x128xf32, #tpu.memory_space<vmem>> -> memref<64x128xf32, #tpu.memory_space<vmem>>
      %dma_start3A_257 = arith.constant 0 : i32
      %dma_start3A_258 = tpu.memref_slice %arg8[%dma_start3A_251, %dma_start3A_252, %dma_start3A_257] : memref<4x2x64xi32, #tpu.memory_space<vmem>> -> memref<1x1x64xi32, #tpu.memory_space<vmem>>
      %dma_start3A_259 = tpu.memref_squeeze %dma_start3A_258 : memref<1x1x64xi32, #tpu.memory_space<vmem>> -> memref<64xi32, #tpu.memory_space<vmem>>
      %dma_start3A_260 = arith.constant 0 : i32
      %dma_start3A_261 = arith.constant 0 : i32
      %dma_start3A_262 = tpu.memref_slice %arg12[%dma_start3A_260, %dma_start3A_261] : memref<10240x128xf32, #tpu.memory_space<vmem_shared>> -> memref<10240x128xf32, #tpu.memory_space<vmem_shared>>
      tpu.enqueue_indirect_dma source(%dma_start3A_256 : memref<64x128xf32, #tpu.memory_space<vmem>>) target(%dma_start3A_262 : memref<10240x128xf32, #tpu.memory_space<vmem_shared>>) offsets(%dma_start3A_259 : memref<64xi32, #tpu.memory_space<vmem>>) semaphore(%arg25 : memref<!tpu.dma_semaphore, #tpu.memory_space<semaphore_mem>>) {add = true}
      %mul3A_263 = arith.constant 160 : i32
      %mul3A_264 = arith.muli %add3A, %mul3A_263 : i32
      %add3A_265 = arith.addi %mul3A_264, %add3A_236 : i32
      %lt3A_266 = arith.constant 5000 : i32
      %lt3A_267 = arith.cmpi slt, %add3A_265, %lt3A_266 : i32
      %convert_element_type3A_268 = arith.extui %lt3A_267 : i1 to i32
      %cond3A_269 = arith.constant 0 : i32
      %cond3A_270 = arith.cmpi ne, %convert_element_type3A_268, %cond3A_269 : i32
      scf.if %cond3A_270 {
        %mul3A_579 = arith.constant 64 : i32
        %mul3A_580 = arith.muli %add3A_265, %mul3A_579 : i32
        %dma_wait3A_581 = arith.constant 0 : i32
        %dma_wait3A_582 = arith.constant 0 : i32
        %dma_wait3A_583 = arith.constant 0 : i32
        %dma_wait3A_584 = tpu.memref_slice %arg10[%dma_wait3A_581, %dma_wait3A_582, %dma_wait3A_583] : memref<4x64x16xf32, #tpu.memory_space<vmem>> -> memref<1x64x16xf32, #tpu.memory_space<vmem>>
        %dma_wait3A_585 = tpu.memref_squeeze %dma_wait3A_584 : memref<1x64x16xf32, #tpu.memory_space<vmem>> -> memref<64x16xf32, #tpu.memory_space<vmem>>
        %dma_wait3A_586 = arith.constant 0 : i32
        %dma_wait3A_587 = tpu.memref_slice %arg4[%mul3A_580, %dma_wait3A_586] : memref<320000x16xf32, #tpu.memory_space<hbm>> -> memref<64x16xf32, #tpu.memory_space<hbm>>
        %dma_wait3A_588 = arith.constant 0 : i32
        %dma_wait3A_589 = arith.constant 0 : i32
        %dma_wait3A_590 = tpu.memref_slice %arg10[%dma_wait3A_581, %dma_wait3A_588, %dma_wait3A_589] : memref<4x64x16xf32, #tpu.memory_space<vmem>> -> memref<1x64x16xf32, #tpu.memory_space<vmem>>
        %dma_wait3A_591 = tpu.memref_squeeze %dma_wait3A_590 : memref<1x64x16xf32, #tpu.memory_space<vmem>> -> memref<64x16xf32, #tpu.memory_space<vmem>>
        %dma_wait3A_592 = arith.constant 0 : i32
        %dma_wait3A_593 = tpu.memref_slice %arg4[%mul3A_580, %dma_wait3A_592] : memref<320000x16xf32, #tpu.memory_space<hbm>> -> memref<64x16xf32, #tpu.memory_space<hbm>>
        tpu.wait_dma2 semaphore(%arg19 : memref<!tpu.dma_semaphore, #tpu.memory_space<semaphore_mem>>) src(%dma_wait3A_593 : memref<64x16xf32, #tpu.memory_space<hbm>>) dst(%dma_wait3A_591 : memref<64x16xf32, #tpu.memory_space<vmem>>)
        %dma_start3A_594 = arith.constant 0 : i32
        %dma_start3A_595 = arith.constant 0 : i32
        %dma_start3A_596 = arith.constant 1 : i32
        %dma_start3A_597 = arith.constant 0 : i32
        %dma_start3A_598 = arith.constant 0 : i32
        %dma_start3A_599 = tpu.memref_slice %arg10[%dma_start3A_594, %dma_start3A_597, %dma_start3A_598] : memref<4x64x16xf32, #tpu.memory_space<vmem>> -> memref<1x64x16xf32, #tpu.memory_space<vmem>>
        %dma_start3A_600 = tpu.memref_squeeze %dma_start3A_599 : memref<1x64x16xf32, #tpu.memory_space<vmem>> -> memref<64x16xf32, #tpu.memory_space<vmem>>
        %dma_start3A_601 = arith.constant 0 : i32
        %dma_start3A_602 = tpu.memref_slice %arg8[%dma_start3A_595, %dma_start3A_596, %dma_start3A_601] : memref<4x2x64xi32, #tpu.memory_space<vmem>> -> memref<1x1x64xi32, #tpu.memory_space<vmem>>
        %dma_start3A_603 = tpu.memref_squeeze %dma_start3A_602 : memref<1x1x64xi32, #tpu.memory_space<vmem>> -> memref<64xi32, #tpu.memory_space<vmem>>
        %dma_start3A_604 = arith.constant 0 : i32
        %dma_start3A_605 = arith.constant 0 : i32
        %dma_start3A_606 = tpu.memref_slice %arg13[%dma_start3A_604, %dma_start3A_605] : memref<10240x16xf32, #tpu.memory_space<vmem_shared>> -> memref<10240x16xf32, #tpu.memory_space<vmem_shared>>
        tpu.enqueue_indirect_dma source(%dma_start3A_600 : memref<64x16xf32, #tpu.memory_space<vmem>>) target(%dma_start3A_606 : memref<10240x16xf32, #tpu.memory_space<vmem_shared>>) offsets(%dma_start3A_603 : memref<64xi32, #tpu.memory_space<vmem>>) semaphore(%arg27 : memref<!tpu.dma_semaphore, #tpu.memory_space<semaphore_mem>>) {add = true}
        %dma_start3A_607 = arith.constant 0 : i32
        %dma_start3A_608 = arith.constant 1 : i32
        %dma_start3A_609 = arith.constant 0 : i32
        %dma_start3A_610 = tpu.memref_slice %arg8[%dma_start3A_607, %dma_start3A_608, %dma_start3A_609] : memref<4x2x64xi32, #tpu.memory_space<vmem>> -> memref<1x1x64xi32, #tpu.memory_space<vmem>>
        %dma_start3A_611 = tpu.memref_squeeze %dma_start3A_610 : memref<1x1x64xi32, #tpu.memory_space<vmem>> -> memref<64xi32, #tpu.memory_space<vmem>>
        %dma_start3A_612 = arith.constant 0 : i32
        %dma_start3A_613 = arith.constant 0 : i32
        %dma_start3A_614 = tpu.memref_slice %arg14[%dma_start3A_612, %dma_start3A_613] : memref<10240x16xf32, #tpu.memory_space<vmem_shared>> -> memref<10240x16xf32, #tpu.memory_space<vmem_shared>>
        tpu.enqueue_indirect_dma source(%arg11 : memref<64x16xf32, #tpu.memory_space<vmem>>) target(%dma_start3A_614 : memref<10240x16xf32, #tpu.memory_space<vmem_shared>>) offsets(%dma_start3A_611 : memref<64xi32, #tpu.memory_space<vmem>>) semaphore(%arg27 : memref<!tpu.dma_semaphore, #tpu.memory_space<semaphore_mem>>) {add = true}
      } else {
      }
      %add3A_271 = arith.constant 1 : i32
      %add3A_272 = arith.addi %add3A_236, %add3A_271 : i32
      %dma_wait3A_273 = arith.constant 1 : i32
      %dma_wait3A_274 = arith.constant 0 : i32
      %dma_wait3A_275 = arith.constant 1 : i32
      %dma_wait3A_276 = arith.constant 0 : i32
      %dma_wait3A_277 = arith.constant 0 : i32
      %dma_wait3A_278 = tpu.memref_slice %arg9[%dma_wait3A_275, %dma_wait3A_276, %dma_wait3A_277] : memref<2x64x128xf32, #tpu.memory_space<vmem>> -> memref<1x64x128xf32, #tpu.memory_space<vmem>>
      %dma_wait3A_279 = tpu.memref_squeeze %dma_wait3A_278 : memref<1x64x128xf32, #tpu.memory_space<vmem>> -> memref<64x128xf32, #tpu.memory_space<vmem>>
      %dma_wait3A_280 = arith.constant 0 : i32
      %dma_wait3A_281 = tpu.memref_slice %arg8[%dma_wait3A_273, %dma_wait3A_274, %dma_wait3A_280] : memref<4x2x64xi32, #tpu.memory_space<vmem>> -> memref<1x1x64xi32, #tpu.memory_space<vmem>>
      %dma_wait3A_282 = tpu.memref_squeeze %dma_wait3A_281 : memref<1x1x64xi32, #tpu.memory_space<vmem>> -> memref<64xi32, #tpu.memory_space<vmem>>
      %dma_wait3A_283 = arith.constant 0 : i32
      %dma_wait3A_284 = arith.constant 0 : i32
      %dma_wait3A_285 = tpu.memref_slice %arg2[%dma_wait3A_283, %dma_wait3A_284] : memref<10000x128xf32, #tpu.memory_space<hbm>> -> memref<10000x128xf32, #tpu.memory_space<hbm>>
      tpu.wait_indirect_dma semaphore(%arg24 : memref<!tpu.dma_semaphore, #tpu.memory_space<semaphore_mem>>) src(%dma_wait3A_285 : memref<10000x128xf32, #tpu.memory_space<hbm>>) dst(%dma_wait3A_279 : memref<64x128xf32, #tpu.memory_space<vmem>>)
      %dma_start3A_286 = arith.constant 1 : i32
      %dma_start3A_287 = arith.constant 1 : i32
      %dma_start3A_288 = arith.constant 1 : i32
      %dma_start3A_289 = arith.constant 0 : i32
      %dma_start3A_290 = arith.constant 0 : i32
      %dma_start3A_291 = tpu.memref_slice %arg9[%dma_start3A_286, %dma_start3A_289, %dma_start3A_290] : memref<2x64x128xf32, #tpu.memory_space<vmem>> -> memref<1x64x128xf32, #tpu.memory_space<vmem>>
      %dma_start3A_292 = tpu.memref_squeeze %dma_start3A_291 : memref<1x64x128xf32, #tpu.memory_space<vmem>> -> memref<64x128xf32, #tpu.memory_space<vmem>>
      %dma_start3A_293 = arith.constant 0 : i32
      %dma_start3A_294 = tpu.memref_slice %arg8[%dma_start3A_287, %dma_start3A_288, %dma_start3A_293] : memref<4x2x64xi32, #tpu.memory_space<vmem>> -> memref<1x1x64xi32, #tpu.memory_space<vmem>>
      %dma_start3A_295 = tpu.memref_squeeze %dma_start3A_294 : memref<1x1x64xi32, #tpu.memory_space<vmem>> -> memref<64xi32, #tpu.memory_space<vmem>>
      %dma_start3A_296 = arith.constant 0 : i32
      %dma_start3A_297 = arith.constant 0 : i32
      %dma_start3A_298 = tpu.memref_slice %arg12[%dma_start3A_296, %dma_start3A_297] : memref<10240x128xf32, #tpu.memory_space<vmem_shared>> -> memref<10240x128xf32, #tpu.memory_space<vmem_shared>>
      tpu.enqueue_indirect_dma source(%dma_start3A_292 : memref<64x128xf32, #tpu.memory_space<vmem>>) target(%dma_start3A_298 : memref<10240x128xf32, #tpu.memory_space<vmem_shared>>) offsets(%dma_start3A_295 : memref<64xi32, #tpu.memory_space<vmem>>) semaphore(%arg26 : memref<!tpu.dma_semaphore, #tpu.memory_space<semaphore_mem>>) {add = true}
      %mul3A_299 = arith.constant 160 : i32
      %mul3A_300 = arith.muli %add3A, %mul3A_299 : i32
      %add3A_301 = arith.addi %mul3A_300, %add3A_272 : i32
      %lt3A_302 = arith.constant 5000 : i32
      %lt3A_303 = arith.cmpi slt, %add3A_301, %lt3A_302 : i32
      %convert_element_type3A_304 = arith.extui %lt3A_303 : i1 to i32
      %cond3A_305 = arith.constant 0 : i32
      %cond3A_306 = arith.cmpi ne, %convert_element_type3A_304, %cond3A_305 : i32
      scf.if %cond3A_306 {
        %mul3A_579 = arith.constant 64 : i32
        %mul3A_580 = arith.muli %add3A_301, %mul3A_579 : i32
        %dma_wait3A_581 = arith.constant 1 : i32
        %dma_wait3A_582 = arith.constant 0 : i32
        %dma_wait3A_583 = arith.constant 0 : i32
        %dma_wait3A_584 = tpu.memref_slice %arg10[%dma_wait3A_581, %dma_wait3A_582, %dma_wait3A_583] : memref<4x64x16xf32, #tpu.memory_space<vmem>> -> memref<1x64x16xf32, #tpu.memory_space<vmem>>
        %dma_wait3A_585 = tpu.memref_squeeze %dma_wait3A_584 : memref<1x64x16xf32, #tpu.memory_space<vmem>> -> memref<64x16xf32, #tpu.memory_space<vmem>>
        %dma_wait3A_586 = arith.constant 0 : i32
        %dma_wait3A_587 = tpu.memref_slice %arg4[%mul3A_580, %dma_wait3A_586] : memref<320000x16xf32, #tpu.memory_space<hbm>> -> memref<64x16xf32, #tpu.memory_space<hbm>>
        %dma_wait3A_588 = arith.constant 0 : i32
        %dma_wait3A_589 = arith.constant 0 : i32
        %dma_wait3A_590 = tpu.memref_slice %arg10[%dma_wait3A_581, %dma_wait3A_588, %dma_wait3A_589] : memref<4x64x16xf32, #tpu.memory_space<vmem>> -> memref<1x64x16xf32, #tpu.memory_space<vmem>>
        %dma_wait3A_591 = tpu.memref_squeeze %dma_wait3A_590 : memref<1x64x16xf32, #tpu.memory_space<vmem>> -> memref<64x16xf32, #tpu.memory_space<vmem>>
        %dma_wait3A_592 = arith.constant 0 : i32
        %dma_wait3A_593 = tpu.memref_slice %arg4[%mul3A_580, %dma_wait3A_592] : memref<320000x16xf32, #tpu.memory_space<hbm>> -> memref<64x16xf32, #tpu.memory_space<hbm>>
        tpu.wait_dma2 semaphore(%arg20 : memref<!tpu.dma_semaphore, #tpu.memory_space<semaphore_mem>>) src(%dma_wait3A_593 : memref<64x16xf32, #tpu.memory_space<hbm>>) dst(%dma_wait3A_591 : memref<64x16xf32, #tpu.memory_space<vmem>>)
        %dma_start3A_594 = arith.constant 1 : i32
        %dma_start3A_595 = arith.constant 1 : i32
        %dma_start3A_596 = arith.constant 1 : i32
        %dma_start3A_597 = arith.constant 0 : i32
        %dma_start3A_598 = arith.constant 0 : i32
        %dma_start3A_599 = tpu.memref_slice %arg10[%dma_start3A_594, %dma_start3A_597, %dma_start3A_598] : memref<4x64x16xf32, #tpu.memory_space<vmem>> -> memref<1x64x16xf32, #tpu.memory_space<vmem>>
        %dma_start3A_600 = tpu.memref_squeeze %dma_start3A_599 : memref<1x64x16xf32, #tpu.memory_space<vmem>> -> memref<64x16xf32, #tpu.memory_space<vmem>>
        %dma_start3A_601 = arith.constant 0 : i32
        %dma_start3A_602 = tpu.memref_slice %arg8[%dma_start3A_595, %dma_start3A_596, %dma_start3A_601] : memref<4x2x64xi32, #tpu.memory_space<vmem>> -> memref<1x1x64xi32, #tpu.memory_space<vmem>>
        %dma_start3A_603 = tpu.memref_squeeze %dma_start3A_602 : memref<1x1x64xi32, #tpu.memory_space<vmem>> -> memref<64xi32, #tpu.memory_space<vmem>>
        %dma_start3A_604 = arith.constant 0 : i32
        %dma_start3A_605 = arith.constant 0 : i32
        %dma_start3A_606 = tpu.memref_slice %arg13[%dma_start3A_604, %dma_start3A_605] : memref<10240x16xf32, #tpu.memory_space<vmem_shared>> -> memref<10240x16xf32, #tpu.memory_space<vmem_shared>>
        tpu.enqueue_indirect_dma source(%dma_start3A_600 : memref<64x16xf32, #tpu.memory_space<vmem>>) target(%dma_start3A_606 : memref<10240x16xf32, #tpu.memory_space<vmem_shared>>) offsets(%dma_start3A_603 : memref<64xi32, #tpu.memory_space<vmem>>) semaphore(%arg28 : memref<!tpu.dma_semaphore, #tpu.memory_space<semaphore_mem>>) {add = true}
        %dma_start3A_607 = arith.constant 1 : i32
        %dma_start3A_608 = arith.constant 1 : i32
        %dma_start3A_609 = arith.constant 0 : i32
        %dma_start3A_610 = tpu.memref_slice %arg8[%dma_start3A_607, %dma_start3A_608, %dma_start3A_609] : memref<4x2x64xi32, #tpu.memory_space<vmem>> -> memref<1x1x64xi32, #tpu.memory_space<vmem>>
        %dma_start3A_611 = tpu.memref_squeeze %dma_start3A_610 : memref<1x1x64xi32, #tpu.memory_space<vmem>> -> memref<64xi32, #tpu.memory_space<vmem>>
        %dma_start3A_612 = arith.constant 0 : i32
        %dma_start3A_613 = arith.constant 0 : i32
        %dma_start3A_614 = tpu.memref_slice %arg14[%dma_start3A_612, %dma_start3A_613] : memref<10240x16xf32, #tpu.memory_space<vmem_shared>> -> memref<10240x16xf32, #tpu.memory_space<vmem_shared>>
        tpu.enqueue_indirect_dma source(%arg11 : memref<64x16xf32, #tpu.memory_space<vmem>>) target(%dma_start3A_614 : memref<10240x16xf32, #tpu.memory_space<vmem_shared>>) offsets(%dma_start3A_611 : memref<64xi32, #tpu.memory_space<vmem>>) semaphore(%arg28 : memref<!tpu.dma_semaphore, #tpu.memory_space<semaphore_mem>>) {add = true}
      } else {
      }
      %dma_wait3A_307 = arith.constant 0 : i32
      %dma_wait3A_308 = arith.constant 0 : i32
      %dma_wait3A_309 = arith.constant 1 : i32
      %dma_wait3A_310 = arith.constant 0 : i32
      %dma_wait3A_311 = arith.constant 0 : i32
      %dma_wait3A_312 = tpu.memref_slice %arg9[%dma_wait3A_307, %dma_wait3A_310, %dma_wait3A_311] : memref<2x64x128xf32, #tpu.memory_space<vmem>> -> memref<1x64x128xf32, #tpu.memory_space<vmem>>
      %dma_wait3A_313 = tpu.memref_squeeze %dma_wait3A_312 : memref<1x64x128xf32, #tpu.memory_space<vmem>> -> memref<64x128xf32, #tpu.memory_space<vmem>>
      %dma_wait3A_314 = arith.constant 0 : i32
      %dma_wait3A_315 = tpu.memref_slice %arg8[%dma_wait3A_308, %dma_wait3A_309, %dma_wait3A_314] : memref<4x2x64xi32, #tpu.memory_space<vmem>> -> memref<1x1x64xi32, #tpu.memory_space<vmem>>
      %dma_wait3A_316 = tpu.memref_squeeze %dma_wait3A_315 : memref<1x1x64xi32, #tpu.memory_space<vmem>> -> memref<64xi32, #tpu.memory_space<vmem>>
      %dma_wait3A_317 = arith.constant 0 : i32
      %dma_wait3A_318 = arith.constant 0 : i32
      %dma_wait3A_319 = tpu.memref_slice %arg12[%dma_wait3A_317, %dma_wait3A_318] : memref<10240x128xf32, #tpu.memory_space<vmem_shared>> -> memref<10240x128xf32, #tpu.memory_space<vmem_shared>>
      tpu.wait_indirect_dma semaphore(%arg25 : memref<!tpu.dma_semaphore, #tpu.memory_space<semaphore_mem>>) src(%dma_wait3A_313 : memref<64x128xf32, #tpu.memory_space<vmem>>) dst(%dma_wait3A_319 : memref<10240x128xf32, #tpu.memory_space<vmem_shared>>)
      %mul3A_320 = arith.constant 160 : i32
      %mul3A_321 = arith.muli %add3A, %mul3A_320 : i32
      %add3A_322 = arith.addi %mul3A_321, %add3A_236 : i32
      %lt3A_323 = arith.constant 5000 : i32
      %lt3A_324 = arith.cmpi slt, %add3A_322, %lt3A_323 : i32
      %convert_element_type3A_325 = arith.extui %lt3A_324 : i1 to i32
      %cond3A_326 = arith.constant 0 : i32
      %cond3A_327 = arith.cmpi ne, %convert_element_type3A_325, %cond3A_326 : i32
      scf.if %cond3A_327 {
        %dma_wait3A_579 = arith.constant 0 : i32
        %dma_wait3A_580 = arith.constant 0 : i32
        %dma_wait3A_581 = arith.constant 1 : i32
        %dma_wait3A_582 = arith.constant 0 : i32
        %dma_wait3A_583 = arith.constant 0 : i32
        %dma_wait3A_584 = tpu.memref_slice %arg10[%dma_wait3A_579, %dma_wait3A_582, %dma_wait3A_583] : memref<4x64x16xf32, #tpu.memory_space<vmem>> -> memref<1x64x16xf32, #tpu.memory_space<vmem>>
        %dma_wait3A_585 = tpu.memref_squeeze %dma_wait3A_584 : memref<1x64x16xf32, #tpu.memory_space<vmem>> -> memref<64x16xf32, #tpu.memory_space<vmem>>
        %dma_wait3A_586 = arith.constant 0 : i32
        %dma_wait3A_587 = tpu.memref_slice %arg8[%dma_wait3A_580, %dma_wait3A_581, %dma_wait3A_586] : memref<4x2x64xi32, #tpu.memory_space<vmem>> -> memref<1x1x64xi32, #tpu.memory_space<vmem>>
        %dma_wait3A_588 = tpu.memref_squeeze %dma_wait3A_587 : memref<1x1x64xi32, #tpu.memory_space<vmem>> -> memref<64xi32, #tpu.memory_space<vmem>>
        %dma_wait3A_589 = arith.constant 0 : i32
        %dma_wait3A_590 = arith.constant 0 : i32
        %dma_wait3A_591 = tpu.memref_slice %arg13[%dma_wait3A_589, %dma_wait3A_590] : memref<10240x16xf32, #tpu.memory_space<vmem_shared>> -> memref<10240x16xf32, #tpu.memory_space<vmem_shared>>
        tpu.wait_indirect_dma semaphore(%arg27 : memref<!tpu.dma_semaphore, #tpu.memory_space<semaphore_mem>>) src(%dma_wait3A_585 : memref<64x16xf32, #tpu.memory_space<vmem>>) dst(%dma_wait3A_591 : memref<10240x16xf32, #tpu.memory_space<vmem_shared>>)
        %dma_wait3A_592 = arith.constant 0 : i32
        %dma_wait3A_593 = arith.constant 1 : i32
        %dma_wait3A_594 = arith.constant 0 : i32
        %dma_wait3A_595 = tpu.memref_slice %arg8[%dma_wait3A_592, %dma_wait3A_593, %dma_wait3A_594] : memref<4x2x64xi32, #tpu.memory_space<vmem>> -> memref<1x1x64xi32, #tpu.memory_space<vmem>>
        %dma_wait3A_596 = tpu.memref_squeeze %dma_wait3A_595 : memref<1x1x64xi32, #tpu.memory_space<vmem>> -> memref<64xi32, #tpu.memory_space<vmem>>
        %dma_wait3A_597 = arith.constant 0 : i32
        %dma_wait3A_598 = arith.constant 0 : i32
        %dma_wait3A_599 = tpu.memref_slice %arg14[%dma_wait3A_597, %dma_wait3A_598] : memref<10240x16xf32, #tpu.memory_space<vmem_shared>> -> memref<10240x16xf32, #tpu.memory_space<vmem_shared>>
        tpu.wait_indirect_dma semaphore(%arg27 : memref<!tpu.dma_semaphore, #tpu.memory_space<semaphore_mem>>) src(%arg11 : memref<64x16xf32, #tpu.memory_space<vmem>>) dst(%dma_wait3A_599 : memref<10240x16xf32, #tpu.memory_space<vmem_shared>>)
      } else {
      }
      %add3A_328 = arith.constant 4 : i32
      %add3A_329 = arith.addi %add3A_236, %add3A_328 : i32
      %lt3A_330 = arith.constant 160 : i32
      %lt3A_331 = arith.cmpi slt, %add3A_329, %lt3A_330 : i32
      %convert_element_type3A_332 = arith.extui %lt3A_331 : i1 to i32
      %cond3A_333 = arith.constant 0 : i32
      %cond3A_334 = arith.cmpi ne, %convert_element_type3A_332, %cond3A_333 : i32
      scf.if %cond3A_334 {
        %add3A_579 = arith.constant 4 : i32
        %add3A_580 = arith.addi %add3A_236, %add3A_579 : i32
        %dma_start3A_581 = arith.constant 0 : i32
        %dma_start3A_582 = arith.constant 0 : i32
        %dma_start3A_583 = arith.constant 0 : i32
        %dma_start3A_584 = tpu.memref_slice %arg8[%dma_start3A_581, %dma_start3A_582, %dma_start3A_583] : memref<4x2x64xi32, #tpu.memory_space<vmem>> -> memref<1x2x64xi32, #tpu.memory_space<vmem>>
        %dma_start3A_585 = tpu.memref_squeeze %dma_start3A_584 : memref<1x2x64xi32, #tpu.memory_space<vmem>> -> memref<2x64xi32, #tpu.memory_space<vmem>>
        %dma_start3A_586 = arith.constant 0 : i32
        %dma_start3A_587 = arith.constant 0 : i32
        %dma_start3A_588 = tpu.memref_slice %arg3[%add3A, %add3A_580, %dma_start3A_586, %dma_start3A_587] : memref<32x160x2x64xi32, #tpu.memory_space<hbm>> -> memref<1x1x2x64xi32, #tpu.memory_space<hbm>>
        %dma_start3A_589 = tpu.memref_squeeze %dma_start3A_588 : memref<1x1x2x64xi32, #tpu.memory_space<hbm>> -> memref<2x64xi32, #tpu.memory_space<hbm>>
        %dma_start3A_590 = arith.constant 0 : i32
        %dma_start3A_591 = arith.constant 0 : i32
        %dma_start3A_592 = tpu.memref_slice %arg8[%dma_start3A_581, %dma_start3A_590, %dma_start3A_591] : memref<4x2x64xi32, #tpu.memory_space<vmem>> -> memref<1x2x64xi32, #tpu.memory_space<vmem>>
        %dma_start3A_593 = tpu.memref_squeeze %dma_start3A_592 : memref<1x2x64xi32, #tpu.memory_space<vmem>> -> memref<2x64xi32, #tpu.memory_space<vmem>>
        %dma_start3A_594 = arith.constant 0 : i32
        %dma_start3A_595 = arith.constant 0 : i32
        %dma_start3A_596 = tpu.memref_slice %arg3[%add3A, %add3A_580, %dma_start3A_594, %dma_start3A_595] : memref<32x160x2x64xi32, #tpu.memory_space<hbm>> -> memref<1x1x2x64xi32, #tpu.memory_space<hbm>>
        %dma_start3A_597 = tpu.memref_squeeze %dma_start3A_596 : memref<1x1x2x64xi32, #tpu.memory_space<hbm>> -> memref<2x64xi32, #tpu.memory_space<hbm>>
        tpu.enqueue_dma source(%dma_start3A_597 : memref<2x64xi32, #tpu.memory_space<hbm>>) target(%dma_start3A_593 : memref<2x64xi32, #tpu.memory_space<vmem>>) target_semaphore(%arg15 : memref<!tpu.dma_semaphore, #tpu.memory_space<semaphore_mem>>)
        %mul3A_598 = arith.constant 160 : i32
        %mul3A_599 = arith.muli %add3A, %mul3A_598 : i32
        %add3A_600 = arith.addi %mul3A_599, %add3A_580 : i32
        %lt3A_601 = arith.constant 5000 : i32
        %lt3A_602 = arith.cmpi slt, %add3A_600, %lt3A_601 : i32
        %convert_element_type3A_603 = arith.extui %lt3A_602 : i1 to i32
        %cond3A_604 = arith.constant 0 : i32
        %cond3A_605 = arith.cmpi ne, %convert_element_type3A_603, %cond3A_604 : i32
        scf.if %cond3A_605 {
          %mul3A_606 = arith.constant 64 : i32
          %mul3A_607 = arith.muli %add3A_600, %mul3A_606 : i32
          %dma_start3A_608 = arith.constant 0 : i32
          %dma_start3A_609 = arith.constant 0 : i32
          %dma_start3A_610 = arith.constant 0 : i32
          %dma_start3A_611 = tpu.memref_slice %arg10[%dma_start3A_608, %dma_start3A_609, %dma_start3A_610] : memref<4x64x16xf32, #tpu.memory_space<vmem>> -> memref<1x64x16xf32, #tpu.memory_space<vmem>>
          %dma_start3A_612 = tpu.memref_squeeze %dma_start3A_611 : memref<1x64x16xf32, #tpu.memory_space<vmem>> -> memref<64x16xf32, #tpu.memory_space<vmem>>
          %dma_start3A_613 = arith.constant 0 : i32
          %dma_start3A_614 = tpu.memref_slice %arg4[%mul3A_607, %dma_start3A_613] : memref<320000x16xf32, #tpu.memory_space<hbm>> -> memref<64x16xf32, #tpu.memory_space<hbm>>
          %dma_start3A_615 = arith.constant 0 : i32
          %dma_start3A_616 = arith.constant 0 : i32
          %dma_start3A_617 = tpu.memref_slice %arg10[%dma_start3A_608, %dma_start3A_615, %dma_start3A_616] : memref<4x64x16xf32, #tpu.memory_space<vmem>> -> memref<1x64x16xf32, #tpu.memory_space<vmem>>
          %dma_start3A_618 = tpu.memref_squeeze %dma_start3A_617 : memref<1x64x16xf32, #tpu.memory_space<vmem>> -> memref<64x16xf32, #tpu.memory_space<vmem>>
          %dma_start3A_619 = arith.constant 0 : i32
          %dma_start3A_620 = tpu.memref_slice %arg4[%mul3A_607, %dma_start3A_619] : memref<320000x16xf32, #tpu.memory_space<hbm>> -> memref<64x16xf32, #tpu.memory_space<hbm>>
          tpu.enqueue_dma source(%dma_start3A_620 : memref<64x16xf32, #tpu.memory_space<hbm>>) target(%dma_start3A_618 : memref<64x16xf32, #tpu.memory_space<vmem>>) target_semaphore(%arg19 : memref<!tpu.dma_semaphore, #tpu.memory_space<semaphore_mem>>)
        } else {
        }
      } else {
      }
      %add3A_335 = arith.constant 2 : i32
      %add3A_336 = arith.addi %add3A_236, %add3A_335 : i32
      %dma_wait3A_337 = arith.constant 2 : i32
      %dma_wait3A_338 = arith.constant 0 : i32
      %dma_wait3A_339 = arith.constant 0 : i32
      %dma_wait3A_340 = tpu.memref_slice %arg8[%dma_wait3A_337, %dma_wait3A_338, %dma_wait3A_339] : memref<4x2x64xi32, #tpu.memory_space<vmem>> -> memref<1x2x64xi32, #tpu.memory_space<vmem>>
      %dma_wait3A_341 = tpu.memref_squeeze %dma_wait3A_340 : memref<1x2x64xi32, #tpu.memory_space<vmem>> -> memref<2x64xi32, #tpu.memory_space<vmem>>
      %dma_wait3A_342 = arith.constant 0 : i32
      %dma_wait3A_343 = arith.constant 0 : i32
      %dma_wait3A_344 = tpu.memref_slice %arg3[%add3A, %add3A_336, %dma_wait3A_342, %dma_wait3A_343] : memref<32x160x2x64xi32, #tpu.memory_space<hbm>> -> memref<1x1x2x64xi32, #tpu.memory_space<hbm>>
      %dma_wait3A_345 = tpu.memref_squeeze %dma_wait3A_344 : memref<1x1x2x64xi32, #tpu.memory_space<hbm>> -> memref<2x64xi32, #tpu.memory_space<hbm>>
      %dma_wait3A_346 = arith.constant 0 : i32
      %dma_wait3A_347 = arith.constant 0 : i32
      %dma_wait3A_348 = tpu.memref_slice %arg8[%dma_wait3A_337, %dma_wait3A_346, %dma_wait3A_347] : memref<4x2x64xi32, #tpu.memory_space<vmem>> -> memref<1x2x64xi32, #tpu.memory_space<vmem>>
      %dma_wait3A_349 = tpu.memref_squeeze %dma_wait3A_348 : memref<1x2x64xi32, #tpu.memory_space<vmem>> -> memref<2x64xi32, #tpu.memory_space<vmem>>
      %dma_wait3A_350 = arith.constant 0 : i32
      %dma_wait3A_351 = arith.constant 0 : i32
      %dma_wait3A_352 = tpu.memref_slice %arg3[%add3A, %add3A_336, %dma_wait3A_350, %dma_wait3A_351] : memref<32x160x2x64xi32, #tpu.memory_space<hbm>> -> memref<1x1x2x64xi32, #tpu.memory_space<hbm>>
      %dma_wait3A_353 = tpu.memref_squeeze %dma_wait3A_352 : memref<1x1x2x64xi32, #tpu.memory_space<hbm>> -> memref<2x64xi32, #tpu.memory_space<hbm>>
      tpu.wait_dma2 semaphore(%arg17 : memref<!tpu.dma_semaphore, #tpu.memory_space<semaphore_mem>>) src(%dma_wait3A_353 : memref<2x64xi32, #tpu.memory_space<hbm>>) dst(%dma_wait3A_349 : memref<2x64xi32, #tpu.memory_space<vmem>>)
      %add3A_354 = arith.constant 2 : i32
      %add3A_355 = arith.addi %add3A_236, %add3A_354 : i32
      %dma_start3A_356 = arith.constant 2 : i32
      %dma_start3A_357 = arith.constant 0 : i32
      %dma_start3A_358 = arith.constant 0 : i32
      %dma_start3A_359 = arith.constant 0 : i32
      %dma_start3A_360 = arith.constant 0 : i32
      %dma_start3A_361 = tpu.memref_slice %arg9[%dma_start3A_358, %dma_start3A_359, %dma_start3A_360] : memref<2x64x128xf32, #tpu.memory_space<vmem>> -> memref<1x64x128xf32, #tpu.memory_space<vmem>>
      %dma_start3A_362 = tpu.memref_squeeze %dma_start3A_361 : memref<1x64x128xf32, #tpu.memory_space<vmem>> -> memref<64x128xf32, #tpu.memory_space<vmem>>
      %dma_start3A_363 = arith.constant 0 : i32
      %dma_start3A_364 = tpu.memref_slice %arg8[%dma_start3A_356, %dma_start3A_357, %dma_start3A_363] : memref<4x2x64xi32, #tpu.memory_space<vmem>> -> memref<1x1x64xi32, #tpu.memory_space<vmem>>
      %dma_start3A_365 = tpu.memref_squeeze %dma_start3A_364 : memref<1x1x64xi32, #tpu.memory_space<vmem>> -> memref<64xi32, #tpu.memory_space<vmem>>
      %dma_start3A_366 = arith.constant 0 : i32
      %dma_start3A_367 = arith.constant 0 : i32
      %dma_start3A_368 = tpu.memref_slice %arg2[%dma_start3A_366, %dma_start3A_367] : memref<10000x128xf32, #tpu.memory_space<hbm>> -> memref<10000x128xf32, #tpu.memory_space<hbm>>
      tpu.enqueue_indirect_dma source(%dma_start3A_368 : memref<10000x128xf32, #tpu.memory_space<hbm>>) target(%dma_start3A_362 : memref<64x128xf32, #tpu.memory_space<vmem>>) offsets(%dma_start3A_365 : memref<64xi32, #tpu.memory_space<vmem>>) semaphore(%arg23 : memref<!tpu.dma_semaphore, #tpu.memory_space<semaphore_mem>>)
      %add3A_369 = arith.constant 1 : i32
      %add3A_370 = arith.addi %add3A_236, %add3A_369 : i32
      %dma_wait3A_371 = arith.constant 1 : i32
      %dma_wait3A_372 = arith.constant 1 : i32
      %dma_wait3A_373 = arith.constant 1 : i32
      %dma_wait3A_374 = arith.constant 0 : i32
      %dma_wait3A_375 = arith.constant 0 : i32
      %dma_wait3A_376 = tpu.memref_slice %arg9[%dma_wait3A_371, %dma_wait3A_374, %dma_wait3A_375] : memref<2x64x128xf32, #tpu.memory_space<vmem>> -> memref<1x64x128xf32, #tpu.memory_space<vmem>>
      %dma_wait3A_377 = tpu.memref_squeeze %dma_wait3A_376 : memref<1x64x128xf32, #tpu.memory_space<vmem>> -> memref<64x128xf32, #tpu.memory_space<vmem>>
      %dma_wait3A_378 = arith.constant 0 : i32
      %dma_wait3A_379 = tpu.memref_slice %arg8[%dma_wait3A_372, %dma_wait3A_373, %dma_wait3A_378] : memref<4x2x64xi32, #tpu.memory_space<vmem>> -> memref<1x1x64xi32, #tpu.memory_space<vmem>>
      %dma_wait3A_380 = tpu.memref_squeeze %dma_wait3A_379 : memref<1x1x64xi32, #tpu.memory_space<vmem>> -> memref<64xi32, #tpu.memory_space<vmem>>
      %dma_wait3A_381 = arith.constant 0 : i32
      %dma_wait3A_382 = arith.constant 0 : i32
      %dma_wait3A_383 = tpu.memref_slice %arg12[%dma_wait3A_381, %dma_wait3A_382] : memref<10240x128xf32, #tpu.memory_space<vmem_shared>> -> memref<10240x128xf32, #tpu.memory_space<vmem_shared>>
      tpu.wait_indirect_dma semaphore(%arg26 : memref<!tpu.dma_semaphore, #tpu.memory_space<semaphore_mem>>) src(%dma_wait3A_377 : memref<64x128xf32, #tpu.memory_space<vmem>>) dst(%dma_wait3A_383 : memref<10240x128xf32, #tpu.memory_space<vmem_shared>>)
      %mul3A_384 = arith.constant 160 : i32
      %mul3A_385 = arith.muli %add3A, %mul3A_384 : i32
      %add3A_386 = arith.addi %mul3A_385, %add3A_370 : i32
      %lt3A_387 = arith.constant 5000 : i32
      %lt3A_388 = arith.cmpi slt, %add3A_386, %lt3A_387 : i32
      %convert_element_type3A_389 = arith.extui %lt3A_388 : i1 to i32
      %cond3A_390 = arith.constant 0 : i32
      %cond3A_391 = arith.cmpi ne, %convert_element_type3A_389, %cond3A_390 : i32
      scf.if %cond3A_391 {
        %dma_wait3A_579 = arith.constant 1 : i32
        %dma_wait3A_580 = arith.constant 1 : i32
        %dma_wait3A_581 = arith.constant 1 : i32
        %dma_wait3A_582 = arith.constant 0 : i32
        %dma_wait3A_583 = arith.constant 0 : i32
        %dma_wait3A_584 = tpu.memref_slice %arg10[%dma_wait3A_579, %dma_wait3A_582, %dma_wait3A_583] : memref<4x64x16xf32, #tpu.memory_space<vmem>> -> memref<1x64x16xf32, #tpu.memory_space<vmem>>
        %dma_wait3A_585 = tpu.memref_squeeze %dma_wait3A_584 : memref<1x64x16xf32, #tpu.memory_space<vmem>> -> memref<64x16xf32, #tpu.memory_space<vmem>>
        %dma_wait3A_586 = arith.constant 0 : i32
        %dma_wait3A_587 = tpu.memref_slice %arg8[%dma_wait3A_580, %dma_wait3A_581, %dma_wait3A_586] : memref<4x2x64xi32, #tpu.memory_space<vmem>> -> memref<1x1x64xi32, #tpu.memory_space<vmem>>
        %dma_wait3A_588 = tpu.memref_squeeze %dma_wait3A_587 : memref<1x1x64xi32, #tpu.memory_space<vmem>> -> memref<64xi32, #tpu.memory_space<vmem>>
        %dma_wait3A_589 = arith.constant 0 : i32
        %dma_wait3A_590 = arith.constant 0 : i32
        %dma_wait3A_591 = tpu.memref_slice %arg13[%dma_wait3A_589, %dma_wait3A_590] : memref<10240x16xf32, #tpu.memory_space<vmem_shared>> -> memref<10240x16xf32, #tpu.memory_space<vmem_shared>>
        tpu.wait_indirect_dma semaphore(%arg28 : memref<!tpu.dma_semaphore, #tpu.memory_space<semaphore_mem>>) src(%dma_wait3A_585 : memref<64x16xf32, #tpu.memory_space<vmem>>) dst(%dma_wait3A_591 : memref<10240x16xf32, #tpu.memory_space<vmem_shared>>)
        %dma_wait3A_592 = arith.constant 1 : i32
        %dma_wait3A_593 = arith.constant 1 : i32
        %dma_wait3A_594 = arith.constant 0 : i32
        %dma_wait3A_595 = tpu.memref_slice %arg8[%dma_wait3A_592, %dma_wait3A_593, %dma_wait3A_594] : memref<4x2x64xi32, #tpu.memory_space<vmem>> -> memref<1x1x64xi32, #tpu.memory_space<vmem>>
        %dma_wait3A_596 = tpu.memref_squeeze %dma_wait3A_595 : memref<1x1x64xi32, #tpu.memory_space<vmem>> -> memref<64xi32, #tpu.memory_space<vmem>>
        %dma_wait3A_597 = arith.constant 0 : i32
        %dma_wait3A_598 = arith.constant 0 : i32
        %dma_wait3A_599 = tpu.memref_slice %arg14[%dma_wait3A_597, %dma_wait3A_598] : memref<10240x16xf32, #tpu.memory_space<vmem_shared>> -> memref<10240x16xf32, #tpu.memory_space<vmem_shared>>
        tpu.wait_indirect_dma semaphore(%arg28 : memref<!tpu.dma_semaphore, #tpu.memory_space<semaphore_mem>>) src(%arg11 : memref<64x16xf32, #tpu.memory_space<vmem>>) dst(%dma_wait3A_599 : memref<10240x16xf32, #tpu.memory_space<vmem_shared>>)
      } else {
      }
      %add3A_392 = arith.constant 5 : i32
      %add3A_393 = arith.addi %add3A_236, %add3A_392 : i32
      %lt3A_394 = arith.constant 160 : i32
      %lt3A_395 = arith.cmpi slt, %add3A_393, %lt3A_394 : i32
      %convert_element_type3A_396 = arith.extui %lt3A_395 : i1 to i32
      %cond3A_397 = arith.constant 0 : i32
      %cond3A_398 = arith.cmpi ne, %convert_element_type3A_396, %cond3A_397 : i32
      scf.if %cond3A_398 {
        %add3A_579 = arith.constant 5 : i32
        %add3A_580 = arith.addi %add3A_236, %add3A_579 : i32
        %dma_start3A_581 = arith.constant 1 : i32
        %dma_start3A_582 = arith.constant 0 : i32
        %dma_start3A_583 = arith.constant 0 : i32
        %dma_start3A_584 = tpu.memref_slice %arg8[%dma_start3A_581, %dma_start3A_582, %dma_start3A_583] : memref<4x2x64xi32, #tpu.memory_space<vmem>> -> memref<1x2x64xi32, #tpu.memory_space<vmem>>
        %dma_start3A_585 = tpu.memref_squeeze %dma_start3A_584 : memref<1x2x64xi32, #tpu.memory_space<vmem>> -> memref<2x64xi32, #tpu.memory_space<vmem>>
        %dma_start3A_586 = arith.constant 0 : i32
        %dma_start3A_587 = arith.constant 0 : i32
        %dma_start3A_588 = tpu.memref_slice %arg3[%add3A, %add3A_580, %dma_start3A_586, %dma_start3A_587] : memref<32x160x2x64xi32, #tpu.memory_space<hbm>> -> memref<1x1x2x64xi32, #tpu.memory_space<hbm>>
        %dma_start3A_589 = tpu.memref_squeeze %dma_start3A_588 : memref<1x1x2x64xi32, #tpu.memory_space<hbm>> -> memref<2x64xi32, #tpu.memory_space<hbm>>
        %dma_start3A_590 = arith.constant 0 : i32
        %dma_start3A_591 = arith.constant 0 : i32
        %dma_start3A_592 = tpu.memref_slice %arg8[%dma_start3A_581, %dma_start3A_590, %dma_start3A_591] : memref<4x2x64xi32, #tpu.memory_space<vmem>> -> memref<1x2x64xi32, #tpu.memory_space<vmem>>
        %dma_start3A_593 = tpu.memref_squeeze %dma_start3A_592 : memref<1x2x64xi32, #tpu.memory_space<vmem>> -> memref<2x64xi32, #tpu.memory_space<vmem>>
        %dma_start3A_594 = arith.constant 0 : i32
        %dma_start3A_595 = arith.constant 0 : i32
        %dma_start3A_596 = tpu.memref_slice %arg3[%add3A, %add3A_580, %dma_start3A_594, %dma_start3A_595] : memref<32x160x2x64xi32, #tpu.memory_space<hbm>> -> memref<1x1x2x64xi32, #tpu.memory_space<hbm>>
        %dma_start3A_597 = tpu.memref_squeeze %dma_start3A_596 : memref<1x1x2x64xi32, #tpu.memory_space<hbm>> -> memref<2x64xi32, #tpu.memory_space<hbm>>
        tpu.enqueue_dma source(%dma_start3A_597 : memref<2x64xi32, #tpu.memory_space<hbm>>) target(%dma_start3A_593 : memref<2x64xi32, #tpu.memory_space<vmem>>) target_semaphore(%arg16 : memref<!tpu.dma_semaphore, #tpu.memory_space<semaphore_mem>>)
        %mul3A_598 = arith.constant 160 : i32
        %mul3A_599 = arith.muli %add3A, %mul3A_598 : i32
        %add3A_600 = arith.addi %mul3A_599, %add3A_580 : i32
        %lt3A_601 = arith.constant 5000 : i32
        %lt3A_602 = arith.cmpi slt, %add3A_600, %lt3A_601 : i32
        %convert_element_type3A_603 = arith.extui %lt3A_602 : i1 to i32
        %cond3A_604 = arith.constant 0 : i32
        %cond3A_605 = arith.cmpi ne, %convert_element_type3A_603, %cond3A_604 : i32
        scf.if %cond3A_605 {
          %mul3A_606 = arith.constant 64 : i32
          %mul3A_607 = arith.muli %add3A_600, %mul3A_606 : i32
          %dma_start3A_608 = arith.constant 1 : i32
          %dma_start3A_609 = arith.constant 0 : i32
          %dma_start3A_610 = arith.constant 0 : i32
          %dma_start3A_611 = tpu.memref_slice %arg10[%dma_start3A_608, %dma_start3A_609, %dma_start3A_610] : memref<4x64x16xf32, #tpu.memory_space<vmem>> -> memref<1x64x16xf32, #tpu.memory_space<vmem>>
          %dma_start3A_612 = tpu.memref_squeeze %dma_start3A_611 : memref<1x64x16xf32, #tpu.memory_space<vmem>> -> memref<64x16xf32, #tpu.memory_space<vmem>>
          %dma_start3A_613 = arith.constant 0 : i32
          %dma_start3A_614 = tpu.memref_slice %arg4[%mul3A_607, %dma_start3A_613] : memref<320000x16xf32, #tpu.memory_space<hbm>> -> memref<64x16xf32, #tpu.memory_space<hbm>>
          %dma_start3A_615 = arith.constant 0 : i32
          %dma_start3A_616 = arith.constant 0 : i32
          %dma_start3A_617 = tpu.memref_slice %arg10[%dma_start3A_608, %dma_start3A_615, %dma_start3A_616] : memref<4x64x16xf32, #tpu.memory_space<vmem>> -> memref<1x64x16xf32, #tpu.memory_space<vmem>>
          %dma_start3A_618 = tpu.memref_squeeze %dma_start3A_617 : memref<1x64x16xf32, #tpu.memory_space<vmem>> -> memref<64x16xf32, #tpu.memory_space<vmem>>
          %dma_start3A_619 = arith.constant 0 : i32
          %dma_start3A_620 = tpu.memref_slice %arg4[%mul3A_607, %dma_start3A_619] : memref<320000x16xf32, #tpu.memory_space<hbm>> -> memref<64x16xf32, #tpu.memory_space<hbm>>
          tpu.enqueue_dma source(%dma_start3A_620 : memref<64x16xf32, #tpu.memory_space<hbm>>) target(%dma_start3A_618 : memref<64x16xf32, #tpu.memory_space<vmem>>) target_semaphore(%arg20 : memref<!tpu.dma_semaphore, #tpu.memory_space<semaphore_mem>>)
        } else {
        }
      } else {
      }
      %add3A_399 = arith.constant 3 : i32
      %add3A_400 = arith.addi %add3A_236, %add3A_399 : i32
      %dma_wait3A_401 = arith.constant 3 : i32
      %dma_wait3A_402 = arith.constant 0 : i32
      %dma_wait3A_403 = arith.constant 0 : i32
      %dma_wait3A_404 = tpu.memref_slice %arg8[%dma_wait3A_401, %dma_wait3A_402, %dma_wait3A_403] : memref<4x2x64xi32, #tpu.memory_space<vmem>> -> memref<1x2x64xi32, #tpu.memory_space<vmem>>
      %dma_wait3A_405 = tpu.memref_squeeze %dma_wait3A_404 : memref<1x2x64xi32, #tpu.memory_space<vmem>> -> memref<2x64xi32, #tpu.memory_space<vmem>>
      %dma_wait3A_406 = arith.constant 0 : i32
      %dma_wait3A_407 = arith.constant 0 : i32
      %dma_wait3A_408 = tpu.memref_slice %arg3[%add3A, %add3A_400, %dma_wait3A_406, %dma_wait3A_407] : memref<32x160x2x64xi32, #tpu.memory_space<hbm>> -> memref<1x1x2x64xi32, #tpu.memory_space<hbm>>
      %dma_wait3A_409 = tpu.memref_squeeze %dma_wait3A_408 : memref<1x1x2x64xi32, #tpu.memory_space<hbm>> -> memref<2x64xi32, #tpu.memory_space<hbm>>
      %dma_wait3A_410 = arith.constant 0 : i32
      %dma_wait3A_411 = arith.constant 0 : i32
      %dma_wait3A_412 = tpu.memref_slice %arg8[%dma_wait3A_401, %dma_wait3A_410, %dma_wait3A_411] : memref<4x2x64xi32, #tpu.memory_space<vmem>> -> memref<1x2x64xi32, #tpu.memory_space<vmem>>
      %dma_wait3A_413 = tpu.memref_squeeze %dma_wait3A_412 : memref<1x2x64xi32, #tpu.memory_space<vmem>> -> memref<2x64xi32, #tpu.memory_space<vmem>>
      %dma_wait3A_414 = arith.constant 0 : i32
      %dma_wait3A_415 = arith.constant 0 : i32
      %dma_wait3A_416 = tpu.memref_slice %arg3[%add3A, %add3A_400, %dma_wait3A_414, %dma_wait3A_415] : memref<32x160x2x64xi32, #tpu.memory_space<hbm>> -> memref<1x1x2x64xi32, #tpu.memory_space<hbm>>
      %dma_wait3A_417 = tpu.memref_squeeze %dma_wait3A_416 : memref<1x1x2x64xi32, #tpu.memory_space<hbm>> -> memref<2x64xi32, #tpu.memory_space<hbm>>
      tpu.wait_dma2 semaphore(%arg18 : memref<!tpu.dma_semaphore, #tpu.memory_space<semaphore_mem>>) src(%dma_wait3A_417 : memref<2x64xi32, #tpu.memory_space<hbm>>) dst(%dma_wait3A_413 : memref<2x64xi32, #tpu.memory_space<vmem>>)
      %add3A_418 = arith.constant 3 : i32
      %add3A_419 = arith.addi %add3A_236, %add3A_418 : i32
      %dma_start3A_420 = arith.constant 3 : i32
      %dma_start3A_421 = arith.constant 0 : i32
      %dma_start3A_422 = arith.constant 1 : i32
      %dma_start3A_423 = arith.constant 0 : i32
      %dma_start3A_424 = arith.constant 0 : i32
      %dma_start3A_425 = tpu.memref_slice %arg9[%dma_start3A_422, %dma_start3A_423, %dma_start3A_424] : memref<2x64x128xf32, #tpu.memory_space<vmem>> -> memref<1x64x128xf32, #tpu.memory_space<vmem>>
      %dma_start3A_426 = tpu.memref_squeeze %dma_start3A_425 : memref<1x64x128xf32, #tpu.memory_space<vmem>> -> memref<64x128xf32, #tpu.memory_space<vmem>>
      %dma_start3A_427 = arith.constant 0 : i32
      %dma_start3A_428 = tpu.memref_slice %arg8[%dma_start3A_420, %dma_start3A_421, %dma_start3A_427] : memref<4x2x64xi32, #tpu.memory_space<vmem>> -> memref<1x1x64xi32, #tpu.memory_space<vmem>>
      %dma_start3A_429 = tpu.memref_squeeze %dma_start3A_428 : memref<1x1x64xi32, #tpu.memory_space<vmem>> -> memref<64xi32, #tpu.memory_space<vmem>>
      %dma_start3A_430 = arith.constant 0 : i32
      %dma_start3A_431 = arith.constant 0 : i32
      %dma_start3A_432 = tpu.memref_slice %arg2[%dma_start3A_430, %dma_start3A_431] : memref<10000x128xf32, #tpu.memory_space<hbm>> -> memref<10000x128xf32, #tpu.memory_space<hbm>>
      tpu.enqueue_indirect_dma source(%dma_start3A_432 : memref<10000x128xf32, #tpu.memory_space<hbm>>) target(%dma_start3A_426 : memref<64x128xf32, #tpu.memory_space<vmem>>) offsets(%dma_start3A_429 : memref<64xi32, #tpu.memory_space<vmem>>) semaphore(%arg24 : memref<!tpu.dma_semaphore, #tpu.memory_space<semaphore_mem>>)
      %add3A_433 = arith.constant 2 : i32
      %add3A_434 = arith.addi %add3A_236, %add3A_433 : i32
      %dma_wait3A_435 = arith.constant 2 : i32
      %dma_wait3A_436 = arith.constant 0 : i32
      %dma_wait3A_437 = arith.constant 0 : i32
      %dma_wait3A_438 = arith.constant 0 : i32
      %dma_wait3A_439 = arith.constant 0 : i32
      %dma_wait3A_440 = tpu.memref_slice %arg9[%dma_wait3A_437, %dma_wait3A_438, %dma_wait3A_439] : memref<2x64x128xf32, #tpu.memory_space<vmem>> -> memref<1x64x128xf32, #tpu.memory_space<vmem>>
      %dma_wait3A_441 = tpu.memref_squeeze %dma_wait3A_440 : memref<1x64x128xf32, #tpu.memory_space<vmem>> -> memref<64x128xf32, #tpu.memory_space<vmem>>
      %dma_wait3A_442 = arith.constant 0 : i32
      %dma_wait3A_443 = tpu.memref_slice %arg8[%dma_wait3A_435, %dma_wait3A_436, %dma_wait3A_442] : memref<4x2x64xi32, #tpu.memory_space<vmem>> -> memref<1x1x64xi32, #tpu.memory_space<vmem>>
      %dma_wait3A_444 = tpu.memref_squeeze %dma_wait3A_443 : memref<1x1x64xi32, #tpu.memory_space<vmem>> -> memref<64xi32, #tpu.memory_space<vmem>>
      %dma_wait3A_445 = arith.constant 0 : i32
      %dma_wait3A_446 = arith.constant 0 : i32
      %dma_wait3A_447 = tpu.memref_slice %arg2[%dma_wait3A_445, %dma_wait3A_446] : memref<10000x128xf32, #tpu.memory_space<hbm>> -> memref<10000x128xf32, #tpu.memory_space<hbm>>
      tpu.wait_indirect_dma semaphore(%arg23 : memref<!tpu.dma_semaphore, #tpu.memory_space<semaphore_mem>>) src(%dma_wait3A_447 : memref<10000x128xf32, #tpu.memory_space<hbm>>) dst(%dma_wait3A_441 : memref<64x128xf32, #tpu.memory_space<vmem>>)
      %dma_start3A_448 = arith.constant 0 : i32
      %dma_start3A_449 = arith.constant 2 : i32
      %dma_start3A_450 = arith.constant 1 : i32
      %dma_start3A_451 = arith.constant 0 : i32
      %dma_start3A_452 = arith.constant 0 : i32
      %dma_start3A_453 = tpu.memref_slice %arg9[%dma_start3A_448, %dma_start3A_451, %dma_start3A_452] : memref<2x64x128xf32, #tpu.memory_space<vmem>> -> memref<1x64x128xf32, #tpu.memory_space<vmem>>
      %dma_start3A_454 = tpu.memref_squeeze %dma_start3A_453 : memref<1x64x128xf32, #tpu.memory_space<vmem>> -> memref<64x128xf32, #tpu.memory_space<vmem>>
      %dma_start3A_455 = arith.constant 0 : i32
      %dma_start3A_456 = tpu.memref_slice %arg8[%dma_start3A_449, %dma_start3A_450, %dma_start3A_455] : memref<4x2x64xi32, #tpu.memory_space<vmem>> -> memref<1x1x64xi32, #tpu.memory_space<vmem>>
      %dma_start3A_457 = tpu.memref_squeeze %dma_start3A_456 : memref<1x1x64xi32, #tpu.memory_space<vmem>> -> memref<64xi32, #tpu.memory_space<vmem>>
      %dma_start3A_458 = arith.constant 0 : i32
      %dma_start3A_459 = arith.constant 0 : i32
      %dma_start3A_460 = tpu.memref_slice %arg12[%dma_start3A_458, %dma_start3A_459] : memref<10240x128xf32, #tpu.memory_space<vmem_shared>> -> memref<10240x128xf32, #tpu.memory_space<vmem_shared>>
      tpu.enqueue_indirect_dma source(%dma_start3A_454 : memref<64x128xf32, #tpu.memory_space<vmem>>) target(%dma_start3A_460 : memref<10240x128xf32, #tpu.memory_space<vmem_shared>>) offsets(%dma_start3A_457 : memref<64xi32, #tpu.memory_space<vmem>>) semaphore(%arg25 : memref<!tpu.dma_semaphore, #tpu.memory_space<semaphore_mem>>) {add = true}
      %mul3A_461 = arith.constant 160 : i32
      %mul3A_462 = arith.muli %add3A, %mul3A_461 : i32
      %add3A_463 = arith.addi %mul3A_462, %add3A_434 : i32
      %lt3A_464 = arith.constant 5000 : i32
      %lt3A_465 = arith.cmpi slt, %add3A_463, %lt3A_464 : i32
      %convert_element_type3A_466 = arith.extui %lt3A_465 : i1 to i32
      %cond3A_467 = arith.constant 0 : i32
      %cond3A_468 = arith.cmpi ne, %convert_element_type3A_466, %cond3A_467 : i32
      scf.if %cond3A_468 {
        %mul3A_579 = arith.constant 64 : i32
        %mul3A_580 = arith.muli %add3A_463, %mul3A_579 : i32
        %dma_wait3A_581 = arith.constant 2 : i32
        %dma_wait3A_582 = arith.constant 0 : i32
        %dma_wait3A_583 = arith.constant 0 : i32
        %dma_wait3A_584 = tpu.memref_slice %arg10[%dma_wait3A_581, %dma_wait3A_582, %dma_wait3A_583] : memref<4x64x16xf32, #tpu.memory_space<vmem>> -> memref<1x64x16xf32, #tpu.memory_space<vmem>>
        %dma_wait3A_585 = tpu.memref_squeeze %dma_wait3A_584 : memref<1x64x16xf32, #tpu.memory_space<vmem>> -> memref<64x16xf32, #tpu.memory_space<vmem>>
        %dma_wait3A_586 = arith.constant 0 : i32
        %dma_wait3A_587 = tpu.memref_slice %arg4[%mul3A_580, %dma_wait3A_586] : memref<320000x16xf32, #tpu.memory_space<hbm>> -> memref<64x16xf32, #tpu.memory_space<hbm>>
        %dma_wait3A_588 = arith.constant 0 : i32
        %dma_wait3A_589 = arith.constant 0 : i32
        %dma_wait3A_590 = tpu.memref_slice %arg10[%dma_wait3A_581, %dma_wait3A_588, %dma_wait3A_589] : memref<4x64x16xf32, #tpu.memory_space<vmem>> -> memref<1x64x16xf32, #tpu.memory_space<vmem>>
        %dma_wait3A_591 = tpu.memref_squeeze %dma_wait3A_590 : memref<1x64x16xf32, #tpu.memory_space<vmem>> -> memref<64x16xf32, #tpu.memory_space<vmem>>
        %dma_wait3A_592 = arith.constant 0 : i32
        %dma_wait3A_593 = tpu.memref_slice %arg4[%mul3A_580, %dma_wait3A_592] : memref<320000x16xf32, #tpu.memory_space<hbm>> -> memref<64x16xf32, #tpu.memory_space<hbm>>
        tpu.wait_dma2 semaphore(%arg21 : memref<!tpu.dma_semaphore, #tpu.memory_space<semaphore_mem>>) src(%dma_wait3A_593 : memref<64x16xf32, #tpu.memory_space<hbm>>) dst(%dma_wait3A_591 : memref<64x16xf32, #tpu.memory_space<vmem>>)
        %dma_start3A_594 = arith.constant 2 : i32
        %dma_start3A_595 = arith.constant 2 : i32
        %dma_start3A_596 = arith.constant 1 : i32
        %dma_start3A_597 = arith.constant 0 : i32
        %dma_start3A_598 = arith.constant 0 : i32
        %dma_start3A_599 = tpu.memref_slice %arg10[%dma_start3A_594, %dma_start3A_597, %dma_start3A_598] : memref<4x64x16xf32, #tpu.memory_space<vmem>> -> memref<1x64x16xf32, #tpu.memory_space<vmem>>
        %dma_start3A_600 = tpu.memref_squeeze %dma_start3A_599 : memref<1x64x16xf32, #tpu.memory_space<vmem>> -> memref<64x16xf32, #tpu.memory_space<vmem>>
        %dma_start3A_601 = arith.constant 0 : i32
        %dma_start3A_602 = tpu.memref_slice %arg8[%dma_start3A_595, %dma_start3A_596, %dma_start3A_601] : memref<4x2x64xi32, #tpu.memory_space<vmem>> -> memref<1x1x64xi32, #tpu.memory_space<vmem>>
        %dma_start3A_603 = tpu.memref_squeeze %dma_start3A_602 : memref<1x1x64xi32, #tpu.memory_space<vmem>> -> memref<64xi32, #tpu.memory_space<vmem>>
        %dma_start3A_604 = arith.constant 0 : i32
        %dma_start3A_605 = arith.constant 0 : i32
        %dma_start3A_606 = tpu.memref_slice %arg13[%dma_start3A_604, %dma_start3A_605] : memref<10240x16xf32, #tpu.memory_space<vmem_shared>> -> memref<10240x16xf32, #tpu.memory_space<vmem_shared>>
        tpu.enqueue_indirect_dma source(%dma_start3A_600 : memref<64x16xf32, #tpu.memory_space<vmem>>) target(%dma_start3A_606 : memref<10240x16xf32, #tpu.memory_space<vmem_shared>>) offsets(%dma_start3A_603 : memref<64xi32, #tpu.memory_space<vmem>>) semaphore(%arg29 : memref<!tpu.dma_semaphore, #tpu.memory_space<semaphore_mem>>) {add = true}
        %dma_start3A_607 = arith.constant 2 : i32
        %dma_start3A_608 = arith.constant 1 : i32
        %dma_start3A_609 = arith.constant 0 : i32
        %dma_start3A_610 = tpu.memref_slice %arg8[%dma_start3A_607, %dma_start3A_608, %dma_start3A_609] : memref<4x2x64xi32, #tpu.memory_space<vmem>> -> memref<1x1x64xi32, #tpu.memory_space<vmem>>
        %dma_start3A_611 = tpu.memref_squeeze %dma_start3A_610 : memref<1x1x64xi32, #tpu.memory_space<vmem>> -> memref<64xi32, #tpu.memory_space<vmem>>
        %dma_start3A_612 = arith.constant 0 : i32
        %dma_start3A_613 = arith.constant 0 : i32
        %dma_start3A_614 = tpu.memref_slice %arg14[%dma_start3A_612, %dma_start3A_613] : memref<10240x16xf32, #tpu.memory_space<vmem_shared>> -> memref<10240x16xf32, #tpu.memory_space<vmem_shared>>
        tpu.enqueue_indirect_dma source(%arg11 : memref<64x16xf32, #tpu.memory_space<vmem>>) target(%dma_start3A_614 : memref<10240x16xf32, #tpu.memory_space<vmem_shared>>) offsets(%dma_start3A_611 : memref<64xi32, #tpu.memory_space<vmem>>) semaphore(%arg29 : memref<!tpu.dma_semaphore, #tpu.memory_space<semaphore_mem>>) {add = true}
      } else {
      }
      %add3A_469 = arith.constant 3 : i32
      %add3A_470 = arith.addi %add3A_236, %add3A_469 : i32
      %dma_wait3A_471 = arith.constant 3 : i32
      %dma_wait3A_472 = arith.constant 0 : i32
      %dma_wait3A_473 = arith.constant 1 : i32
      %dma_wait3A_474 = arith.constant 0 : i32
      %dma_wait3A_475 = arith.constant 0 : i32
      %dma_wait3A_476 = tpu.memref_slice %arg9[%dma_wait3A_473, %dma_wait3A_474, %dma_wait3A_475] : memref<2x64x128xf32, #tpu.memory_space<vmem>> -> memref<1x64x128xf32, #tpu.memory_space<vmem>>
      %dma_wait3A_477 = tpu.memref_squeeze %dma_wait3A_476 : memref<1x64x128xf32, #tpu.memory_space<vmem>> -> memref<64x128xf32, #tpu.memory_space<vmem>>
      %dma_wait3A_478 = arith.constant 0 : i32
      %dma_wait3A_479 = tpu.memref_slice %arg8[%dma_wait3A_471, %dma_wait3A_472, %dma_wait3A_478] : memref<4x2x64xi32, #tpu.memory_space<vmem>> -> memref<1x1x64xi32, #tpu.memory_space<vmem>>
      %dma_wait3A_480 = tpu.memref_squeeze %dma_wait3A_479 : memref<1x1x64xi32, #tpu.memory_space<vmem>> -> memref<64xi32, #tpu.memory_space<vmem>>
      %dma_wait3A_481 = arith.constant 0 : i32
      %dma_wait3A_482 = arith.constant 0 : i32
      %dma_wait3A_483 = tpu.memref_slice %arg2[%dma_wait3A_481, %dma_wait3A_482] : memref<10000x128xf32, #tpu.memory_space<hbm>> -> memref<10000x128xf32, #tpu.memory_space<hbm>>
      tpu.wait_indirect_dma semaphore(%arg24 : memref<!tpu.dma_semaphore, #tpu.memory_space<semaphore_mem>>) src(%dma_wait3A_483 : memref<10000x128xf32, #tpu.memory_space<hbm>>) dst(%dma_wait3A_477 : memref<64x128xf32, #tpu.memory_space<vmem>>)
      %dma_start3A_484 = arith.constant 1 : i32
      %dma_start3A_485 = arith.constant 3 : i32
      %dma_start3A_486 = arith.constant 1 : i32
      %dma_start3A_487 = arith.constant 0 : i32
      %dma_start3A_488 = arith.constant 0 : i32
      %dma_start3A_489 = tpu.memref_slice %arg9[%dma_start3A_484, %dma_start3A_487, %dma_start3A_488] : memref<2x64x128xf32, #tpu.memory_space<vmem>> -> memref<1x64x128xf32, #tpu.memory_space<vmem>>
      %dma_start3A_490 = tpu.memref_squeeze %dma_start3A_489 : memref<1x64x128xf32, #tpu.memory_space<vmem>> -> memref<64x128xf32, #tpu.memory_space<vmem>>
      %dma_start3A_491 = arith.constant 0 : i32
      %dma_start3A_492 = tpu.memref_slice %arg8[%dma_start3A_485, %dma_start3A_486, %dma_start3A_491] : memref<4x2x64xi32, #tpu.memory_space<vmem>> -> memref<1x1x64xi32, #tpu.memory_space<vmem>>
      %dma_start3A_493 = tpu.memref_squeeze %dma_start3A_492 : memref<1x1x64xi32, #tpu.memory_space<vmem>> -> memref<64xi32, #tpu.memory_space<vmem>>
      %dma_start3A_494 = arith.constant 0 : i32
      %dma_start3A_495 = arith.constant 0 : i32
      %dma_start3A_496 = tpu.memref_slice %arg12[%dma_start3A_494, %dma_start3A_495] : memref<10240x128xf32, #tpu.memory_space<vmem_shared>> -> memref<10240x128xf32, #tpu.memory_space<vmem_shared>>
      tpu.enqueue_indirect_dma source(%dma_start3A_490 : memref<64x128xf32, #tpu.memory_space<vmem>>) target(%dma_start3A_496 : memref<10240x128xf32, #tpu.memory_space<vmem_shared>>) offsets(%dma_start3A_493 : memref<64xi32, #tpu.memory_space<vmem>>) semaphore(%arg26 : memref<!tpu.dma_semaphore, #tpu.memory_space<semaphore_mem>>) {add = true}
      %mul3A_497 = arith.constant 160 : i32
      %mul3A_498 = arith.muli %add3A, %mul3A_497 : i32
      %add3A_499 = arith.addi %mul3A_498, %add3A_470 : i32
      %lt3A_500 = arith.constant 5000 : i32
      %lt3A_501 = arith.cmpi slt, %add3A_499, %lt3A_500 : i32
      %convert_element_type3A_502 = arith.extui %lt3A_501 : i1 to i32
      %cond3A_503 = arith.constant 0 : i32
      %cond3A_504 = arith.cmpi ne, %convert_element_type3A_502, %cond3A_503 : i32
      scf.if %cond3A_504 {
        %mul3A_579 = arith.constant 64 : i32
        %mul3A_580 = arith.muli %add3A_499, %mul3A_579 : i32
        %dma_wait3A_581 = arith.constant 3 : i32
        %dma_wait3A_582 = arith.constant 0 : i32
        %dma_wait3A_583 = arith.constant 0 : i32
        %dma_wait3A_584 = tpu.memref_slice %arg10[%dma_wait3A_581, %dma_wait3A_582, %dma_wait3A_583] : memref<4x64x16xf32, #tpu.memory_space<vmem>> -> memref<1x64x16xf32, #tpu.memory_space<vmem>>
        %dma_wait3A_585 = tpu.memref_squeeze %dma_wait3A_584 : memref<1x64x16xf32, #tpu.memory_space<vmem>> -> memref<64x16xf32, #tpu.memory_space<vmem>>
        %dma_wait3A_586 = arith.constant 0 : i32
        %dma_wait3A_587 = tpu.memref_slice %arg4[%mul3A_580, %dma_wait3A_586] : memref<320000x16xf32, #tpu.memory_space<hbm>> -> memref<64x16xf32, #tpu.memory_space<hbm>>
        %dma_wait3A_588 = arith.constant 0 : i32
        %dma_wait3A_589 = arith.constant 0 : i32
        %dma_wait3A_590 = tpu.memref_slice %arg10[%dma_wait3A_581, %dma_wait3A_588, %dma_wait3A_589] : memref<4x64x16xf32, #tpu.memory_space<vmem>> -> memref<1x64x16xf32, #tpu.memory_space<vmem>>
        %dma_wait3A_591 = tpu.memref_squeeze %dma_wait3A_590 : memref<1x64x16xf32, #tpu.memory_space<vmem>> -> memref<64x16xf32, #tpu.memory_space<vmem>>
        %dma_wait3A_592 = arith.constant 0 : i32
        %dma_wait3A_593 = tpu.memref_slice %arg4[%mul3A_580, %dma_wait3A_592] : memref<320000x16xf32, #tpu.memory_space<hbm>> -> memref<64x16xf32, #tpu.memory_space<hbm>>
        tpu.wait_dma2 semaphore(%arg22 : memref<!tpu.dma_semaphore, #tpu.memory_space<semaphore_mem>>) src(%dma_wait3A_593 : memref<64x16xf32, #tpu.memory_space<hbm>>) dst(%dma_wait3A_591 : memref<64x16xf32, #tpu.memory_space<vmem>>)
        %dma_start3A_594 = arith.constant 3 : i32
        %dma_start3A_595 = arith.constant 3 : i32
        %dma_start3A_596 = arith.constant 1 : i32
        %dma_start3A_597 = arith.constant 0 : i32
        %dma_start3A_598 = arith.constant 0 : i32
        %dma_start3A_599 = tpu.memref_slice %arg10[%dma_start3A_594, %dma_start3A_597, %dma_start3A_598] : memref<4x64x16xf32, #tpu.memory_space<vmem>> -> memref<1x64x16xf32, #tpu.memory_space<vmem>>
        %dma_start3A_600 = tpu.memref_squeeze %dma_start3A_599 : memref<1x64x16xf32, #tpu.memory_space<vmem>> -> memref<64x16xf32, #tpu.memory_space<vmem>>
        %dma_start3A_601 = arith.constant 0 : i32
        %dma_start3A_602 = tpu.memref_slice %arg8[%dma_start3A_595, %dma_start3A_596, %dma_start3A_601] : memref<4x2x64xi32, #tpu.memory_space<vmem>> -> memref<1x1x64xi32, #tpu.memory_space<vmem>>
        %dma_start3A_603 = tpu.memref_squeeze %dma_start3A_602 : memref<1x1x64xi32, #tpu.memory_space<vmem>> -> memref<64xi32, #tpu.memory_space<vmem>>
        %dma_start3A_604 = arith.constant 0 : i32
        %dma_start3A_605 = arith.constant 0 : i32
        %dma_start3A_606 = tpu.memref_slice %arg13[%dma_start3A_604, %dma_start3A_605] : memref<10240x16xf32, #tpu.memory_space<vmem_shared>> -> memref<10240x16xf32, #tpu.memory_space<vmem_shared>>
        tpu.enqueue_indirect_dma source(%dma_start3A_600 : memref<64x16xf32, #tpu.memory_space<vmem>>) target(%dma_start3A_606 : memref<10240x16xf32, #tpu.memory_space<vmem_shared>>) offsets(%dma_start3A_603 : memref<64xi32, #tpu.memory_space<vmem>>) semaphore(%arg30 : memref<!tpu.dma_semaphore, #tpu.memory_space<semaphore_mem>>) {add = true}
        %dma_start3A_607 = arith.constant 3 : i32
        %dma_start3A_608 = arith.constant 1 : i32
        %dma_start3A_609 = arith.constant 0 : i32
        %dma_start3A_610 = tpu.memref_slice %arg8[%dma_start3A_607, %dma_start3A_608, %dma_start3A_609] : memref<4x2x64xi32, #tpu.memory_space<vmem>> -> memref<1x1x64xi32, #tpu.memory_space<vmem>>
        %dma_start3A_611 = tpu.memref_squeeze %dma_start3A_610 : memref<1x1x64xi32, #tpu.memory_space<vmem>> -> memref<64xi32, #tpu.memory_space<vmem>>
        %dma_start3A_612 = arith.constant 0 : i32
        %dma_start3A_613 = arith.constant 0 : i32
        %dma_start3A_614 = tpu.memref_slice %arg14[%dma_start3A_612, %dma_start3A_613] : memref<10240x16xf32, #tpu.memory_space<vmem_shared>> -> memref<10240x16xf32, #tpu.memory_space<vmem_shared>>
        tpu.enqueue_indirect_dma source(%arg11 : memref<64x16xf32, #tpu.memory_space<vmem>>) target(%dma_start3A_614 : memref<10240x16xf32, #tpu.memory_space<vmem_shared>>) offsets(%dma_start3A_611 : memref<64xi32, #tpu.memory_space<vmem>>) semaphore(%arg30 : memref<!tpu.dma_semaphore, #tpu.memory_space<semaphore_mem>>) {add = true}
      } else {
      }
      %add3A_505 = arith.constant 2 : i32
      %add3A_506 = arith.addi %add3A_236, %add3A_505 : i32
      %dma_wait3A_507 = arith.constant 0 : i32
      %dma_wait3A_508 = arith.constant 2 : i32
      %dma_wait3A_509 = arith.constant 1 : i32
      %dma_wait3A_510 = arith.constant 0 : i32
      %dma_wait3A_511 = arith.constant 0 : i32
      %dma_wait3A_512 = tpu.memref_slice %arg9[%dma_wait3A_507, %dma_wait3A_510, %dma_wait3A_511] : memref<2x64x128xf32, #tpu.memory_space<vmem>> -> memref<1x64x128xf32, #tpu.memory_space<vmem>>
      %dma_wait3A_513 = tpu.memref_squeeze %dma_wait3A_512 : memref<1x64x128xf32, #tpu.memory_space<vmem>> -> memref<64x128xf32, #tpu.memory_space<vmem>>
      %dma_wait3A_514 = arith.constant 0 : i32
      %dma_wait3A_515 = tpu.memref_slice %arg8[%dma_wait3A_508, %dma_wait3A_509, %dma_wait3A_514] : memref<4x2x64xi32, #tpu.memory_space<vmem>> -> memref<1x1x64xi32, #tpu.memory_space<vmem>>
      %dma_wait3A_516 = tpu.memref_squeeze %dma_wait3A_515 : memref<1x1x64xi32, #tpu.memory_space<vmem>> -> memref<64xi32, #tpu.memory_space<vmem>>
      %dma_wait3A_517 = arith.constant 0 : i32
      %dma_wait3A_518 = arith.constant 0 : i32
      %dma_wait3A_519 = tpu.memref_slice %arg12[%dma_wait3A_517, %dma_wait3A_518] : memref<10240x128xf32, #tpu.memory_space<vmem_shared>> -> memref<10240x128xf32, #tpu.memory_space<vmem_shared>>
      tpu.wait_indirect_dma semaphore(%arg25 : memref<!tpu.dma_semaphore, #tpu.memory_space<semaphore_mem>>) src(%dma_wait3A_513 : memref<64x128xf32, #tpu.memory_space<vmem>>) dst(%dma_wait3A_519 : memref<10240x128xf32, #tpu.memory_space<vmem_shared>>)
      %mul3A_520 = arith.constant 160 : i32
      %mul3A_521 = arith.muli %add3A, %mul3A_520 : i32
      %add3A_522 = arith.addi %mul3A_521, %add3A_506 : i32
      %lt3A_523 = arith.constant 5000 : i32
      %lt3A_524 = arith.cmpi slt, %add3A_522, %lt3A_523 : i32
      %convert_element_type3A_525 = arith.extui %lt3A_524 : i1 to i32
      %cond3A_526 = arith.constant 0 : i32
      %cond3A_527 = arith.cmpi ne, %convert_element_type3A_525, %cond3A_526 : i32
      scf.if %cond3A_527 {
        %dma_wait3A_579 = arith.constant 2 : i32
        %dma_wait3A_580 = arith.constant 2 : i32
        %dma_wait3A_581 = arith.constant 1 : i32
        %dma_wait3A_582 = arith.constant 0 : i32
        %dma_wait3A_583 = arith.constant 0 : i32
        %dma_wait3A_584 = tpu.memref_slice %arg10[%dma_wait3A_579, %dma_wait3A_582, %dma_wait3A_583] : memref<4x64x16xf32, #tpu.memory_space<vmem>> -> memref<1x64x16xf32, #tpu.memory_space<vmem>>
        %dma_wait3A_585 = tpu.memref_squeeze %dma_wait3A_584 : memref<1x64x16xf32, #tpu.memory_space<vmem>> -> memref<64x16xf32, #tpu.memory_space<vmem>>
        %dma_wait3A_586 = arith.constant 0 : i32
        %dma_wait3A_587 = tpu.memref_slice %arg8[%dma_wait3A_580, %dma_wait3A_581, %dma_wait3A_586] : memref<4x2x64xi32, #tpu.memory_space<vmem>> -> memref<1x1x64xi32, #tpu.memory_space<vmem>>
        %dma_wait3A_588 = tpu.memref_squeeze %dma_wait3A_587 : memref<1x1x64xi32, #tpu.memory_space<vmem>> -> memref<64xi32, #tpu.memory_space<vmem>>
        %dma_wait3A_589 = arith.constant 0 : i32
        %dma_wait3A_590 = arith.constant 0 : i32
        %dma_wait3A_591 = tpu.memref_slice %arg13[%dma_wait3A_589, %dma_wait3A_590] : memref<10240x16xf32, #tpu.memory_space<vmem_shared>> -> memref<10240x16xf32, #tpu.memory_space<vmem_shared>>
        tpu.wait_indirect_dma semaphore(%arg29 : memref<!tpu.dma_semaphore, #tpu.memory_space<semaphore_mem>>) src(%dma_wait3A_585 : memref<64x16xf32, #tpu.memory_space<vmem>>) dst(%dma_wait3A_591 : memref<10240x16xf32, #tpu.memory_space<vmem_shared>>)
        %dma_wait3A_592 = arith.constant 2 : i32
        %dma_wait3A_593 = arith.constant 1 : i32
        %dma_wait3A_594 = arith.constant 0 : i32
        %dma_wait3A_595 = tpu.memref_slice %arg8[%dma_wait3A_592, %dma_wait3A_593, %dma_wait3A_594] : memref<4x2x64xi32, #tpu.memory_space<vmem>> -> memref<1x1x64xi32, #tpu.memory_space<vmem>>
        %dma_wait3A_596 = tpu.memref_squeeze %dma_wait3A_595 : memref<1x1x64xi32, #tpu.memory_space<vmem>> -> memref<64xi32, #tpu.memory_space<vmem>>
        %dma_wait3A_597 = arith.constant 0 : i32
        %dma_wait3A_598 = arith.constant 0 : i32
        %dma_wait3A_599 = tpu.memref_slice %arg14[%dma_wait3A_597, %dma_wait3A_598] : memref<10240x16xf32, #tpu.memory_space<vmem_shared>> -> memref<10240x16xf32, #tpu.memory_space<vmem_shared>>
        tpu.wait_indirect_dma semaphore(%arg29 : memref<!tpu.dma_semaphore, #tpu.memory_space<semaphore_mem>>) src(%arg11 : memref<64x16xf32, #tpu.memory_space<vmem>>) dst(%dma_wait3A_599 : memref<10240x16xf32, #tpu.memory_space<vmem_shared>>)
      } else {
      }
      %add3A_528 = arith.constant 6 : i32
      %add3A_529 = arith.addi %add3A_236, %add3A_528 : i32
      %lt3A_530 = arith.constant 160 : i32
      %lt3A_531 = arith.cmpi slt, %add3A_529, %lt3A_530 : i32
      %convert_element_type3A_532 = arith.extui %lt3A_531 : i1 to i32
      %cond3A_533 = arith.constant 0 : i32
      %cond3A_534 = arith.cmpi ne, %convert_element_type3A_532, %cond3A_533 : i32
      scf.if %cond3A_534 {
        %add3A_579 = arith.constant 6 : i32
        %add3A_580 = arith.addi %add3A_236, %add3A_579 : i32
        %dma_start3A_581 = arith.constant 2 : i32
        %dma_start3A_582 = arith.constant 0 : i32
        %dma_start3A_583 = arith.constant 0 : i32
        %dma_start3A_584 = tpu.memref_slice %arg8[%dma_start3A_581, %dma_start3A_582, %dma_start3A_583] : memref<4x2x64xi32, #tpu.memory_space<vmem>> -> memref<1x2x64xi32, #tpu.memory_space<vmem>>
        %dma_start3A_585 = tpu.memref_squeeze %dma_start3A_584 : memref<1x2x64xi32, #tpu.memory_space<vmem>> -> memref<2x64xi32, #tpu.memory_space<vmem>>
        %dma_start3A_586 = arith.constant 0 : i32
        %dma_start3A_587 = arith.constant 0 : i32
        %dma_start3A_588 = tpu.memref_slice %arg3[%add3A, %add3A_580, %dma_start3A_586, %dma_start3A_587] : memref<32x160x2x64xi32, #tpu.memory_space<hbm>> -> memref<1x1x2x64xi32, #tpu.memory_space<hbm>>
        %dma_start3A_589 = tpu.memref_squeeze %dma_start3A_588 : memref<1x1x2x64xi32, #tpu.memory_space<hbm>> -> memref<2x64xi32, #tpu.memory_space<hbm>>
        %dma_start3A_590 = arith.constant 0 : i32
        %dma_start3A_591 = arith.constant 0 : i32
        %dma_start3A_592 = tpu.memref_slice %arg8[%dma_start3A_581, %dma_start3A_590, %dma_start3A_591] : memref<4x2x64xi32, #tpu.memory_space<vmem>> -> memref<1x2x64xi32, #tpu.memory_space<vmem>>
        %dma_start3A_593 = tpu.memref_squeeze %dma_start3A_592 : memref<1x2x64xi32, #tpu.memory_space<vmem>> -> memref<2x64xi32, #tpu.memory_space<vmem>>
        %dma_start3A_594 = arith.constant 0 : i32
        %dma_start3A_595 = arith.constant 0 : i32
        %dma_start3A_596 = tpu.memref_slice %arg3[%add3A, %add3A_580, %dma_start3A_594, %dma_start3A_595] : memref<32x160x2x64xi32, #tpu.memory_space<hbm>> -> memref<1x1x2x64xi32, #tpu.memory_space<hbm>>
        %dma_start3A_597 = tpu.memref_squeeze %dma_start3A_596 : memref<1x1x2x64xi32, #tpu.memory_space<hbm>> -> memref<2x64xi32, #tpu.memory_space<hbm>>
        tpu.enqueue_dma source(%dma_start3A_597 : memref<2x64xi32, #tpu.memory_space<hbm>>) target(%dma_start3A_593 : memref<2x64xi32, #tpu.memory_space<vmem>>) target_semaphore(%arg17 : memref<!tpu.dma_semaphore, #tpu.memory_space<semaphore_mem>>)
        %mul3A_598 = arith.constant 160 : i32
        %mul3A_599 = arith.muli %add3A, %mul3A_598 : i32
        %add3A_600 = arith.addi %mul3A_599, %add3A_580 : i32
        %lt3A_601 = arith.constant 5000 : i32
        %lt3A_602 = arith.cmpi slt, %add3A_600, %lt3A_601 : i32
        %convert_element_type3A_603 = arith.extui %lt3A_602 : i1 to i32
        %cond3A_604 = arith.constant 0 : i32
        %cond3A_605 = arith.cmpi ne, %convert_element_type3A_603, %cond3A_604 : i32
        scf.if %cond3A_605 {
          %mul3A_606 = arith.constant 64 : i32
          %mul3A_607 = arith.muli %add3A_600, %mul3A_606 : i32
          %dma_start3A_608 = arith.constant 2 : i32
          %dma_start3A_609 = arith.constant 0 : i32
          %dma_start3A_610 = arith.constant 0 : i32
          %dma_start3A_611 = tpu.memref_slice %arg10[%dma_start3A_608, %dma_start3A_609, %dma_start3A_610] : memref<4x64x16xf32, #tpu.memory_space<vmem>> -> memref<1x64x16xf32, #tpu.memory_space<vmem>>
          %dma_start3A_612 = tpu.memref_squeeze %dma_start3A_611 : memref<1x64x16xf32, #tpu.memory_space<vmem>> -> memref<64x16xf32, #tpu.memory_space<vmem>>
          %dma_start3A_613 = arith.constant 0 : i32
          %dma_start3A_614 = tpu.memref_slice %arg4[%mul3A_607, %dma_start3A_613] : memref<320000x16xf32, #tpu.memory_space<hbm>> -> memref<64x16xf32, #tpu.memory_space<hbm>>
          %dma_start3A_615 = arith.constant 0 : i32
          %dma_start3A_616 = arith.constant 0 : i32
          %dma_start3A_617 = tpu.memref_slice %arg10[%dma_start3A_608, %dma_start3A_615, %dma_start3A_616] : memref<4x64x16xf32, #tpu.memory_space<vmem>> -> memref<1x64x16xf32, #tpu.memory_space<vmem>>
          %dma_start3A_618 = tpu.memref_squeeze %dma_start3A_617 : memref<1x64x16xf32, #tpu.memory_space<vmem>> -> memref<64x16xf32, #tpu.memory_space<vmem>>
          %dma_start3A_619 = arith.constant 0 : i32
          %dma_start3A_620 = tpu.memref_slice %arg4[%mul3A_607, %dma_start3A_619] : memref<320000x16xf32, #tpu.memory_space<hbm>> -> memref<64x16xf32, #tpu.memory_space<hbm>>
          tpu.enqueue_dma source(%dma_start3A_620 : memref<64x16xf32, #tpu.memory_space<hbm>>) target(%dma_start3A_618 : memref<64x16xf32, #tpu.memory_space<vmem>>) target_semaphore(%arg21 : memref<!tpu.dma_semaphore, #tpu.memory_space<semaphore_mem>>)
        } else {
        }
      } else {
      }
      %add3A_535 = arith.constant 4 : i32
      %add3A_536 = arith.addi %add3A_236, %add3A_535 : i32
      %lt3A_537 = arith.constant 160 : i32
      %lt3A_538 = arith.cmpi slt, %add3A_536, %lt3A_537 : i32
      %convert_element_type3A_539 = arith.extui %lt3A_538 : i1 to i32
      %cond3A_540 = arith.constant 0 : i32
      %cond3A_541 = arith.cmpi ne, %convert_element_type3A_539, %cond3A_540 : i32
      scf.if %cond3A_541 {
        %add3A_579 = arith.constant 4 : i32
        %add3A_580 = arith.addi %add3A_236, %add3A_579 : i32
        %dma_wait3A_581 = arith.constant 0 : i32
        %dma_wait3A_582 = arith.constant 0 : i32
        %dma_wait3A_583 = arith.constant 0 : i32
        %dma_wait3A_584 = tpu.memref_slice %arg8[%dma_wait3A_581, %dma_wait3A_582, %dma_wait3A_583] : memref<4x2x64xi32, #tpu.memory_space<vmem>> -> memref<1x2x64xi32, #tpu.memory_space<vmem>>
        %dma_wait3A_585 = tpu.memref_squeeze %dma_wait3A_584 : memref<1x2x64xi32, #tpu.memory_space<vmem>> -> memref<2x64xi32, #tpu.memory_space<vmem>>
        %dma_wait3A_586 = arith.constant 0 : i32
        %dma_wait3A_587 = arith.constant 0 : i32
        %dma_wait3A_588 = tpu.memref_slice %arg3[%add3A, %add3A_580, %dma_wait3A_586, %dma_wait3A_587] : memref<32x160x2x64xi32, #tpu.memory_space<hbm>> -> memref<1x1x2x64xi32, #tpu.memory_space<hbm>>
        %dma_wait3A_589 = tpu.memref_squeeze %dma_wait3A_588 : memref<1x1x2x64xi32, #tpu.memory_space<hbm>> -> memref<2x64xi32, #tpu.memory_space<hbm>>
        %dma_wait3A_590 = arith.constant 0 : i32
        %dma_wait3A_591 = arith.constant 0 : i32
        %dma_wait3A_592 = tpu.memref_slice %arg8[%dma_wait3A_581, %dma_wait3A_590, %dma_wait3A_591] : memref<4x2x64xi32, #tpu.memory_space<vmem>> -> memref<1x2x64xi32, #tpu.memory_space<vmem>>
        %dma_wait3A_593 = tpu.memref_squeeze %dma_wait3A_592 : memref<1x2x64xi32, #tpu.memory_space<vmem>> -> memref<2x64xi32, #tpu.memory_space<vmem>>
        %dma_wait3A_594 = arith.constant 0 : i32
        %dma_wait3A_595 = arith.constant 0 : i32
        %dma_wait3A_596 = tpu.memref_slice %arg3[%add3A, %add3A_580, %dma_wait3A_594, %dma_wait3A_595] : memref<32x160x2x64xi32, #tpu.memory_space<hbm>> -> memref<1x1x2x64xi32, #tpu.memory_space<hbm>>
        %dma_wait3A_597 = tpu.memref_squeeze %dma_wait3A_596 : memref<1x1x2x64xi32, #tpu.memory_space<hbm>> -> memref<2x64xi32, #tpu.memory_space<hbm>>
        tpu.wait_dma2 semaphore(%arg15 : memref<!tpu.dma_semaphore, #tpu.memory_space<semaphore_mem>>) src(%dma_wait3A_597 : memref<2x64xi32, #tpu.memory_space<hbm>>) dst(%dma_wait3A_593 : memref<2x64xi32, #tpu.memory_space<vmem>>)
        %add3A_598 = arith.constant 4 : i32
        %add3A_599 = arith.addi %add3A_236, %add3A_598 : i32
        %dma_start3A_600 = arith.constant 0 : i32
        %dma_start3A_601 = arith.constant 0 : i32
        %dma_start3A_602 = arith.constant 0 : i32
        %dma_start3A_603 = arith.constant 0 : i32
        %dma_start3A_604 = arith.constant 0 : i32
        %dma_start3A_605 = tpu.memref_slice %arg9[%dma_start3A_602, %dma_start3A_603, %dma_start3A_604] : memref<2x64x128xf32, #tpu.memory_space<vmem>> -> memref<1x64x128xf32, #tpu.memory_space<vmem>>
        %dma_start3A_606 = tpu.memref_squeeze %dma_start3A_605 : memref<1x64x128xf32, #tpu.memory_space<vmem>> -> memref<64x128xf32, #tpu.memory_space<vmem>>
        %dma_start3A_607 = arith.constant 0 : i32
        %dma_start3A_608 = tpu.memref_slice %arg8[%dma_start3A_600, %dma_start3A_601, %dma_start3A_607] : memref<4x2x64xi32, #tpu.memory_space<vmem>> -> memref<1x1x64xi32, #tpu.memory_space<vmem>>
        %dma_start3A_609 = tpu.memref_squeeze %dma_start3A_608 : memref<1x1x64xi32, #tpu.memory_space<vmem>> -> memref<64xi32, #tpu.memory_space<vmem>>
        %dma_start3A_610 = arith.constant 0 : i32
        %dma_start3A_611 = arith.constant 0 : i32
        %dma_start3A_612 = tpu.memref_slice %arg2[%dma_start3A_610, %dma_start3A_611] : memref<10000x128xf32, #tpu.memory_space<hbm>> -> memref<10000x128xf32, #tpu.memory_space<hbm>>
        tpu.enqueue_indirect_dma source(%dma_start3A_612 : memref<10000x128xf32, #tpu.memory_space<hbm>>) target(%dma_start3A_606 : memref<64x128xf32, #tpu.memory_space<vmem>>) offsets(%dma_start3A_609 : memref<64xi32, #tpu.memory_space<vmem>>) semaphore(%arg23 : memref<!tpu.dma_semaphore, #tpu.memory_space<semaphore_mem>>)
      } else {
      }
      %add3A_542 = arith.constant 3 : i32
      %add3A_543 = arith.addi %add3A_236, %add3A_542 : i32
      %dma_wait3A_544 = arith.constant 1 : i32
      %dma_wait3A_545 = arith.constant 3 : i32
      %dma_wait3A_546 = arith.constant 1 : i32
      %dma_wait3A_547 = arith.constant 0 : i32
      %dma_wait3A_548 = arith.constant 0 : i32
      %dma_wait3A_549 = tpu.memref_slice %arg9[%dma_wait3A_544, %dma_wait3A_547, %dma_wait3A_548] : memref<2x64x128xf32, #tpu.memory_space<vmem>> -> memref<1x64x128xf32, #tpu.memory_space<vmem>>
      %dma_wait3A_550 = tpu.memref_squeeze %dma_wait3A_549 : memref<1x64x128xf32, #tpu.memory_space<vmem>> -> memref<64x128xf32, #tpu.memory_space<vmem>>
      %dma_wait3A_551 = arith.constant 0 : i32
      %dma_wait3A_552 = tpu.memref_slice %arg8[%dma_wait3A_545, %dma_wait3A_546, %dma_wait3A_551] : memref<4x2x64xi32, #tpu.memory_space<vmem>> -> memref<1x1x64xi32, #tpu.memory_space<vmem>>
      %dma_wait3A_553 = tpu.memref_squeeze %dma_wait3A_552 : memref<1x1x64xi32, #tpu.memory_space<vmem>> -> memref<64xi32, #tpu.memory_space<vmem>>
      %dma_wait3A_554 = arith.constant 0 : i32
      %dma_wait3A_555 = arith.constant 0 : i32
      %dma_wait3A_556 = tpu.memref_slice %arg12[%dma_wait3A_554, %dma_wait3A_555] : memref<10240x128xf32, #tpu.memory_space<vmem_shared>> -> memref<10240x128xf32, #tpu.memory_space<vmem_shared>>
      tpu.wait_indirect_dma semaphore(%arg26 : memref<!tpu.dma_semaphore, #tpu.memory_space<semaphore_mem>>) src(%dma_wait3A_550 : memref<64x128xf32, #tpu.memory_space<vmem>>) dst(%dma_wait3A_556 : memref<10240x128xf32, #tpu.memory_space<vmem_shared>>)
      %mul3A_557 = arith.constant 160 : i32
      %mul3A_558 = arith.muli %add3A, %mul3A_557 : i32
      %add3A_559 = arith.addi %mul3A_558, %add3A_543 : i32
      %lt3A_560 = arith.constant 5000 : i32
      %lt3A_561 = arith.cmpi slt, %add3A_559, %lt3A_560 : i32
      %convert_element_type3A_562 = arith.extui %lt3A_561 : i1 to i32
      %cond3A_563 = arith.constant 0 : i32
      %cond3A_564 = arith.cmpi ne, %convert_element_type3A_562, %cond3A_563 : i32
      scf.if %cond3A_564 {
        %dma_wait3A_579 = arith.constant 3 : i32
        %dma_wait3A_580 = arith.constant 3 : i32
        %dma_wait3A_581 = arith.constant 1 : i32
        %dma_wait3A_582 = arith.constant 0 : i32
        %dma_wait3A_583 = arith.constant 0 : i32
        %dma_wait3A_584 = tpu.memref_slice %arg10[%dma_wait3A_579, %dma_wait3A_582, %dma_wait3A_583] : memref<4x64x16xf32, #tpu.memory_space<vmem>> -> memref<1x64x16xf32, #tpu.memory_space<vmem>>
        %dma_wait3A_585 = tpu.memref_squeeze %dma_wait3A_584 : memref<1x64x16xf32, #tpu.memory_space<vmem>> -> memref<64x16xf32, #tpu.memory_space<vmem>>
        %dma_wait3A_586 = arith.constant 0 : i32
        %dma_wait3A_587 = tpu.memref_slice %arg8[%dma_wait3A_580, %dma_wait3A_581, %dma_wait3A_586] : memref<4x2x64xi32, #tpu.memory_space<vmem>> -> memref<1x1x64xi32, #tpu.memory_space<vmem>>
        %dma_wait3A_588 = tpu.memref_squeeze %dma_wait3A_587 : memref<1x1x64xi32, #tpu.memory_space<vmem>> -> memref<64xi32, #tpu.memory_space<vmem>>
        %dma_wait3A_589 = arith.constant 0 : i32
        %dma_wait3A_590 = arith.constant 0 : i32
        %dma_wait3A_591 = tpu.memref_slice %arg13[%dma_wait3A_589, %dma_wait3A_590] : memref<10240x16xf32, #tpu.memory_space<vmem_shared>> -> memref<10240x16xf32, #tpu.memory_space<vmem_shared>>
        tpu.wait_indirect_dma semaphore(%arg30 : memref<!tpu.dma_semaphore, #tpu.memory_space<semaphore_mem>>) src(%dma_wait3A_585 : memref<64x16xf32, #tpu.memory_space<vmem>>) dst(%dma_wait3A_591 : memref<10240x16xf32, #tpu.memory_space<vmem_shared>>)
        %dma_wait3A_592 = arith.constant 3 : i32
        %dma_wait3A_593 = arith.constant 1 : i32
        %dma_wait3A_594 = arith.constant 0 : i32
        %dma_wait3A_595 = tpu.memref_slice %arg8[%dma_wait3A_592, %dma_wait3A_593, %dma_wait3A_594] : memref<4x2x64xi32, #tpu.memory_space<vmem>> -> memref<1x1x64xi32, #tpu.memory_space<vmem>>
        %dma_wait3A_596 = tpu.memref_squeeze %dma_wait3A_595 : memref<1x1x64xi32, #tpu.memory_space<vmem>> -> memref<64xi32, #tpu.memory_space<vmem>>
        %dma_wait3A_597 = arith.constant 0 : i32
        %dma_wait3A_598 = arith.constant 0 : i32
        %dma_wait3A_599 = tpu.memref_slice %arg14[%dma_wait3A_597, %dma_wait3A_598] : memref<10240x16xf32, #tpu.memory_space<vmem_shared>> -> memref<10240x16xf32, #tpu.memory_space<vmem_shared>>
        tpu.wait_indirect_dma semaphore(%arg30 : memref<!tpu.dma_semaphore, #tpu.memory_space<semaphore_mem>>) src(%arg11 : memref<64x16xf32, #tpu.memory_space<vmem>>) dst(%dma_wait3A_599 : memref<10240x16xf32, #tpu.memory_space<vmem_shared>>)
      } else {
      }
      %add3A_565 = arith.constant 7 : i32
      %add3A_566 = arith.addi %add3A_236, %add3A_565 : i32
      %lt3A_567 = arith.constant 160 : i32
      %lt3A_568 = arith.cmpi slt, %add3A_566, %lt3A_567 : i32
      %convert_element_type3A_569 = arith.extui %lt3A_568 : i1 to i32
      %cond3A_570 = arith.constant 0 : i32
      %cond3A_571 = arith.cmpi ne, %convert_element_type3A_569, %cond3A_570 : i32
      scf.if %cond3A_571 {
        %add3A_579 = arith.constant 7 : i32
        %add3A_580 = arith.addi %add3A_236, %add3A_579 : i32
        %dma_start3A_581 = arith.constant 3 : i32
        %dma_start3A_582 = arith.constant 0 : i32
        %dma_start3A_583 = arith.constant 0 : i32
        %dma_start3A_584 = tpu.memref_slice %arg8[%dma_start3A_581, %dma_start3A_582, %dma_start3A_583] : memref<4x2x64xi32, #tpu.memory_space<vmem>> -> memref<1x2x64xi32, #tpu.memory_space<vmem>>
        %dma_start3A_585 = tpu.memref_squeeze %dma_start3A_584 : memref<1x2x64xi32, #tpu.memory_space<vmem>> -> memref<2x64xi32, #tpu.memory_space<vmem>>
        %dma_start3A_586 = arith.constant 0 : i32
        %dma_start3A_587 = arith.constant 0 : i32
        %dma_start3A_588 = tpu.memref_slice %arg3[%add3A, %add3A_580, %dma_start3A_586, %dma_start3A_587] : memref<32x160x2x64xi32, #tpu.memory_space<hbm>> -> memref<1x1x2x64xi32, #tpu.memory_space<hbm>>
        %dma_start3A_589 = tpu.memref_squeeze %dma_start3A_588 : memref<1x1x2x64xi32, #tpu.memory_space<hbm>> -> memref<2x64xi32, #tpu.memory_space<hbm>>
        %dma_start3A_590 = arith.constant 0 : i32
        %dma_start3A_591 = arith.constant 0 : i32
        %dma_start3A_592 = tpu.memref_slice %arg8[%dma_start3A_581, %dma_start3A_590, %dma_start3A_591] : memref<4x2x64xi32, #tpu.memory_space<vmem>> -> memref<1x2x64xi32, #tpu.memory_space<vmem>>
        %dma_start3A_593 = tpu.memref_squeeze %dma_start3A_592 : memref<1x2x64xi32, #tpu.memory_space<vmem>> -> memref<2x64xi32, #tpu.memory_space<vmem>>
        %dma_start3A_594 = arith.constant 0 : i32
        %dma_start3A_595 = arith.constant 0 : i32
        %dma_start3A_596 = tpu.memref_slice %arg3[%add3A, %add3A_580, %dma_start3A_594, %dma_start3A_595] : memref<32x160x2x64xi32, #tpu.memory_space<hbm>> -> memref<1x1x2x64xi32, #tpu.memory_space<hbm>>
        %dma_start3A_597 = tpu.memref_squeeze %dma_start3A_596 : memref<1x1x2x64xi32, #tpu.memory_space<hbm>> -> memref<2x64xi32, #tpu.memory_space<hbm>>
        tpu.enqueue_dma source(%dma_start3A_597 : memref<2x64xi32, #tpu.memory_space<hbm>>) target(%dma_start3A_593 : memref<2x64xi32, #tpu.memory_space<vmem>>) target_semaphore(%arg18 : memref<!tpu.dma_semaphore, #tpu.memory_space<semaphore_mem>>)
        %mul3A_598 = arith.constant 160 : i32
        %mul3A_599 = arith.muli %add3A, %mul3A_598 : i32
        %add3A_600 = arith.addi %mul3A_599, %add3A_580 : i32
        %lt3A_601 = arith.constant 5000 : i32
        %lt3A_602 = arith.cmpi slt, %add3A_600, %lt3A_601 : i32
        %convert_element_type3A_603 = arith.extui %lt3A_602 : i1 to i32
        %cond3A_604 = arith.constant 0 : i32
        %cond3A_605 = arith.cmpi ne, %convert_element_type3A_603, %cond3A_604 : i32
        scf.if %cond3A_605 {
          %mul3A_606 = arith.constant 64 : i32
          %mul3A_607 = arith.muli %add3A_600, %mul3A_606 : i32
          %dma_start3A_608 = arith.constant 3 : i32
          %dma_start3A_609 = arith.constant 0 : i32
          %dma_start3A_610 = arith.constant 0 : i32
          %dma_start3A_611 = tpu.memref_slice %arg10[%dma_start3A_608, %dma_start3A_609, %dma_start3A_610] : memref<4x64x16xf32, #tpu.memory_space<vmem>> -> memref<1x64x16xf32, #tpu.memory_space<vmem>>
          %dma_start3A_612 = tpu.memref_squeeze %dma_start3A_611 : memref<1x64x16xf32, #tpu.memory_space<vmem>> -> memref<64x16xf32, #tpu.memory_space<vmem>>
          %dma_start3A_613 = arith.constant 0 : i32
          %dma_start3A_614 = tpu.memref_slice %arg4[%mul3A_607, %dma_start3A_613] : memref<320000x16xf32, #tpu.memory_space<hbm>> -> memref<64x16xf32, #tpu.memory_space<hbm>>
          %dma_start3A_615 = arith.constant 0 : i32
          %dma_start3A_616 = arith.constant 0 : i32
          %dma_start3A_617 = tpu.memref_slice %arg10[%dma_start3A_608, %dma_start3A_615, %dma_start3A_616] : memref<4x64x16xf32, #tpu.memory_space<vmem>> -> memref<1x64x16xf32, #tpu.memory_space<vmem>>
          %dma_start3A_618 = tpu.memref_squeeze %dma_start3A_617 : memref<1x64x16xf32, #tpu.memory_space<vmem>> -> memref<64x16xf32, #tpu.memory_space<vmem>>
          %dma_start3A_619 = arith.constant 0 : i32
          %dma_start3A_620 = tpu.memref_slice %arg4[%mul3A_607, %dma_start3A_619] : memref<320000x16xf32, #tpu.memory_space<hbm>> -> memref<64x16xf32, #tpu.memory_space<hbm>>
          tpu.enqueue_dma source(%dma_start3A_620 : memref<64x16xf32, #tpu.memory_space<hbm>>) target(%dma_start3A_618 : memref<64x16xf32, #tpu.memory_space<vmem>>) target_semaphore(%arg22 : memref<!tpu.dma_semaphore, #tpu.memory_space<semaphore_mem>>)
        } else {
        }
      } else {
      }
      %add3A_572 = arith.constant 5 : i32
      %add3A_573 = arith.addi %add3A_236, %add3A_572 : i32
      %lt3A_574 = arith.constant 160 : i32
      %lt3A_575 = arith.cmpi slt, %add3A_573, %lt3A_574 : i32
      %convert_element_type3A_576 = arith.extui %lt3A_575 : i1 to i32
      %cond3A_577 = arith.constant 0 : i32
      %cond3A_578 = arith.cmpi ne, %convert_element_type3A_576, %cond3A_577 : i32
      scf.if %cond3A_578 {
        %add3A_579 = arith.constant 5 : i32
        %add3A_580 = arith.addi %add3A_236, %add3A_579 : i32
        %dma_wait3A_581 = arith.constant 1 : i32
        %dma_wait3A_582 = arith.constant 0 : i32
        %dma_wait3A_583 = arith.constant 0 : i32
        %dma_wait3A_584 = tpu.memref_slice %arg8[%dma_wait3A_581, %dma_wait3A_582, %dma_wait3A_583] : memref<4x2x64xi32, #tpu.memory_space<vmem>> -> memref<1x2x64xi32, #tpu.memory_space<vmem>>
        %dma_wait3A_585 = tpu.memref_squeeze %dma_wait3A_584 : memref<1x2x64xi32, #tpu.memory_space<vmem>> -> memref<2x64xi32, #tpu.memory_space<vmem>>
        %dma_wait3A_586 = arith.constant 0 : i32
        %dma_wait3A_587 = arith.constant 0 : i32
        %dma_wait3A_588 = tpu.memref_slice %arg3[%add3A, %add3A_580, %dma_wait3A_586, %dma_wait3A_587] : memref<32x160x2x64xi32, #tpu.memory_space<hbm>> -> memref<1x1x2x64xi32, #tpu.memory_space<hbm>>
        %dma_wait3A_589 = tpu.memref_squeeze %dma_wait3A_588 : memref<1x1x2x64xi32, #tpu.memory_space<hbm>> -> memref<2x64xi32, #tpu.memory_space<hbm>>
        %dma_wait3A_590 = arith.constant 0 : i32
        %dma_wait3A_591 = arith.constant 0 : i32
        %dma_wait3A_592 = tpu.memref_slice %arg8[%dma_wait3A_581, %dma_wait3A_590, %dma_wait3A_591] : memref<4x2x64xi32, #tpu.memory_space<vmem>> -> memref<1x2x64xi32, #tpu.memory_space<vmem>>
        %dma_wait3A_593 = tpu.memref_squeeze %dma_wait3A_592 : memref<1x2x64xi32, #tpu.memory_space<vmem>> -> memref<2x64xi32, #tpu.memory_space<vmem>>
        %dma_wait3A_594 = arith.constant 0 : i32
        %dma_wait3A_595 = arith.constant 0 : i32
        %dma_wait3A_596 = tpu.memref_slice %arg3[%add3A, %add3A_580, %dma_wait3A_594, %dma_wait3A_595] : memref<32x160x2x64xi32, #tpu.memory_space<hbm>> -> memref<1x1x2x64xi32, #tpu.memory_space<hbm>>
        %dma_wait3A_597 = tpu.memref_squeeze %dma_wait3A_596 : memref<1x1x2x64xi32, #tpu.memory_space<hbm>> -> memref<2x64xi32, #tpu.memory_space<hbm>>
        tpu.wait_dma2 semaphore(%arg16 : memref<!tpu.dma_semaphore, #tpu.memory_space<semaphore_mem>>) src(%dma_wait3A_597 : memref<2x64xi32, #tpu.memory_space<hbm>>) dst(%dma_wait3A_593 : memref<2x64xi32, #tpu.memory_space<vmem>>)
        %add3A_598 = arith.constant 5 : i32
        %add3A_599 = arith.addi %add3A_236, %add3A_598 : i32
        %dma_start3A_600 = arith.constant 1 : i32
        %dma_start3A_601 = arith.constant 0 : i32
        %dma_start3A_602 = arith.constant 1 : i32
        %dma_start3A_603 = arith.constant 0 : i32
        %dma_start3A_604 = arith.constant 0 : i32
        %dma_start3A_605 = tpu.memref_slice %arg9[%dma_start3A_602, %dma_start3A_603, %dma_start3A_604] : memref<2x64x128xf32, #tpu.memory_space<vmem>> -> memref<1x64x128xf32, #tpu.memory_space<vmem>>
        %dma_start3A_606 = tpu.memref_squeeze %dma_start3A_605 : memref<1x64x128xf32, #tpu.memory_space<vmem>> -> memref<64x128xf32, #tpu.memory_space<vmem>>
        %dma_start3A_607 = arith.constant 0 : i32
        %dma_start3A_608 = tpu.memref_slice %arg8[%dma_start3A_600, %dma_start3A_601, %dma_start3A_607] : memref<4x2x64xi32, #tpu.memory_space<vmem>> -> memref<1x1x64xi32, #tpu.memory_space<vmem>>
        %dma_start3A_609 = tpu.memref_squeeze %dma_start3A_608 : memref<1x1x64xi32, #tpu.memory_space<vmem>> -> memref<64xi32, #tpu.memory_space<vmem>>
        %dma_start3A_610 = arith.constant 0 : i32
        %dma_start3A_611 = arith.constant 0 : i32
        %dma_start3A_612 = tpu.memref_slice %arg2[%dma_start3A_610, %dma_start3A_611] : memref<10000x128xf32, #tpu.memory_space<hbm>> -> memref<10000x128xf32, #tpu.memory_space<hbm>>
        tpu.enqueue_indirect_dma source(%dma_start3A_612 : memref<10000x128xf32, #tpu.memory_space<hbm>>) target(%dma_start3A_606 : memref<64x128xf32, #tpu.memory_space<vmem>>) offsets(%dma_start3A_609 : memref<64xi32, #tpu.memory_space<vmem>>) semaphore(%arg24 : memref<!tpu.dma_semaphore, #tpu.memory_space<semaphore_mem>>)
      } else {
      }
    }
    %scan3A_228 = arith.constant 40 : i32
    %barrier3A_229 = arith.constant 0 : index
    tpu.barrier barrier_id(%barrier3A_229)
    %mul3A_230 = arith.constant 640 : i32
    %mul3A_231 = arith.muli %arg1, %mul3A_230 : i32
    "tpu.region"() ({
      %run_scoped3A_232 = tpu.sem_alloc : memref<!tpu.dma_semaphore, #tpu.memory_space<semaphore_mem>>
      %dma_start3A_233 = arith.constant 0 : i32
      %dma_start3A_234 = tpu.memref_slice %arg5[%arg0, %mul3A_231, %dma_start3A_233] : memref<2x10240x128xf32, #tpu.memory_space<hbm>> -> memref<1x640x128xf32, #tpu.memory_space<hbm>>
      %dma_start3A_235 = tpu.memref_squeeze %dma_start3A_234 : memref<1x640x128xf32, #tpu.memory_space<hbm>> -> memref<640x128xf32, #tpu.memory_space<hbm>>
      %dma_start3A_236 = arith.constant 0 : i32
      %dma_start3A_237 = tpu.memref_slice %arg12[%mul3A_231, %dma_start3A_236] : memref<10240x128xf32, #tpu.memory_space<vmem_shared>> -> memref<640x128xf32, #tpu.memory_space<vmem_shared>>
      tpu.enqueue_dma source(%dma_start3A_237 : memref<640x128xf32, #tpu.memory_space<vmem_shared>>) target(%dma_start3A_235 : memref<640x128xf32, #tpu.memory_space<hbm>>) target_semaphore(%run_scoped3A_232 : memref<!tpu.dma_semaphore, #tpu.memory_space<semaphore_mem>>)
      %dma_wait3A_238 = arith.constant 0 : i32
      %dma_wait3A_239 = tpu.memref_slice %arg5[%arg0, %mul3A_231, %dma_wait3A_238] : memref<2x10240x128xf32, #tpu.memory_space<hbm>> -> memref<1x640x128xf32, #tpu.memory_space<hbm>>
      %dma_wait3A_240 = tpu.memref_squeeze %dma_wait3A_239 : memref<1x640x128xf32, #tpu.memory_space<hbm>> -> memref<640x128xf32, #tpu.memory_space<hbm>>
      %dma_wait3A_241 = arith.constant 0 : i32
      %dma_wait3A_242 = tpu.memref_slice %arg12[%mul3A_231, %dma_wait3A_241] : memref<10240x128xf32, #tpu.memory_space<vmem_shared>> -> memref<640x128xf32, #tpu.memory_space<vmem_shared>>
      tpu.wait_dma2 semaphore(%run_scoped3A_232 : memref<!tpu.dma_semaphore, #tpu.memory_space<semaphore_mem>>) src(%dma_wait3A_242 : memref<640x128xf32, #tpu.memory_space<vmem_shared>>) dst(%dma_wait3A_240 : memref<640x128xf32, #tpu.memory_space<hbm>>)
      tpu.yield
    }) : () -> ()
    "tpu.region"() ({
      %run_scoped3A_232 = tpu.sem_alloc : memref<!tpu.dma_semaphore, #tpu.memory_space<semaphore_mem>>
      %dma_start3A_233 = arith.constant 0 : i32
      %dma_start3A_234 = tpu.memref_slice %arg6[%arg0, %mul3A_231, %dma_start3A_233] : memref<2x10240x16xf32, #tpu.memory_space<hbm>> -> memref<1x640x16xf32, #tpu.memory_space<hbm>>
      %dma_start3A_235 = tpu.memref_squeeze %dma_start3A_234 : memref<1x640x16xf32, #tpu.memory_space<hbm>> -> memref<640x16xf32, #tpu.memory_space<hbm>>
      %dma_start3A_236 = arith.constant 0 : i32
      %dma_start3A_237 = tpu.memref_slice %arg13[%mul3A_231, %dma_start3A_236] : memref<10240x16xf32, #tpu.memory_space<vmem_shared>> -> memref<640x16xf32, #tpu.memory_space<vmem_shared>>
      tpu.enqueue_dma source(%dma_start3A_237 : memref<640x16xf32, #tpu.memory_space<vmem_shared>>) target(%dma_start3A_235 : memref<640x16xf32, #tpu.memory_space<hbm>>) target_semaphore(%run_scoped3A_232 : memref<!tpu.dma_semaphore, #tpu.memory_space<semaphore_mem>>)
      %dma_wait3A_238 = arith.constant 0 : i32
      %dma_wait3A_239 = tpu.memref_slice %arg6[%arg0, %mul3A_231, %dma_wait3A_238] : memref<2x10240x16xf32, #tpu.memory_space<hbm>> -> memref<1x640x16xf32, #tpu.memory_space<hbm>>
      %dma_wait3A_240 = tpu.memref_squeeze %dma_wait3A_239 : memref<1x640x16xf32, #tpu.memory_space<hbm>> -> memref<640x16xf32, #tpu.memory_space<hbm>>
      %dma_wait3A_241 = arith.constant 0 : i32
      %dma_wait3A_242 = tpu.memref_slice %arg13[%mul3A_231, %dma_wait3A_241] : memref<10240x16xf32, #tpu.memory_space<vmem_shared>> -> memref<640x16xf32, #tpu.memory_space<vmem_shared>>
      tpu.wait_dma2 semaphore(%run_scoped3A_232 : memref<!tpu.dma_semaphore, #tpu.memory_space<semaphore_mem>>) src(%dma_wait3A_242 : memref<640x16xf32, #tpu.memory_space<vmem_shared>>) dst(%dma_wait3A_240 : memref<640x16xf32, #tpu.memory_space<hbm>>)
      tpu.yield
    }) : () -> ()
    "tpu.region"() ({
      %run_scoped3A_232 = tpu.sem_alloc : memref<!tpu.dma_semaphore, #tpu.memory_space<semaphore_mem>>
      %dma_start3A_233 = arith.constant 0 : i32
      %dma_start3A_234 = tpu.memref_slice %arg7[%arg0, %mul3A_231, %dma_start3A_233] : memref<2x10240x16xf32, #tpu.memory_space<hbm>> -> memref<1x640x16xf32, #tpu.memory_space<hbm>>
      %dma_start3A_235 = tpu.memref_squeeze %dma_start3A_234 : memref<1x640x16xf32, #tpu.memory_space<hbm>> -> memref<640x16xf32, #tpu.memory_space<hbm>>
      %dma_start3A_236 = arith.constant 0 : i32
      %dma_start3A_237 = tpu.memref_slice %arg14[%mul3A_231, %dma_start3A_236] : memref<10240x16xf32, #tpu.memory_space<vmem_shared>> -> memref<640x16xf32, #tpu.memory_space<vmem_shared>>
      tpu.enqueue_dma source(%dma_start3A_237 : memref<640x16xf32, #tpu.memory_space<vmem_shared>>) target(%dma_start3A_235 : memref<640x16xf32, #tpu.memory_space<hbm>>) target_semaphore(%run_scoped3A_232 : memref<!tpu.dma_semaphore, #tpu.memory_space<semaphore_mem>>)
      %dma_wait3A_238 = arith.constant 0 : i32
      %dma_wait3A_239 = tpu.memref_slice %arg7[%arg0, %mul3A_231, %dma_wait3A_238] : memref<2x10240x16xf32, #tpu.memory_space<hbm>> -> memref<1x640x16xf32, #tpu.memory_space<hbm>>
      %dma_wait3A_240 = tpu.memref_squeeze %dma_wait3A_239 : memref<1x640x16xf32, #tpu.memory_space<hbm>> -> memref<640x16xf32, #tpu.memory_space<hbm>>
      %dma_wait3A_241 = arith.constant 0 : i32
      %dma_wait3A_242 = tpu.memref_slice %arg14[%mul3A_231, %dma_wait3A_241] : memref<10240x16xf32, #tpu.memory_space<vmem_shared>> -> memref<640x16xf32, #tpu.memory_space<vmem_shared>>
      tpu.wait_dma2 semaphore(%run_scoped3A_232 : memref<!tpu.dma_semaphore, #tpu.memory_space<semaphore_mem>>) src(%dma_wait3A_242 : memref<640x16xf32, #tpu.memory_space<vmem_shared>>) dst(%dma_wait3A_240 : memref<640x16xf32, #tpu.memory_space<hbm>>)
      tpu.yield
    }) : () -> ()
    return
  }
}

module attributes {stable_mosaic.version = 14 : i64} {
  func.func @body(%arg0: i32, %arg1: memref<2x1024x128xf32, #tpu.memory_space<vmem>>, %arg2: memref<2x1024x16xf32, #tpu.memory_space<vmem>>, %arg3: memref<2x1024x16xf32, #tpu.memory_space<vmem>>, %arg4: memref<128x128xf32, #tpu.memory_space<vmem>>, %arg5: memref<16x128xf32, #tpu.memory_space<vmem>>, %arg6: memref<1x128xf32, #tpu.memory_space<vmem>>, %arg7: memref<1024x128xf32, #tpu.memory_space<vmem>>) attributes {dimension_semantics = [#tpu.dimension_semantics<arbitrary>], iteration_bounds = array<i64: 10>, scalar_prefetch = 0 : i64, scratch_operands = 0 : i64, tpu.core_type = #tpu.core_type<tc>, window_params = [{transform_indices = @transform_0, window_bounds = array<i64: 2, 1024, 128>}, {transform_indices = @transform_1, window_bounds = array<i64: 2, 1024, 16>}, {transform_indices = @transform_2, window_bounds = array<i64: 2, 1024, 16>}, {pipeline_mode = #tpu.pipeline_mode<synchronous>, transform_indices = @transform_3, window_bounds = array<i64: 128, 128>}, {pipeline_mode = #tpu.pipeline_mode<synchronous>, transform_indices = @transform_4, window_bounds = array<i64: 16, 128>}, {pipeline_mode = #tpu.pipeline_mode<synchronous>, transform_indices = @transform_5, window_bounds = array<i64: 1, 128>}, {transform_indices = @transform_6, window_bounds = array<i64: 1024, 128>}]} {
    %get3A = arith.constant 0 : index
    %get3A_0 = arith.constant 0 : index
    %get3A_1 = arith.constant 0 : index
    %get3A_2 = vector.load %arg1[%get3A, %get3A_0, %get3A_1] : memref<2x1024x128xf32, #tpu.memory_space<vmem>>, vector<1x1024x128xf32>
    %get3A_3 = vector.shape_cast %get3A_2 : vector<1x1024x128xf32> to vector<1024x128xf32>
    %get3A_4 = arith.constant 1 : index
    %get3A_5 = arith.constant 0 : index
    %get3A_6 = arith.constant 0 : index
    %get3A_7 = vector.load %arg1[%get3A_4, %get3A_5, %get3A_6] : memref<2x1024x128xf32, #tpu.memory_space<vmem>>, vector<1x1024x128xf32>
    %get3A_8 = vector.shape_cast %get3A_7 : vector<1x1024x128xf32> to vector<1024x128xf32>
    %add3A = arith.addf %get3A_3, %get3A_8 : vector<1024x128xf32>
    %get3A_9 = arith.constant 0 : index
    %get3A_10 = arith.constant 0 : index
    %get3A_11 = arith.constant 0 : index
    %get3A_12 = vector.load %arg2[%get3A_9, %get3A_10, %get3A_11] : memref<2x1024x16xf32, #tpu.memory_space<vmem>>, vector<1x1024x16xf32>
    %get3A_13 = vector.shape_cast %get3A_12 : vector<1x1024x16xf32> to vector<1024x16xf32>
    %get3A_14 = arith.constant 1 : index
    %get3A_15 = arith.constant 0 : index
    %get3A_16 = arith.constant 0 : index
    %get3A_17 = vector.load %arg2[%get3A_14, %get3A_15, %get3A_16] : memref<2x1024x16xf32, #tpu.memory_space<vmem>>, vector<1x1024x16xf32>
    %get3A_18 = vector.shape_cast %get3A_17 : vector<1x1024x16xf32> to vector<1024x16xf32>
    %add3A_19 = arith.addf %get3A_13, %get3A_18 : vector<1024x16xf32>
    %get3A_20 = arith.constant 0 : index
    %get3A_21 = arith.constant 0 : index
    %get3A_22 = arith.constant 0 : index
    %get3A_23 = vector.load %arg3[%get3A_20, %get3A_21, %get3A_22] : memref<2x1024x16xf32, #tpu.memory_space<vmem>>, vector<1x1024x16xf32>
    %get3A_24 = vector.shape_cast %get3A_23 : vector<1x1024x16xf32> to vector<1024x16xf32>
    %get3A_25 = arith.constant 1 : index
    %get3A_26 = arith.constant 0 : index
    %get3A_27 = arith.constant 0 : index
    %get3A_28 = vector.load %arg3[%get3A_25, %get3A_26, %get3A_27] : memref<2x1024x16xf32, #tpu.memory_space<vmem>>, vector<1x1024x16xf32>
    %get3A_29 = vector.shape_cast %get3A_28 : vector<1x1024x16xf32> to vector<1024x16xf32>
    %add3A_30 = arith.addf %get3A_24, %get3A_29 : vector<1024x16xf32>
    %slice3A = vector.extract_strided_slice %add3A_30 {offsets = [0, 0], sizes = [1024, 1], strides = [1, 1]} : vector<1024x16xf32> to vector<1024x1xf32>
    %get3A_31 = arith.constant 0 : index
    %get3A_32 = arith.constant 0 : index
    %get3A_33 = vector.load %arg4[%get3A_31, %get3A_32] : memref<128x128xf32, #tpu.memory_space<vmem>>, vector<128x128xf32>
    %dot_general3A = arith.constant dense<0.000000e+00> : vector<1024x128xf32>
    %dot_general3A_34 = tpu.matmul %add3A, %get3A_33, %dot_general3A {dimension_numbers = #tpu.dot_dimension_numbers<[1], [0], [0], [1], [0, 0, 1, 1], [], []>, transpose_lhs_hint = false} : vector<1024x128xf32>, vector<128x128xf32>, vector<1024x128xf32> -> vector<1024x128xf32>
    %get3A_35 = arith.constant 0 : index
    %get3A_36 = arith.constant 0 : index
    %get3A_37 = vector.load %arg5[%get3A_35, %get3A_36] : memref<16x128xf32, #tpu.memory_space<vmem>>, vector<16x128xf32>
    %dot_general3A_38 = arith.constant dense<0.000000e+00> : vector<1024x128xf32>
    %dot_general3A_39 = tpu.matmul %add3A_19, %get3A_37, %dot_general3A_38 {dimension_numbers = #tpu.dot_dimension_numbers<[1], [0], [0], [1], [0, 0, 1, 1], [], []>, transpose_lhs_hint = false} : vector<1024x16xf32>, vector<16x128xf32>, vector<1024x128xf32> -> vector<1024x128xf32>
    %add3A_40 = arith.addf %dot_general3A_34, %dot_general3A_39 : vector<1024x128xf32>
    %get3A_41 = arith.constant 0 : index
    %get3A_42 = arith.constant 0 : index
    %get3A_43 = vector.load %arg6[%get3A_41, %get3A_42] : memref<1x128xf32, #tpu.memory_space<vmem>>, vector<1x128xf32>
    %mul3A = vector.broadcast %slice3A : vector<1024x1xf32> to vector<1024x128xf32>
    %mul3A_44 = vector.broadcast %get3A_43 : vector<1x128xf32> to vector<1024x128xf32>
    %mul3A_45 = arith.mulf %mul3A, %mul3A_44 : vector<1024x128xf32>
    %add3A_46 = arith.addf %add3A_40, %mul3A_45 : vector<1024x128xf32>
    %max3A = arith.constant 1.000000e+00 : f32
    %max3A_47 = vector.broadcast %max3A : f32 to vector<1024x1xf32>
    %max3A_48 = arith.maximumf %slice3A, %max3A_47 : vector<1024x1xf32>
    %div3A = vector.broadcast %max3A_48 : vector<1024x1xf32> to vector<1024x128xf32>
    %div3A_49 = arith.divf %add3A_46, %div3A : vector<1024x128xf32>
    %swap3A = arith.constant 0 : index
    %swap3A_50 = arith.constant 0 : index
    %swap3A_51 = vector.load %arg7[%swap3A, %swap3A_50] : memref<1024x128xf32, #tpu.memory_space<vmem>>, vector<1024x128xf32>
    tpu.vector_store %arg7[%swap3A, %swap3A_50], %div3A_49 {strides = array<i32>} : memref<1024x128xf32, #tpu.memory_space<vmem>>, vector<1024x128xf32>,
    return
  }
  func.func @transform_0(%arg0: i32) -> (i32, i32, i32) {
    %c0_i32 = arith.constant 0 : i32
    %c0_i32_0 = arith.constant 0 : i32
    %c0_i32_1 = arith.constant 0 : i32
    return %c0_i32, %arg0, %c0_i32_0 : i32, i32, i32
  }
  func.func @transform_1(%arg0: i32) -> (i32, i32, i32) {
    %c0_i32 = arith.constant 0 : i32
    %c0_i32_0 = arith.constant 0 : i32
    %c0_i32_1 = arith.constant 0 : i32
    return %c0_i32, %arg0, %c0_i32_0 : i32, i32, i32
  }
  func.func @transform_2(%arg0: i32) -> (i32, i32, i32) {
    %c0_i32 = arith.constant 0 : i32
    %c0_i32_0 = arith.constant 0 : i32
    %c0_i32_1 = arith.constant 0 : i32
    return %c0_i32, %arg0, %c0_i32_0 : i32, i32, i32
  }
  func.func @transform_3(%arg0: i32) -> (i32, i32) {
    %c0_i32 = arith.constant 0 : i32
    %c0_i32_0 = arith.constant 0 : i32
    %c0_i32_1 = arith.constant 0 : i32
    return %c0_i32, %c0_i32_0 : i32, i32
  }
  func.func @transform_4(%arg0: i32) -> (i32, i32) {
    %c0_i32 = arith.constant 0 : i32
    %c0_i32_0 = arith.constant 0 : i32
    %c0_i32_1 = arith.constant 0 : i32
    return %c0_i32, %c0_i32_0 : i32, i32
  }
  func.func @transform_5(%arg0: i32) -> (i32, i32) {
    %c0_i32 = arith.constant 0 : i32
    %c0_i32_0 = arith.constant 0 : i32
    %c0_i32_1 = arith.constant 0 : i32
    return %c0_i32, %c0_i32_0 : i32, i32
  }
  func.func @transform_6(%arg0: i32) -> (i32, i32) {
    %c0_i32 = arith.constant 0 : i32
    %c0_i32_0 = arith.constant 0 : i32
    return %arg0, %c0_i32 : i32, i32
  }
}

</mosaic_0001>

<sc_bundles>
// kernel: kernel.4.cloned.1.call-start
scs
__scs_entry_jumppad:
0x0: {  	(pc) =	sbr.rel $0x88, $3  }
0x1: {  	(tag) =	ssettag $0x0;
	lr =	simm.s32 $0x1  }
0x2: {  	[smem:$0x3F9C] =	sst lr;
	_ =	strace $0xD0000000  }
0x3: {  	_ = 	snop  }
0x4: {  	_ = 	snop  }
0x5: {  	_ = 	snop  }
0x6: {  	_ = 	snop  }
0x7: {  	_ = 	snop  }
__scs_overlays_trampoline_lowered:
0x8: {  	[smem:$0x3FAB] =	sst s0  }
0x9: {  	[smem:$0x3FAC] =	sst s1  }
0xa: {  	[smem:$0x3FAD] =	sst s2  }
0xb: {  	[smem:$0x3FAE] =	sst s3  }
0xc: {  	[smem:$0x3FAF] =	sst s4  }
0xd: {  	[smem:$0x3FB0] =	sst s5  }
0xe: {  	[smem:$0x3FB1] =	sst s6  }
0xf: {  	[smem:$0x3FB2] =	sst s7  }
0x10: {  	[smem:$0x3FB3] =	sst s8  }
0x11: {  	[smem:$0x3FB4] =	sst s9;
	s0 =	simm.s32 @!p0 $0x0  }
0x12: {  	s1 =	sld [smem:$0x3F9A];
	s0 =	simm.s32 @p0 $0x1  }
0x13: {  	[smem:$0x3FB5] =	sst s0;
	s0 =	simm.s32 @!p1 $0x0  }
0x14: {  	s2 =	sld [smem:$0x3F99];
	s0 =	simm.s32 @p1 $0x1  }
0x15: {  	[smem:$0x3FB6] =	sst s0;
	s0 =	simm.s32 @!p2 $0x0  }
0x16: {  	s3 =	sld [smem:$0x3FDB];
	s0 =	simm.s32 @p2 $0x1  }
0x17: {  	s4 =	simm.s32 $0x1BF5;
	[smem:$0x3FB8] =	sst s0  }
0x18: {  	s0 =	sld [smem:$0x3F9B];
	_ =	swait.ge [sflag:s4], $0x0  }
0x19: {  	s7 =	sld [smem:$0x3F9C]  }
0x1a: {  	s8 =	sadd.s32 $0xFFFFE003, lr  }
0x1b: {  	s9 =	sadd.s32 $0xFFFFFEF7, lr;
	s5 =	simm.s32 $0xFFFFFFFF;
	p2 =	slt.u32 s8, $0xFFFFF086  }
0x1c: {  	p1 =	slt.u32 s9, $0xF7A;
	s5 =	simm.s32 @!p2 $0x0  }
0x1d: {  	s5 =	simm.s32 @p1 $0x1;
	p0 =	seq.s32 s7, s2  }
0x1e: {  	s7 =	smul.u32 @!p0 $0xF7A, s2;
	p2 =	seq.s32 @!p0 s5, $0x0  }
0x1f: {  	s9 =	smul.u32 $0xF7A, s1;
	s8 =	simm.s32 @!p0 $0x1BF5;
	p2 =	por !p2, p0  }
0x20: {  	[sflag:s8] =	ssyncset.s32 @!p0 $0xFFFFF086;
	s6 =	sadd.s32 @!p0 s3, s7;
	s7 =	simm.s32 @!p0 $0x108  }
0x21: {  	s3 =	sadd.s32 s3, s9;
	s6 =	sadd.s32 @!p0 $0x88, s6;
	s7 =	simm.s32 @p2 $0x1082  }
0x22: {  	[simem:s7], [sflag:s8] =	dma.local @!p0 [hbm:s6], $0xF7A  }
0x23: {  	s9 =	sor.u32 $0xD0000000, s2;
	s6 =	simm.s32 $0x108;
	_ =	swait.ge @!p0 [sflag:s8], $0x0  }
0x24: {  	s3 =	sadd.s32 $0x88, s3;
	s6 =	simm.s32 @!p1 $0x1082;
	[sflag:s4] =	ssyncset.s32 $0xFFFFF086  }
0x25: {  	[simem:s6], [sflag:s4] =	dma.local [hbm:s3], $0xF7A  }
0x26: {  	[smem:$0x3F9C] =	sst s1;
	(tag) =	ssettag s2;
	_ =	strace s9  }
0x27: {  	s1 =	sld [smem:$0x3FAC]  }
0x28: {  	s2 =	sld [smem:$0x3FAD]  }
0x29: {  	s4 =	sld [smem:$0x3FAF]  }
0x2a: {  	p0 =	seq.s32 s5, $0x0;
	s5 =	sld [smem:$0x3FB0]  }
0x2b: {  	s6 =	sld [smem:$0x3FB1]  }
0x2c: {  	s7 =	sld [smem:$0x3FB2]  }
0x2d: {  	s3 =	simm.s32 $0x108;
	s8 =	sld [smem:$0x3FB3]  }
0x2e: {  	s3 =	simm.s32 @!p0 $0x1082;
	s9 =	sld [smem:$0x3FB4]  }
0x2f: {  	lr =	sadd.s32 s0, s3;
	s0 =	sld [smem:$0x3FAB]  }
0x30: {  	s3 =	sld [smem:$0x3FAE]  }
0x31: {  	[smem:$0x3FB7] =	sst s10  }
0x32: {  	s10 =	sld [smem:$0x3FB5];
	_ =	sdelay $0x3  }
0x33: {  	p0 =	seq.s32 s10, $0x1;
	s10 =	sld [smem:$0x3FB7];
	_ =	sdelay $0x3  }
0x34: {  	[smem:$0x3FB7] =	sst s10  }
0x35: {  	s10 =	sld [smem:$0x3FB6];
	_ =	sdelay $0x3  }
0x36: {  	p1 =	seq.s32 s10, $0x1;
	s10 =	sld [smem:$0x3FB7];
	_ =	sdelay $0x3  }
0x37: {  	[smem:$0x3FB7] =	sst s10  }
0x38: {  	s10 =	sld [smem:$0x3FB8]  }
0x39: {  	_ = 	snop;
	(pc) =	sbr.ind lr, $3  }
0x3a: {  	_ = 	snop  }
0x3b: {  	_ = 	snop  }
0x3c: {  	p2 =	seq.s32 s10, $0x1;
	s10 =	sld [smem:$0x3FB7]  }
0x3d: {  	_ =	shalt  }
0x3e: {  	_ =	shalt  }
0x3f: {  	_ =	shalt  }
0x40: {  	_ =	shalt  }
0x41: {  	_ =	shalt  }
0x42: {  	_ =	shalt  }
0x43: {  	_ =	shalt  }
0x44: {  	_ =	shalt  }
0x45: {  	_ =	shalt  }
0x46: {  	_ =	shalt  }
0x47: {  	_ =	shalt  }
0x48: {  	_ =	shalt  }
0x49: {  	_ =	shalt  }
0x4a: {  	_ =	shalt  }
0x4b: {  	_ =	shalt  }
0x4c: {  	_ =	shalt  }
0x4d: {  	_ =	shalt  }
0x4e: {  	_ =	shalt  }
0x4f: {  	_ =	shalt  }
0x50: {  	_ =	shalt  }
0x51: {  	_ =	shalt  }
0x52: {  	_ =	shalt  }
0x53: {  	_ =	shalt  }
0x54: {  	_ =	shalt  }
0x55: {  	_ =	shalt  }
0x56: {  	_ =	shalt  }
0x57: {  	_ =	shalt  }
0x58: {  	_ =	shalt  }
0x59: {  	_ =	shalt  }
0x5a: {  	_ =	shalt  }
0x5b: {  	_ =	shalt  }
0x5c: {  	_ =	shalt  }
0x5d: {  	_ =	shalt  }
0x5e: {  	_ =	shalt  }
0x5f: {  	_ =	shalt  }
0x60: {  	_ =	shalt  }
0x61: {  	_ =	shalt  }
0x62: {  	_ =	shalt  }
0x63: {  	_ =	shalt  }
0x64: {  	_ =	shalt  }
0x65: {  	_ =	shalt  }
0x66: {  	_ =	shalt  }
0x67: {  	_ =	shalt  }
0x68: {  	_ =	shalt  }
0x69: {  	_ =	shalt  }
0x6a: {  	_ =	shalt  }
0x6b: {  	_ =	shalt  }
0x6c: {  	_ =	shalt  }
0x6d: {  	_ =	shalt  }
0x6e: {  	_ =	shalt  }
0x6f: {  	_ =	shalt  }
0x70: {  	_ =	shalt  }
0x71: {  	_ =	shalt  }
0x72: {  	_ =	shalt  }
0x73: {  	_ =	shalt  }
0x74: {  	_ =	shalt  }
0x75: {  	_ =	shalt  }
0x76: {  	_ =	shalt  }
0x77: {  	_ =	shalt  }
0x78: {  	_ =	shalt  }
0x79: {  	_ =	shalt  }
0x7a: {  	_ =	shalt  }
0x7b: {  	_ =	shalt  }
0x7c: {  	_ =	shalt  }
0x7d: {  	_ =	shalt  }
0x7e: {  	_ =	shalt  }
0x7f: {  	_ =	shalt  }
0x80: {  	_ =	shalt  }
0x81: {  	_ =	shalt  }
0x82: {  	_ =	shalt  }
0x83: {  	_ =	shalt  }
0x84: {  	_ =	shalt  }
0x85: {  	_ =	shalt  }
0x86: {  	_ =	shalt  }
0x87: {  	_ =	shalt  }
.Lfunc_end0:
.L_simem_size_0:
called_computation_lowered:
.L_overlay_start_0:
0x88: {  	s2 =	sld [smem:$0x3FD9]  }
0x89: {  	s3 =	sld [smem:$0x3FFE];
	_ =	sdelay $0x1  }
0x8a: {  	s1 =	srdreg.scid  }
0x8b: {  	s0 =	sand.u32 $0x1, s1  }
0x8c: {  	s17 =	sshll.u32 s0, $0xA;
	s2 =	sadd.s32 s3, s2  }
0x8d: {  	s2 =	sadd.s32 s2, s17  }
0x8e: {  	[smem:$0x3FC3] =	sst s2  }
0x8f: {  	_ = 	snop  }
0x90: {  	s2 =	sld [smem:$0x3FC9]  }
0x91: {  	s18 =	sld [smem:$0x3FD0];
	(tm) =	ssettm $0x1  }
0x92: {  	s4 =	sld [smem:$0x3FFB];
	_ =	sdelay $0x3  }
0x93: {  	_ =	strace s4  }
0x94: {  	s4 =	sld [smem:$0x3FFC];
	_ =	sdelay $0x3  }
0x95: {  	_ =	strace s4  }
0x96: {  	s4 =	sld [smem:$0x3FFD];
	_ =	sdelay $0x3  }
0x97: {  	_ =	strace s4  }
0x98: {  	_ =	strace $0x8FFFFFFF  }
0x99: {  	s19 =	sld [smem:$0x3FDB];
	_ =	sdelay $0x1  }
0x9a: {  	s5 =	simm.s32 $_scs_section_size  }
0x9b: {  	s6 =	simm.s32 $_size__tile_overlayer_lowered;
	s7 =	simm.s32 $_tile_overlayer_lowered  }
0x9c: {  	s22 =	simm.s32 $0x1BFF;
	s21 =	sshll.u32 s7, $0x1;
	s4 =	sadd.s32 s5, s19  }
0x9d: {  	s8 =	simm.s32 $0x0;
	s20 =	sshll.u32 s6, $0x1;
	s6 =	sadd.s32 s21, s4  }
0x9e: {  	[timem:s8], [sflag:s22] =	dma.local [hbm:s6], s20  }
0x9f: {  	_ =	swait.ge [sflag:s22], s20  }
0xa0: {  	s5 =	ssub.s32 $0x0, s20;
	[sflag:s22] =	ssyncset.done $0x0  }
0xa1: {  	[sflag:s22] =	ssyncadd.s32 s5;
	_ =	sdelay $0x1  }
0xa2: {  	s23 =	simm.s32 $0x1B8B  }
0xa3: {  	_ =	swait.ge [sflag:s23], $0x1  }
0xa4: {  	[sflag:s23] =	ssyncset.done $0x0  }
0xa5: {  	s25 =	simm.s32 $0x1B8E;
	s24 =	sld [smem:$0x3FFE];
	[sflag:s23] =	ssyncadd.s32 $0xFFFFFFFF  }
0xa6: {  	s26 =	simm.s32 $execute0_lowered;
	[smem:$0x3FD2] =	sst s25  }
0xa7: {  	s6 =	sshll.u32 s26, $0x1;
	_ =	strace $0x80000046;
	[dreg:$0x1] =	wrdreg $0xFFFFFFFF  }
0xa8: {  	s28 =	simm.s32 $_size_execute0_lowered;
	s4 =	sadd.s32 s4, s6;
	[dreg:$0x0] =	wrdreg $0x0  }
0xa9: {  	s6 =	sshll.u32 s28, $0x1;
	[dreg:$0x2] =	wrdreg s4  }
0xaa: {  	[dreg:$0x3] =	wrdreg s6  }
0xab: {  	[dreg:$0x4] =	wrdreg $0xC0  }
0xac: {  	_ =	task [dreg:s8], $0x5FFFF  }
0xad: {  	[dreg:$0x1] =	wrdreg $0xFFFFFFFF  }
0xae: {  	[dreg:$0x0] =	wrdreg $0x60  }
0xaf: {  	[dreg:$0x2] =	wrdreg s2  }
0xb0: {  	[dreg:$0x3] =	wrdreg s18  }
0xb1: {  	[dreg:$0x4] =	wrdreg s24  }
0xb2: {  	[dreg:$0x5] =	wrdreg $0x56000  }
0xb3: {  	[dreg:$0x6] =	wrdreg $0x196000  }
0xb4: {  	[dreg:$0x7] =	wrdreg $0x1BE000  }
0xb5: {  	[dreg:$0x8] =	wrdreg $0x9  }
0xb6: {  	_ =	task.clear_ibuf [dreg:s8], $0x9FFFF;
	_ =	strace $0x90000046  }
0xb7: {  	s29 =	simm.s32 $0x9;
	_ =	strace $0x80000048  }
0xb8: {  	_ =	swait.ge [sflag:s29], $0x1  }
0xb9: {  	[sflag:s29] =	ssyncadd.s32 $0xFFFFFFFF  }
0xba: {  	_ =	strace $0x90000048  }
0xbb: {  	_ =	sfence  }
0xbc: {  	s30 =	sld [smem:$0x0];
	_ =	sdelay $0x2  }
0xbd: {  	s31 =	sshll.u32 s1, $0xD;
	s1 =	sshrl.u32 s1, $0x2  }
0xbe: {  	s3 =	sand.u32 $0x4000, s31;
	s1 =	sadd.s32 s1, s30  }
0xbf: {  	s0 =	sor.u32 s3, s0;
	s1 =	sshll.u32 s1, $0x11  }
0xc0: {  	s0 =	sor.u32 s1, s0  }
0xc1: {  	s0 =	sadd.s32 $0x8F2B, s0  }
0xc2: {  	[sflag:s0] =	ssyncadd.remote.s32 $0x1  }
0xc3: {  	_ =	sfence.sel $0xFFFF  }
0xc4: {  	[dreg:$0x0] =	wrdreg $0xFFFFFFFF;
	(pc) =	sbr.abs _section_cstart, $3  }
0xc5: {  	[dreg:$0x1] =	wrdreg $0xFFFFFFFF  }
0xc6: {  	_ =	task.clear_ibuf [dreg:s8], $0x2FFFF;
	_ =	strace $0x9FFFFFFF  }
0xc7: {  	(tm) =	ssettm $0x7FFFFFFF  }
tec
execute0_lowered:
.L_overlay_start_1:
0x0: {  	(tag) =	ssettag $0x1  }
0x1: {  	s24 =	rddreg [dreg:$0x0]  }
0x2: {  	s8 =	rddreg [dreg:$0x1];
	s16 =	stileid.u32  }
0x3: {  	s3 =	rddreg [dreg:$0x2];
	s10 =	smul.u32 $0x14000, s16  }
0x4: {  	s0 =	srdreg.scid;
	s7 =	simm.s32 $0x0;
	s11 =	smul.u32 $0x2800, s16  }
0x5: {  	[smem:$0x7FF] =	sst s7;
	s7 =	smul.u32 $0x280, s16  }
0x6: {  	s2 =	rddreg [dreg:$0x3];
	s9 =	sand.u32 $0x1, s0;
	s15 =	smul.u32 $0x5000, s16  }
0x7: {  	s1 =	rddreg [dreg:$0x4];
	s12 =	sadd.s32 $0x4E2A00, s3;
	s0 =	smul.u32 $0x140000, s9  }
0x8: {  	s4 =	rddreg [dreg:$0x5];
	s6 =	smul.u32 $0x28000, s9;
	_ =	strace $0x80000047  }
0x9: {  	s23 =	ssub.s32 $0x2, s9;
	s25 =	sshll.u32 s9, $0x4;
	s29 =	smul.u32 $0x50000, s9  }
0xa: {  	s9 =	smul.u32 $0xA00, s9;
	s13 =	sshrl.u32 s23, $0x1;
	s14 =	sor.u32 s16, s25  }
0xb: {  	s17 =	sadd.s32 s10, s2;
	s18 =	sadd.s32 s11, s1;
	s28 =	sor.u32 $0x40, s7  }
0xc: {  	s19 =	sadd.s32 s11, s4;
	s16 =	smul.u32 $0xA0, s16;
	s0 =	sadd.s32 s10, s0  }
0xd: {  	s6 =	sadd.s32 s11, s6;
	s26 =	smul.u32 $0x5000, s14;
	[dreg:$0x7] =	wrdreg s17  }
0xe: {  	s30 =	sshll.u32 s28, $0x7;
	s15 =	sadd.s32 s15, s29;
	[dreg:$0x8] =	wrdreg s18  }
0xf: {  	[dreg:$0x9] =	wrdreg s19;
	s0 =	sshrl.u32 s0, $0x3;
	s6 =	sshrl.u32 s6, $0x3  }
0x10: {  	s11 =	sadd.s32 s30, s2;
	s14 =	sor.u32 $0x200, s15;
	s25 =	sor.u32 $0x280, s15  }
0x11: {  	s0 =	sadd.s32 s0, s3;
	s3 =	sadd.s32 s6, s3;
	s6 =	ssub.s32 s23, s13  }
0x12: {  	[dreg:$0xa] =	wrdreg s11;
	s11 =	sshll.u32 s28, $0x4;
	s31 =	sshrl.u32 s26, $0x3  }
0x13: {  	s21 =	sadd.s32 s12, s26;
	s22 =	sshrl.u32 s14, $0x3;
	s23 =	sadd.s32 s12, s14  }
0x14: {  	s26 =	sor.u32 $0x300, s15;
	s28 =	sor.u32 $0x380, s15;
	[dreg:$0xf] =	wrdreg s23  }
0x15: {  	s12 =	sadd.s32 $0xC0, s7;
	s5 =	sadd.s32 s11, s1;
	[dreg:$0xd] =	wrdreg s21  }
0x16: {  	s15 =	sadd.s32 $0x100, s7;
	s0 =	sadd.s32 $0x14A00, s0;
	[dreg:$0xb] =	wrdreg s5  }
0x17: {  	s20 =	sadd.s32 s8, s31;
	s29 =	sshrl.u32 s26, $0x3;
	[smem:$0x7F4] =	sst s0  }
0x18: {  	s30 =	sshrl.u32 s28, $0x3;
	s5 =	sadd.s32 s16, s9;
	[dreg:$0xc] =	wrdreg s20  }
0x19: {  	s31 =	sadd.s32 $0x80, s7;
	s9 =	sadd.s32 s22, s8;
	[smem:$0x7E7] =	sst s5  }
0x1a: {  	[dreg:$0xe] =	wrdreg s9;
	s9 =	sshrl.u32 s25, $0x3;
	s5 =	sadd.s32 s11, s4  }
0x1b: {  	s13 =	sshll.u32 s12, $0x7;
	s9 =	sadd.s32 s9, s8;
	[dreg:$0x13] =	wrdreg s5  }
0x1c: {  	s23 =	sadd.s32 $0x140, s7;
	[dreg:$0x10] =	wrdreg s9;
	s9 =	sadd.s32 s29, s8  }
0x1d: {  	s10 =	sshll.u32 s31, $0x7;
	s8 =	sadd.s32 s30, s8;
	[dreg:$0x11] =	wrdreg s9  }
0x1e: {  	[dreg:$0x12] =	wrdreg s8;
	s8 =	sshll.u32 s31, $0x4;
	s9 =	sadd.s32 s10, s2  }
0x1f: {  	s28 =	sadd.s32 $0x180, s7;
	[dreg:$0x14] =	wrdreg s9;
	s11 =	sadd.s32 s8, s1  }
0x20: {  	s16 =	sshll.u32 s15, $0x7;
	s8 =	sadd.s32 s8, s4;
	[dreg:$0x15] =	wrdreg s11  }
0x21: {  	s9 =	sshll.u32 s12, $0x4;
	[dreg:$0x16] =	wrdreg s8;
	s8 =	sadd.s32 s13, s2  }
0x22: {  	s31 =	sadd.s32 $0x1C0, s7;
	s14 =	sadd.s32 s9, s1;
	[dreg:$0x17] =	wrdreg s8  }
0x23: {  	s9 =	sadd.s32 s9, s4;
	s11 =	sadd.s32 $0x200, s7;
	[dreg:$0x18] =	wrdreg s14  }
0x24: {  	s7 =	sadd.s32 $0x240, s7;
	[dreg:$0x19] =	wrdreg s9;
	s9 =	sadd.s32 s16, s2  }
0x25: {  	s8 =	sshll.u32 s15, $0x4;
	s16 =	sadd.s32 $0xAA00, s3;
	[dreg:$0x1a] =	wrdreg s9  }
0x26: {  	s14 =	sshll.u32 s7, $0x7;
	s22 =	sadd.s32 s8, s1;
	[smem:$0x7F5] =	sst s16  }
0x27: {  	s7 =	sshll.u32 s7, $0x4;
	s8 =	sadd.s32 s8, s4;
	[dreg:$0x1b] =	wrdreg s22  }
0x28: {  	s15 =	sadd.s32 s7, s1;
	[dreg:$0x1c] =	wrdreg s8  }
0x29: {  	s25 =	sshll.u32 s23, $0x7;
	s7 =	sadd.s32 s7, s4;
	[smem:$0x7F2] =	sst s15  }
0x2a: {  	s9 =	sshll.u32 s23, $0x4;
	s23 =	smax.u32 s6, $0x1;
	[smem:$0x7F3] =	sst s7  }
0x2b: {  	s8 =	sadd.s32 s25, s2;
	[smem:$0x7F7] =	sst s23  }
0x2c: {  	s26 =	sadd.s32 s9, s1;
	[dreg:$0x1d] =	wrdreg s8  }
0x2d: {  	s9 =	sadd.s32 s9, s4;
	[dreg:$0x1e] =	wrdreg s26  }
0x2e: {  	s22 =	sadd.s32 $0xA00, s3;
	[dreg:$0x1f] =	wrdreg s9  }
0x2f: {  	s29 =	sshll.u32 s28, $0x7;
	s25 =	sadd.s32 $0x10, s20;
	[smem:$0x7F6] =	sst s22  }
0x30: {  	s9 =	sadd.s32 s29, s2;
	[smem:$0x7F8] =	sst s25  }
0x31: {  	s26 =	sadd.s32 $0x80, s21;
	[smem:$0x7E8] =	sst s9  }
0x32: {  	s8 =	sshll.u32 s28, $0x4;
	s28 =	sadd.s32 $0x20, s20;
	[smem:$0x7F9] =	sst s26  }
0x33: {  	s29 =	sadd.s32 $0x100, s21;
	[smem:$0x7FA] =	sst s28  }
0x34: {  	s5 =	sshll.u32 s31, $0x7;
	s30 =	sadd.s32 s8, s1;
	[smem:$0x7FB] =	sst s29  }
0x35: {  	s12 =	sshll.u32 s11, $0x7;
	s8 =	sadd.s32 s8, s4;
	[smem:$0x7E9] =	sst s30  }
0x36: {  	s9 =	sshll.u32 s31, $0x4;
	s31 =	sadd.s32 $0x180, s21;
	[smem:$0x7EA] =	sst s8  }
0x37: {  	s7 =	simm.s32 $0x11;
	s8 =	sadd.s32 s5, s2;
	[smem:$0x7FD] =	sst s31  }
0x38: {  	s23 =	simm.s32 $0x9;
	s10 =	sadd.s32 s9, s1;
	[smem:$0x7EB] =	sst s8  }
0x39: {  	s25 =	simm.s32 $0xC;
	s9 =	sadd.s32 s9, s4;
	[smem:$0x7EC] =	sst s10  }
0x3a: {  	s30 =	sadd.s32 $0x30, s20;
	[smem:$0x7ED] =	sst s9;
	s8 =	sshll.u32 s11, $0x4  }
.Ltmp0:
0x3b: {  	s9 =	sadd.s32 s12, s2;
	[smem:$0x7FC] =	sst s30;
	(pc) =	sbr.rel .LBB2_1-.Ltmp0, $4  }
0x3c: {  	s21 =	simm.s32 $0x40;
	[smem:$0x7EE] =	sst s9;
	s13 =	sadd.s32 s8, s1  }
0x3d: {  	s8 =	sadd.s32 s8, s4;
	s9 =	simm.s32 $0x2200;
	[smem:$0x7EF] =	sst s13  }
0x3e: {  	s1 =	simm.s32 $0x0;
	[smem:$0x7F0] =	sst s8;
	s8 =	sadd.s32 s14, s2  }
0x3f: {  	v0 =	vimm.f32 $0.0e+00;
	v1 =	vimm.f32 $1.000000000e+00;
	s14 =	simm.s32 $0x200;
	[smem:$0x7F1] =	sst s8;
	s8 =	simm.s32 $0x180  }
.LBB2_8:
0x40: {  	[bflag:$0x0] =	sbarrier.arrive $0xFFFF  }
0x41: {  	s0 =	stileid.u32;
	s6 =	sld [smem:$0x7F4]  }
0x42: {  	s0 =	sshll.u32 s0, $0x6;
	s17 =	rddreg [dreg:$0x7]  }
0x43: {  	s7 =	simm.s32 $0x11;
	s0 =	sor.u32 $0x1C11, s0;
	s3 =	sshrl.u32 s17, $0x3  }
0x44: {  	[hbm:s6], [sflag:s0] =	dma.local [spmem:s3], $0x2800  }
0x45: {  	_ =	swait.ge [sflag:s7], $0x2800  }
0x46: {  	s28 =	sld [smem:$0x7F5]  }
0x47: {  	[sflag:s7] =	ssyncset.done $0x0;
	s18 =	rddreg [dreg:$0x8]  }
0x48: {  	[sflag:s7] =	ssyncadd.s32 $0xFFFFD800;
	s26 =	sshrl.u32 s18, $0x3  }
0x49: {  	[hbm:s28], [sflag:s0] =	dma.local [spmem:s26], $0x500  }
0x4a: {  	_ =	swait.ge [sflag:s7], $0x500  }
0x4b: {  	s30 =	sld [smem:$0x7F6]  }
0x4c: {  	[sflag:s7] =	ssyncset.done $0x0;
	s19 =	rddreg [dreg:$0x9]  }
0x4d: {  	[sflag:s7] =	ssyncadd.s32 $0xFFFFFB00;
	s29 =	sshrl.u32 s19, $0x3  }
0x4e: {  	[hbm:s30], [sflag:s0] =	dma.local [spmem:s29], $0x500  }
0x4f: {  	_ =	swait.ge [sflag:s7], $0x500  }
0x50: {  	s1 =	sld [smem:$0x7E6]  }
0x51: {  	s31 =	sld [smem:$0x7F7];
	_ =	sdelay $0x1  }
0x52: {  	s1 =	sadd.s32 $0x1, s1  }
0x53: {  	p0 =	sne.s32 s1, s31  }
.Ltmp1:
0x54: {  	_ = 	snop;
	(pc) =	sbr.rel @!p0 .LBB2_9-.Ltmp1, $3  }
0x55: {  	_ =	sdelay $0x1  }
0x56: {  	[sflag:s7] =	ssyncset.done $0x0  }
0x57: {  	[sflag:s7] =	ssyncadd.s32 $0xFFFFFB00  }
.LBB2_1:
0x58: {  	s3 =	simm.s32 $0x0  }
0x59: {  	[smem:$0x7E6] =	sst s1;
	s0 =	simm.s32 $0x240;
	[tilespmem:s3+$0x5200] =	vst v0;
	s3 =	simm.s32 $0x40  }
.LBB2_2:
0x5a: {  	p0 =	sne.s32 s3, $0xFC0;
	[tilespmem:s0+$0xFFFFFFC0] =	vst v0  }
0x5b: {  	[tilespmem:s0+$0xFFFFFFD0] =	vst v0  }
0x5c: {  	[tilespmem:s0+$0xFFFFFFE0] =	vst v0  }
0x5d: {  	[tilespmem:s0+$0xFFFFFFF0] =	vst v0  }
.Ltmp2:
0x5e: {  	[tilespmem:s0+$0x0] =	vst v0;
	(pc) =	sbr.rel @p0 .LBB2_2-.Ltmp2, $4  }
0x5f: {  	[tilespmem:s0+$0x10] =	vst v0  }
0x60: {  	[tilespmem:s0+$0x20] =	vst v0  }
0x61: {  	s6 =	sshra.s32 s3, $0x2;
	[tilespmem:s0+$0x30] =	vst v0  }
0x62: {  	s3 =	sadd.s32 $0x40, s3;
	s0 =	sadd.s32 $0x80, s0;
	[tilespmem:s6+$0x5200] =	vst v0  }
0x63: {  	[tilespmem:s0+$0xFFFFFFC0] =	vst v0  }
0x64: {  	[tilespmem:s0+$0xFFFFFFD0] =	vst v0  }
0x65: {  	[tilespmem:s0+$0xFFFFFFE0] =	vst v0  }
0x66: {  	[tilespmem:s0+$0xFFFFFFF0] =	vst v0  }
0x67: {  	[tilespmem:s0+$0x0] =	vst v0  }
0x68: {  	[tilespmem:s0+$0x10] =	vst v0  }
0x69: {  	[tilespmem:s0+$0x20] =	vst v0  }
0x6a: {  	[tilespmem:s0+$0x30] =	vst v0;
	s1 =	simm.s32 $0x200  }
0x6b: {  	[spmem:s17] =	stream.linear.scatter [tilespmem:s1], [sflag:$0x11], $0x2000, $0x38;
	[tilespmem:$0x1E600] =	vst v63  }
0x6c: {  	_ =	swait.ge [sflag:s7], $0x2000  }
0x6d: {  	[sflag:s7] =	ssyncset.done $0x0  }
0x6e: {  	s3 =	simm.s32 $0x5200;
	[sflag:s7] =	ssyncadd.s32 $0xFFFFE000  }
0x6f: {  	[spmem:s18] =	stream.linear.scatter [tilespmem:s3], [sflag:$0x11], $0x400, $0x38;
	[tilespmem:$0x1E600] =	vst v63  }
0x70: {  	_ =	swait.ge [sflag:s7], $0x400  }
0x71: {  	[sflag:s7] =	ssyncset.done $0x0  }
0x72: {  	[sflag:s7] =	ssyncadd.s32 $0xFFFFFC00  }
0x73: {  	[spmem:s19] =	stream.linear.scatter [tilespmem:s3], [sflag:$0x11], $0x400, $0x38;
	[tilespmem:$0x1E600] =	vst v63  }
0x74: {  	_ =	swait.ge [sflag:s7], $0x400  }
0x75: {  	[sflag:s7] =	ssyncset.done $0x0  }
0x76: {  	s19 =	rddreg [dreg:$0xa];
	[sflag:s7] =	ssyncadd.s32 $0xFFFFFC00  }
0x77: {  	[spmem:s19] =	stream.linear.scatter [tilespmem:s1], [sflag:$0x11], $0x2000, $0x38;
	[tilespmem:$0x1E600] =	vst v63  }
0x78: {  	_ =	swait.ge [sflag:s7], $0x2000  }
0x79: {  	[sflag:s7] =	ssyncset.done $0x0  }
0x7a: {  	s20 =	rddreg [dreg:$0xb];
	[sflag:s7] =	ssyncadd.s32 $0xFFFFE000  }
0x7b: {  	[spmem:s20] =	stream.linear.scatter [tilespmem:s3], [sflag:$0x11], $0x400, $0x38;
	[tilespmem:$0x1E600] =	vst v63  }
0x7c: {  	_ =	swait.ge [sflag:s7], $0x400  }
0x7d: {  	[sflag:s7] =	ssyncset.done $0x0  }
0x7e: {  	s22 =	rddreg [dreg:$0x13];
	[sflag:s7] =	ssyncadd.s32 $0xFFFFFC00  }
0x7f: {  	[spmem:s22] =	stream.linear.scatter [tilespmem:s3], [sflag:$0x11], $0x400, $0x38;
	[tilespmem:$0x1E600] =	vst v63  }
0x80: {  	_ =	swait.ge [sflag:s7], $0x400  }
0x81: {  	[sflag:s7] =	ssyncset.done $0x0  }
0x82: {  	s26 =	rddreg [dreg:$0x14];
	[sflag:s7] =	ssyncadd.s32 $0xFFFFFC00  }
0x83: {  	[spmem:s26] =	stream.linear.scatter [tilespmem:s1], [sflag:$0x11], $0x2000, $0x38;
	[tilespmem:$0x1E600] =	vst v63  }
0x84: {  	_ =	swait.ge [sflag:s7], $0x2000  }
0x85: {  	[sflag:s7] =	ssyncset.done $0x0  }
0x86: {  	s28 =	rddreg [dreg:$0x15];
	[sflag:s7] =	ssyncadd.s32 $0xFFFFE000  }
0x87: {  	[spmem:s28] =	stream.linear.scatter [tilespmem:s3], [sflag:$0x11], $0x400, $0x38;
	[tilespmem:$0x1E600] =	vst v63  }
0x88: {  	_ =	swait.ge [sflag:s7], $0x400  }
0x89: {  	[sflag:s7] =	ssyncset.done $0x0  }
0x8a: {  	s29 =	rddreg [dreg:$0x16];
	[sflag:s7] =	ssyncadd.s32 $0xFFFFFC00  }
0x8b: {  	[spmem:s29] =	stream.linear.scatter [tilespmem:s3], [sflag:$0x11], $0x400, $0x38;
	[tilespmem:$0x1E600] =	vst v63  }
0x8c: {  	_ =	swait.ge [sflag:s7], $0x400  }
0x8d: {  	[sflag:s7] =	ssyncset.done $0x0  }
0x8e: {  	s30 =	rddreg [dreg:$0x17];
	[sflag:s7] =	ssyncadd.s32 $0xFFFFFC00  }
0x8f: {  	[spmem:s30] =	stream.linear.scatter [tilespmem:s1], [sflag:$0x11], $0x2000, $0x38;
	[tilespmem:$0x1E600] =	vst v63  }
0x90: {  	_ =	swait.ge [sflag:s7], $0x2000  }
0x91: {  	[sflag:s7] =	ssyncset.done $0x0  }
0x92: {  	s31 =	rddreg [dreg:$0x18];
	[sflag:s7] =	ssyncadd.s32 $0xFFFFE000  }
0x93: {  	[spmem:s31] =	stream.linear.scatter [tilespmem:s3], [sflag:$0x11], $0x400, $0x38;
	[tilespmem:$0x1E600] =	vst v63  }
0x94: {  	_ =	swait.ge [sflag:s7], $0x400  }
0x95: {  	[sflag:s7] =	ssyncset.done $0x0  }
0x96: {  	s4 =	rddreg [dreg:$0x19];
	[sflag:s7] =	ssyncadd.s32 $0xFFFFFC00  }
0x97: {  	[spmem:s4] =	stream.linear.scatter [tilespmem:s3], [sflag:$0x11], $0x400, $0x38;
	[tilespmem:$0x1E600] =	vst v63  }
0x98: {  	_ =	swait.ge [sflag:s7], $0x400  }
0x99: {  	[sflag:s7] =	ssyncset.done $0x0  }
0x9a: {  	s5 =	rddreg [dreg:$0x1a];
	[sflag:s7] =	ssyncadd.s32 $0xFFFFFC00  }
0x9b: {  	[spmem:s5] =	stream.linear.scatter [tilespmem:s1], [sflag:$0x11], $0x2000, $0x38;
	[tilespmem:$0x1E600] =	vst v63  }
0x9c: {  	_ =	swait.ge [sflag:s7], $0x2000  }
0x9d: {  	[sflag:s7] =	ssyncset.done $0x0  }
0x9e: {  	s6 =	rddreg [dreg:$0x1b];
	[sflag:s7] =	ssyncadd.s32 $0xFFFFE000  }
0x9f: {  	[spmem:s6] =	stream.linear.scatter [tilespmem:s3], [sflag:$0x11], $0x400, $0x38;
	[tilespmem:$0x1E600] =	vst v63  }
0xa0: {  	_ =	swait.ge [sflag:s7], $0x400  }
0xa1: {  	[sflag:s7] =	ssyncset.done $0x0  }
0xa2: {  	s10 =	rddreg [dreg:$0x1c];
	[sflag:s7] =	ssyncadd.s32 $0xFFFFFC00  }
0xa3: {  	[spmem:s10] =	stream.linear.scatter [tilespmem:s3], [sflag:$0x11], $0x400, $0x38;
	[tilespmem:$0x1E600] =	vst v63  }
0xa4: {  	_ =	swait.ge [sflag:s7], $0x400  }
0xa5: {  	[sflag:s7] =	ssyncset.done $0x0  }
0xa6: {  	s11 =	rddreg [dreg:$0x1d];
	[sflag:s7] =	ssyncadd.s32 $0xFFFFFC00  }
0xa7: {  	[spmem:s11] =	stream.linear.scatter [tilespmem:s1], [sflag:$0x11], $0x2000, $0x38;
	[tilespmem:$0x1E600] =	vst v63  }
0xa8: {  	_ =	swait.ge [sflag:s7], $0x2000  }
0xa9: {  	[sflag:s7] =	ssyncset.done $0x0  }
0xaa: {  	s12 =	rddreg [dreg:$0x1e];
	[sflag:s7] =	ssyncadd.s32 $0xFFFFE000  }
0xab: {  	[spmem:s12] =	stream.linear.scatter [tilespmem:s3], [sflag:$0x11], $0x400, $0x38;
	[tilespmem:$0x1E600] =	vst v63  }
0xac: {  	_ =	swait.ge [sflag:s7], $0x400  }
0xad: {  	[sflag:s7] =	ssyncset.done $0x0  }
0xae: {  	s13 =	rddreg [dreg:$0x1f];
	[sflag:s7] =	ssyncadd.s32 $0xFFFFFC00  }
0xaf: {  	[spmem:s13] =	stream.linear.scatter [tilespmem:s3], [sflag:$0x11], $0x400, $0x38;
	[tilespmem:$0x1E600] =	vst v63  }
0xb0: {  	_ =	swait.ge [sflag:s7], $0x400  }
0xb1: {  	s15 =	sld [smem:$0x7E8]  }
0xb2: {  	[sflag:s7] =	ssyncset.done $0x0  }
0xb3: {  	[sflag:s7] =	ssyncadd.s32 $0xFFFFFC00  }
0xb4: {  	[spmem:s15] =	stream.linear.scatter [tilespmem:s1], [sflag:$0x11], $0x2000, $0x38;
	[tilespmem:$0x1E600] =	vst v63  }
0xb5: {  	_ =	swait.ge [sflag:s7], $0x2000  }
0xb6: {  	s16 =	sld [smem:$0x7E9]  }
0xb7: {  	[sflag:s7] =	ssyncset.done $0x0  }
0xb8: {  	[sflag:s7] =	ssyncadd.s32 $0xFFFFE000  }
0xb9: {  	[spmem:s16] =	stream.linear.scatter [tilespmem:s3], [sflag:$0x11], $0x400, $0x38;
	[tilespmem:$0x1E600] =	vst v63  }
0xba: {  	_ =	swait.ge [sflag:s7], $0x400  }
0xbb: {  	s17 =	sld [smem:$0x7EA]  }
0xbc: {  	[sflag:s7] =	ssyncset.done $0x0  }
0xbd: {  	[sflag:s7] =	ssyncadd.s32 $0xFFFFFC00  }
0xbe: {  	[spmem:s17] =	stream.linear.scatter [tilespmem:s3], [sflag:$0x11], $0x400, $0x38;
	[tilespmem:$0x1E600] =	vst v63  }
0xbf: {  	_ =	swait.ge [sflag:s7], $0x400  }
0xc0: {  	s18 =	sld [smem:$0x7EB]  }
0xc1: {  	[sflag:s7] =	ssyncset.done $0x0  }
0xc2: {  	[sflag:s7] =	ssyncadd.s32 $0xFFFFFC00  }
0xc3: {  	[spmem:s18] =	stream.linear.scatter [tilespmem:s1], [sflag:$0x11], $0x2000, $0x38;
	[tilespmem:$0x1E600] =	vst v63  }
0xc4: {  	_ =	swait.ge [sflag:s7], $0x2000  }
0xc5: {  	s19 =	sld [smem:$0x7EC]  }
0xc6: {  	[sflag:s7] =	ssyncset.done $0x0  }
0xc7: {  	[sflag:s7] =	ssyncadd.s32 $0xFFFFE000  }
0xc8: {  	[spmem:s19] =	stream.linear.scatter [tilespmem:s3], [sflag:$0x11], $0x400, $0x38;
	[tilespmem:$0x1E600] =	vst v63  }
0xc9: {  	_ =	swait.ge [sflag:s7], $0x400  }
0xca: {  	s20 =	sld [smem:$0x7ED]  }
0xcb: {  	[sflag:s7] =	ssyncset.done $0x0  }
0xcc: {  	[sflag:s7] =	ssyncadd.s32 $0xFFFFFC00  }
0xcd: {  	[spmem:s20] =	stream.linear.scatter [tilespmem:s3], [sflag:$0x11], $0x400, $0x38;
	[tilespmem:$0x1E600] =	vst v63  }
0xce: {  	_ =	swait.ge [sflag:s7], $0x400  }
0xcf: {  	s22 =	sld [smem:$0x7EE]  }
0xd0: {  	[sflag:s7] =	ssyncset.done $0x0  }
0xd1: {  	[sflag:s7] =	ssyncadd.s32 $0xFFFFFC00  }
0xd2: {  	[spmem:s22] =	stream.linear.scatter [tilespmem:s1], [sflag:$0x11], $0x2000, $0x38;
	[tilespmem:$0x1E600] =	vst v63  }
0xd3: {  	_ =	swait.ge [sflag:s7], $0x2000  }
0xd4: {  	s26 =	sld [smem:$0x7EF]  }
0xd5: {  	[sflag:s7] =	ssyncset.done $0x0  }
0xd6: {  	[sflag:s7] =	ssyncadd.s32 $0xFFFFE000  }
0xd7: {  	[spmem:s26] =	stream.linear.scatter [tilespmem:s3], [sflag:$0x11], $0x400, $0x38;
	[tilespmem:$0x1E600] =	vst v63  }
0xd8: {  	_ =	swait.ge [sflag:s7], $0x400  }
0xd9: {  	s28 =	sld [smem:$0x7F0]  }
0xda: {  	[sflag:s7] =	ssyncset.done $0x0  }
0xdb: {  	[sflag:s7] =	ssyncadd.s32 $0xFFFFFC00  }
0xdc: {  	[spmem:s28] =	stream.linear.scatter [tilespmem:s3], [sflag:$0x11], $0x400, $0x38;
	[tilespmem:$0x1E600] =	vst v63  }
0xdd: {  	_ =	swait.ge [sflag:s7], $0x400  }
0xde: {  	s29 =	sld [smem:$0x7F1]  }
0xdf: {  	[sflag:s7] =	ssyncset.done $0x0  }
0xe0: {  	[sflag:s7] =	ssyncadd.s32 $0xFFFFFC00  }
0xe1: {  	[spmem:s29] =	stream.linear.scatter [tilespmem:s1], [sflag:$0x11], $0x2000, $0x38;
	[tilespmem:$0x1E600] =	vst v63  }
0xe2: {  	_ =	swait.ge [sflag:s7], $0x2000  }
0xe3: {  	s30 =	sld [smem:$0x7F2]  }
0xe4: {  	[sflag:s7] =	ssyncset.done $0x0  }
0xe5: {  	[sflag:s7] =	ssyncadd.s32 $0xFFFFE000  }
0xe6: {  	[spmem:s30] =	stream.linear.scatter [tilespmem:s3], [sflag:$0x11], $0x400, $0x38;
	[tilespmem:$0x1E600] =	vst v63  }
0xe7: {  	_ =	swait.ge [sflag:s7], $0x400  }
0xe8: {  	s31 =	sld [smem:$0x7F3]  }
0xe9: {  	[sflag:s7] =	ssyncset.done $0x0  }
0xea: {  	[sflag:s7] =	ssyncadd.s32 $0xFFFFFC00  }
0xeb: {  	[spmem:s31] =	stream.linear.scatter [tilespmem:s3], [sflag:$0x11], $0x400, $0x38;
	[tilespmem:$0x1E600] =	vst v63  }
0xec: {  	_ =	swait.ge [sflag:s7], $0x400  }
0xed: {  	[sflag:s7] =	ssyncset.done $0x0  }
0xee: {  	s0 =	simm.s32 $0x40;
	[sflag:s7] =	ssyncadd.s32 $0xFFFFFC00  }
0xef: {  	s4 =	simm.s32 $0x200;
	s3 =	simm.s32 $0x0;
	[bflag:$0x0] =	sbarrier.arrive $0xFFFF  }
.LBB2_4:
0xf0: {  	p0 =	sne.s32 s0, $0xFC0;
	[tilespmem:s3+$0x5200] =	vst v1;
	s3 =	smov.u32 s0;
	s0 =	sadd.s32 $0x40, s0  }
.Ltmp3:
0xf1: {  	(pc) =	sbr.rel @p0 .LBB2_4-.Ltmp3, $2  }
0xf2: {  	_ =	sdelay $0x2  }
0xf3: {  	s3 =	sshra.s32 s3, $0x2  }
0xf4: {  	s0 =	rddreg [dreg:$0xc]  }
0xf5: {  	[tilespmem:s3+$0x5200] =	vst v1;
	s30 =	simm.s32 $0x0;
	s10 =	rddreg [dreg:$0xd]  }
0xf6: {  	[tilespmem:s30], [sflag:$0x1] =	stream.linear.gather [hbm4b:s0+s30], $0x80, $0x38;
	[tilespmem:$0x1E600] =	vst v63  }
0xf7: {  	s11 =	simm.s32 $0x4200;
	s12 =	sld [smem:$0x7F8]  }
0xf8: {  	[tilespmem:s11], [sflag:$0x5] =	stream.linear.gather [hbm4b:s10+s30], $0x400, $0x38;
	[tilespmem:$0x1E600] =	vst v63  }
0xf9: {  	s13 =	simm.s32 $0x80;
	s15 =	sld [smem:$0x7F9]  }
0xfa: {  	[tilespmem:s13], [sflag:$0x2] =	stream.linear.gather [hbm4b:s12+s30], $0x80, $0x38;
	[tilespmem:$0x1E600] =	vst v63  }
0xfb: {  	s6 =	simm.s32 $0x4600;
	s16 =	sld [smem:$0x7FA]  }
0xfc: {  	[tilespmem:s6], [sflag:$0x6] =	stream.linear.gather [hbm4b:s15+s30], $0x400, $0x38;
	[tilespmem:$0x1E600] =	vst v63  }
0xfd: {  	s17 =	simm.s32 $0x100;
	s18 =	sld [smem:$0x7FB]  }
0xfe: {  	[tilespmem:s17], [sflag:$0x3] =	stream.linear.gather [hbm4b:s16+s30], $0x80, $0x38;
	[tilespmem:$0x1E600] =	vst v63  }
0xff: {  	s19 =	simm.s32 $0x4A00;
	s20 =	sld [smem:$0x7FC]  }
0x100: {  	[tilespmem:s19], [sflag:$0x7] =	stream.linear.gather [hbm4b:s18+s30], $0x400, $0x38;
	[tilespmem:$0x1E600] =	vst v63  }
0x101: {  	s22 =	sld [smem:$0x7FD]  }
0x102: {  	[tilespmem:s8], [sflag:$0x4] =	stream.linear.gather [hbm4b:s20+s30], $0x80, $0x38;
	[tilespmem:$0x1E600] =	vst v63  }
0x103: {  	s26 =	simm.s32 $0x4E00;
	s28 =	simm.s32 $0x1  }
0x104: {  	[tilespmem:s26], [sflag:$0x8] =	stream.linear.gather [hbm4b:s22+s30], $0x400, $0x38;
	[tilespmem:$0x1E600] =	vst v63  }
0x105: {  	_ =	swait.ge [sflag:s28], $0x80  }
0x106: {  	[sflag:s28] =	ssyncset.done $0x0  }
0x107: {  	s29 =	simm.s32 $0x2;
	[sflag:s28] =	ssyncadd.s32 $0xFFFFFF80  }
0x108: {  	[tilespmem:s4], [sflag:$0x9] =	stream.indirect.gather [hbm4b:s24+s21], $0x80, s30, s21, $0xb8;
	[tilespmem:$0x1E600] =	vst v63  }
0x109: {  	_ =	swait.ge [sflag:s29], $0x80  }
0x10a: {  	s31 =	rddreg [dreg:$0x12]  }
0x10b: {  	s3 =	rddreg [dreg:$0x11]  }
0x10c: {  	s0 =	rddreg [dreg:$0x10]  }
0x10d: {  	s1 =	simm.s32 $0x2200;
	[sflag:s29] =	ssyncset.done $0x0;
	s12 =	rddreg [dreg:$0xf]  }
0x10e: {  	s26 =	simm.s32 $0x180;
	s10 =	rddreg [dreg:$0xe];
	[sflag:s29] =	ssyncadd.s32 $0xFFFFFF80  }
0x10f: {  	[tilespmem:s9], [sflag:$0xA] =	stream.indirect.gather [hbm4b:s24+s21], $0x80, s13, s21, $0xb8;
	[tilespmem:$0x1E600] =	vst v63  }
.LBB2_6:
0x110: {  	_ =	swait.ge [sflag:s23], $0x2000  }
0x111: {  	[sflag:s23] =	ssyncset.done $0x0;
	s4 =	sld [smem:$0x7E7]  }
0x112: {  	[sflag:s23] =	ssyncadd.s32 $0xFFFFE000  }
0x113: {  	[spmem:s2] =	stream.indirect.scatter.add.f32 [tilespmem:s14], [sflag:$0xB], $0x80, s21, s21, $0xb8;
	[tilespmem:$0x1E600] =	vst v63  }
0x114: {  	s18 =	sadd.s32 s30, s4  }
0x115: {  	p0 =	sgt.u32 s18, $0x1387  }
0x116: {  	s29 =	simm.s32 @p0 $0xA  }
0x117: {  	_ =	swait.ge @p0 [sflag:s29], $0x2000  }
0x118: {  	s15 =	simm.s32 @p0 $0x40;
	[sflag:s29] =	ssyncset.done @p0 $0x0  }
0x119: {  	s6 =	simm.s32 @p0 $0xC0;
	s16 =	simm.s32 @p0 $0x2200;
	[sflag:s29] =	ssyncadd.s32 @p0 $0xFFFFE000  }
0x11a: {  	[spmem:s2] =	stream.indirect.scatter.add.f32 @p0 [tilespmem:s16], [sflag:$0xC], $0x80, s6, s15, $0xb8;
	[tilespmem:$0x1E600] =	vst v63  }
0x11b: {  	s6 =	simm.s32 @p0 $0xB  }
0x11c: {  	_ =	swait.ge @p0 [sflag:s6], $0x2000  }
0x11d: {  	[sflag:s6] =	ssyncset.done @p0 $0x0  }
0x11e: {  	s7 =	simm.s32 @!p0 $0x5;
	[sflag:s6] =	ssyncadd.s32 @p0 $0xFFFFE000  }
0x11f: {  	_ =	swait.ge @!p0 [sflag:s7], $0x400  }
0x120: {  	[sflag:s7] =	ssyncset.done @!p0 $0x0  }
0x121: {  	[sflag:s7] =	ssyncadd.s32 @!p0 $0xFFFFFC00  }
0x122: {  	s8 =	simm.s32 @!p0 $0x4200;
	s7 =	simm.s32 @!p0 $0x40;
	s5 =	rddreg [dreg:$0x4]  }
0x123: {  	[spmem:s5] =	stream.indirect.scatter.add.f32 @!p0 [tilespmem:s8], [sflag:$0xD], $0x10, s7, s7, $0xb8;
	[tilespmem:$0x1E600] =	vst v63  }
0x124: {  	s17 =	simm.s32 @!p0 $0xA;
	s11 =	rddreg [dreg:$0x5];
	s8 =	simm.s32 @!p0 $0x5200  }
0x125: {  	[spmem:s11] =	stream.indirect.scatter.add.f32 @!p0 [tilespmem:s8], [sflag:$0xD], $0x10, s7, s7, $0xb8;
	[tilespmem:$0x1E600] =	vst v63  }
0x126: {  	_ =	swait.ge @!p0 [sflag:s17], $0x2000  }
0x127: {  	s9 =	simm.s32 @!p0 $0xC0;
	[sflag:s17] =	ssyncset.done @!p0 $0x0  }
0x128: {  	s20 =	simm.s32 @!p0 $0x2200;
	s22 =	simm.s32 @!p0 $0x6;
	[sflag:s17] =	ssyncadd.s32 @!p0 $0xFFFFE000  }
0x129: {  	[spmem:s2] =	stream.indirect.scatter.add.f32 @!p0 [tilespmem:s20], [sflag:$0xC], $0x80, s9, s7, $0xb8;
	[tilespmem:$0x1E600] =	vst v63  }
0x12a: {  	_ =	swait.ge @!p0 [sflag:s22], $0x400  }
0x12b: {  	[sflag:s22] =	ssyncset.done @!p0 $0x0  }
0x12c: {  	[sflag:s22] =	ssyncadd.s32 @!p0 $0xFFFFFC00;
	s22 =	simm.s32 @!p0 $0x4600  }
0x12d: {  	[spmem:s5] =	stream.indirect.scatter.add.f32 @!p0 [tilespmem:s22], [sflag:$0xE], $0x10, s9, s7, $0xb8;
	[tilespmem:$0x1E600] =	vst v63  }
0x12e: {  	s28 =	simm.s32 @!p0 $0xB  }
0x12f: {  	[spmem:s11] =	stream.indirect.scatter.add.f32 @!p0 [tilespmem:s8], [sflag:$0xE], $0x10, s9, s7, $0xb8;
	[tilespmem:$0x1E600] =	vst v63  }
0x130: {  	_ =	swait.ge @!p0 [sflag:s28], $0x2000  }
0x131: {  	[sflag:s28] =	ssyncset.done @!p0 $0x0  }
0x132: {  	s9 =	simm.s32 @!p0 $0xD;
	[sflag:s28] =	ssyncadd.s32 @!p0 $0xFFFFE000  }
0x133: {  	_ =	swait.ge @!p0 [sflag:s9], $0x400  }
0x134: {  	p1 =	seq.s32 s30, $0x9C;
	[sflag:s9] =	ssyncset.done @!p0 $0x0  }
0x135: {  	s22 =	sadd.s32 @!p1 s30, s4;
	[sflag:s9] =	ssyncadd.s32 @!p0 $0xFFFFFC00  }
0x136: {  	s19 =	sadd.s32 @!p1 $0x4, s22;
	_ =	swait.ge @!p0 [sflag:s9], $0x400  }
0x137: {  	p2 =	sgt.u32 @!p1 s19, $0x1387;
	[sflag:s9] =	ssyncset.done @!p0 $0x0  }
0x138: {  	p2 =	por p2, p1;
	[sflag:s9] =	ssyncadd.s32 @!p0 $0xFFFFFC00;
	s9 =	simm.s32 @!p1 $0x0  }
0x139: {  	[tilespmem:s9], [sflag:$0x1] =	stream.linear.gather @!p1 [hbm4b:s10+s9], $0x80, $0x38;
	[tilespmem:$0x1E600] =	vst v63  }
0x13a: {  	s19 =	simm.s32 @!p2 $0x0;
	s13 =	simm.s32 @!p2 $0x4200  }
0x13b: {  	[tilespmem:s13], [sflag:$0x5] =	stream.linear.gather @!p2 [hbm4b:s12+s19], $0x400, $0x38;
	[tilespmem:$0x1E600] =	vst v63  }
0x13c: {  	s19 =	simm.s32 $0x3  }
0x13d: {  	_ =	swait.ge [sflag:s19], $0x80  }
0x13e: {  	[sflag:s19] =	ssyncset.done $0x0  }
0x13f: {  	s4 =	simm.s32 $0x100;
	[sflag:s19] =	ssyncadd.s32 $0xFFFFFF80  }
0x140: {  	[tilespmem:s14], [sflag:$0x9] =	stream.indirect.gather [hbm4b:s24+s21], $0x80, s4, s21, $0xb8;
	[tilespmem:$0x1E600] =	vst v63  }
0x141: {  	_ =	swait.ge [sflag:s25], $0x2000  }
0x142: {  	[sflag:s25] =	ssyncset.done $0x0  }
0x143: {  	s13 =	simm.s32 @!p0 $0xE;
	[sflag:s25] =	ssyncadd.s32 $0xFFFFE000  }
0x144: {  	_ =	swait.ge @!p0 [sflag:s13], $0x400  }
0x145: {  	[sflag:s13] =	ssyncset.done @!p0 $0x0  }
0x146: {  	[sflag:s13] =	ssyncadd.s32 @!p0 $0xFFFFFC00  }
0x147: {  	_ =	swait.ge @!p0 [sflag:s13], $0x400  }
0x148: {  	[sflag:s13] =	ssyncset.done @!p0 $0x0  }
0x149: {  	[sflag:s13] =	ssyncadd.s32 @!p0 $0xFFFFFC00;
	s13 =	simm.s32 @!p1 $0x80  }
0x14a: {  	[tilespmem:s13], [sflag:$0x2] =	stream.linear.gather @!p1 [hbm4b:s0+s9], $0x80, $0x38;
	[tilespmem:$0x1E600] =	vst v63  }
0x14b: {  	s13 =	sadd.s32 @!p1 $0x5, s22  }
0x14c: {  	p2 =	sgt.u32 @!p1 s13, $0x1387  }
0x14d: {  	s4 =	smov.u32 s24;
	p2 =	por p2, p1  }
0x14e: {  	s13 =	sadd.s32 @!p2 $0x80, s12;
	s19 =	simm.s32 @!p2 $0x0;
	s24 =	simm.s32 @!p2 $0x4600  }
0x14f: {  	[tilespmem:s24], [sflag:$0x6] =	stream.linear.gather @!p2 [hbm4b:s13+s19], $0x400, $0x38;
	[tilespmem:$0x1E600] =	vst v63  }
0x150: {  	s19 =	simm.s32 $0x4  }
0x151: {  	_ =	swait.ge [sflag:s19], $0x80  }
0x152: {  	[sflag:s19] =	ssyncset.done $0x0  }
0x153: {  	s24 =	smov.u32 s4;
	[sflag:s19] =	ssyncadd.s32 $0xFFFFFF80  }
0x154: {  	[tilespmem:s1], [sflag:$0xA] =	stream.indirect.gather [hbm4b:s24+s21], $0x80, s26, s21, $0xb8;
	[tilespmem:$0x1E600] =	vst v63  }
0x155: {  	_ =	swait.ge [sflag:s23], $0x2000  }
0x156: {  	[sflag:s23] =	ssyncset.done $0x0  }
0x157: {  	s26 =	simm.s32 $0x140;
	[sflag:s23] =	ssyncadd.s32 $0xFFFFE000  }
0x158: {  	[spmem:s2] =	stream.indirect.scatter.add.f32 [tilespmem:s14], [sflag:$0xB], $0x80, s26, s21, $0xb8;
	[tilespmem:$0x1E600] =	vst v63  }
0x159: {  	_ =	swait.ge @p0 [sflag:s29], $0x2000  }
0x15a: {  	[sflag:s29] =	ssyncset.done @p0 $0x0  }
0x15b: {  	s13 =	simm.s32 @p0 $0x1C0;
	[sflag:s29] =	ssyncadd.s32 @p0 $0xFFFFE000  }
0x15c: {  	[spmem:s2] =	stream.indirect.scatter.add.f32 @p0 [tilespmem:s16], [sflag:$0xC], $0x80, s13, s15, $0xb8;
	[tilespmem:$0x1E600] =	vst v63  }
0x15d: {  	_ =	swait.ge @p0 [sflag:s6], $0x2000  }
0x15e: {  	[sflag:s6] =	ssyncset.done @p0 $0x0  }
0x15f: {  	[sflag:s6] =	ssyncadd.s32 @p0 $0xFFFFE000;
	s6 =	simm.s32 @!p0 $0x7  }
0x160: {  	_ =	swait.ge @!p0 [sflag:s6], $0x400  }
0x161: {  	[sflag:s6] =	ssyncset.done @!p0 $0x0  }
0x162: {  	s13 =	simm.s32 @!p0 $0x4A00;
	[sflag:s6] =	ssyncadd.s32 @!p0 $0xFFFFFC00;
	s6 =	simm.s32 @!p0 $0x140  }
0x163: {  	[spmem:s5] =	stream.indirect.scatter.add.f32 @!p0 [tilespmem:s13], [sflag:$0xF], $0x10, s6, s7, $0xb8;
	[tilespmem:$0x1E600] =	vst v63  }
0x164: {  	_ = 	snop  }
0x165: {  	[spmem:s11] =	stream.indirect.scatter.add.f32 @!p0 [tilespmem:s8], [sflag:$0xF], $0x10, s6, s7, $0xb8;
	[tilespmem:$0x1E600] =	vst v63  }
0x166: {  	_ =	swait.ge @!p0 [sflag:s17], $0x2000  }
0x167: {  	[sflag:s17] =	ssyncset.done @!p0 $0x0  }
0x168: {  	s13 =	simm.s32 @!p0 $0x8;
	s6 =	simm.s32 @!p0 $0x1C0;
	[sflag:s17] =	ssyncadd.s32 @!p0 $0xFFFFE000  }
0x169: {  	[spmem:s2] =	stream.indirect.scatter.add.f32 @!p0 [tilespmem:s20], [sflag:$0xC], $0x80, s6, s7, $0xb8;
	[tilespmem:$0x1E600] =	vst v63  }
0x16a: {  	_ =	swait.ge @!p0 [sflag:s13], $0x400  }
0x16b: {  	[sflag:s13] =	ssyncset.done @!p0 $0x0  }
0x16c: {  	[sflag:s13] =	ssyncadd.s32 @!p0 $0xFFFFFC00;
	s13 =	simm.s32 @!p0 $0x4E00  }
0x16d: {  	[spmem:s5] =	stream.indirect.scatter.add.f32 @!p0 [tilespmem:s13], [sflag:$0x10], $0x10, s6, s7, $0xb8;
	[tilespmem:$0x1E600] =	vst v63  }
0x16e: {  	_ = 	snop  }
0x16f: {  	[spmem:s11] =	stream.indirect.scatter.add.f32 @!p0 [tilespmem:s8], [sflag:$0x10], $0x10, s6, s7, $0xb8;
	[tilespmem:$0x1E600] =	vst v63  }
0x170: {  	_ =	swait.ge @!p0 [sflag:s28], $0x2000  }
0x171: {  	[sflag:s28] =	ssyncset.done @!p0 $0x0  }
0x172: {  	s6 =	simm.s32 @!p0 $0xF;
	[sflag:s28] =	ssyncadd.s32 @!p0 $0xFFFFE000  }
0x173: {  	_ =	swait.ge @!p0 [sflag:s6], $0x400  }
0x174: {  	[sflag:s6] =	ssyncset.done @!p0 $0x0  }
0x175: {  	[sflag:s6] =	ssyncadd.s32 @!p0 $0xFFFFFC00  }
0x176: {  	_ =	swait.ge @!p0 [sflag:s6], $0x400  }
0x177: {  	[sflag:s6] =	ssyncset.done @!p0 $0x0  }
0x178: {  	[sflag:s6] =	ssyncadd.s32 @!p0 $0xFFFFFC00;
	s6 =	simm.s32 @!p1 $0x100  }
0x179: {  	[tilespmem:s6], [sflag:$0x3] =	stream.linear.gather @!p1 [hbm4b:s3+s9], $0x80, $0x38;
	[tilespmem:$0x1E600] =	vst v63  }
0x17a: {  	s6 =	sadd.s32 @!p1 $0x6, s22  }
0x17b: {  	p2 =	sgt.u32 @!p1 s6, $0x1387  }
0x17c: {  	p2 =	por p2, p1  }
0x17d: {  	s6 =	sadd.s32 @!p2 $0x100, s12;
	s7 =	simm.s32 @!p2 $0x0;
	s8 =	simm.s32 @!p2 $0x4A00  }
0x17e: {  	[tilespmem:s8], [sflag:$0x7] =	stream.linear.gather @!p2 [hbm4b:s6+s7], $0x400, $0x38;
	[tilespmem:$0x1E600] =	vst v63  }
0x17f: {  	s6 =	simm.s32 @!p1 $0x1  }
0x180: {  	_ =	swait.ge @!p1 [sflag:s6], $0x80  }
0x181: {  	[sflag:s6] =	ssyncset.done @!p1 $0x0  }
0x182: {  	s7 =	simm.s32 @!p1 $0x200;
	[sflag:s6] =	ssyncadd.s32 @!p1 $0xFFFFFF80;
	s6 =	simm.s32 @!p1 $0x40  }
0x183: {  	[tilespmem:s7], [sflag:$0x9] =	stream.indirect.gather @!p1 [hbm4b:s24+s6], $0x80, s9, s6, $0xb8;
	[tilespmem:$0x1E600] =	vst v63  }
0x184: {  	_ =	swait.ge [sflag:s25], $0x2000  }
0x185: {  	[sflag:s25] =	ssyncset.done $0x0  }
0x186: {  	s6 =	simm.s32 @!p0 $0x10;
	[sflag:s25] =	ssyncadd.s32 $0xFFFFE000  }
0x187: {  	_ =	swait.ge @!p0 [sflag:s6], $0x400  }
.Ltmp4:
0x188: {  	[sflag:s6] =	ssyncset.done @!p0 $0x0;
	(pc) =	sbr.rel @p1 .LBB2_8-.Ltmp4, $4  }
0x189: {  	[sflag:s6] =	ssyncadd.s32 @!p0 $0xFFFFFC00  }
0x18a: {  	_ =	swait.ge @!p0 [sflag:s6], $0x400  }
0x18b: {  	[sflag:s6] =	ssyncset.done @!p0 $0x0  }
0x18c: {  	s8 =	simm.s32 $0x180;
	s9 =	simm.s32 $0x2200;
	[sflag:s6] =	ssyncadd.s32 @!p0 $0xFFFFFC00  }
0x18d: {  	s6 =	simm.s32 $0x0;
	s26 =	sadd.s32 $0x7, s18  }
0x18e: {  	[tilespmem:s8], [sflag:$0x4] =	stream.linear.gather [hbm4b:s31+s6], $0x80, $0x38;
	[tilespmem:$0x1E600] =	vst v63  }
0x18f: {  	s28 =	simm.s32 $0x2;
	s29 =	simm.s32 $0x80;
	p0 =	sgt.u32 s26, $0x1387  }
0x190: {  	s6 =	sadd.s32 @!p0 $0x180, s12;
	s7 =	simm.s32 @!p0 $0x0;
	s8 =	simm.s32 @!p0 $0x4E00  }
0x191: {  	[tilespmem:s8], [sflag:$0x8] =	stream.linear.gather @!p0 [hbm4b:s6+s7], $0x400, $0x38;
	[tilespmem:$0x1E600] =	vst v63  }
.Ltmp5:
0x192: {  	s30 =	sadd.s32 $0x4, s30;
	s10 =	sadd.s32 $0x40, s10;
	(pc) =	sbr.rel .LBB2_6-.Ltmp5, $4  }
0x193: {  	s0 =	sadd.s32 $0x40, s0;
	s3 =	sadd.s32 $0x40, s3;
	_ =	swait.ge [sflag:s28], $0x80  }
0x194: {  	s1 =	simm.s32 $0x2200;
	s31 =	sadd.s32 $0x40, s31;
	[sflag:s28] =	ssyncset.done $0x0  }
0x195: {  	s26 =	simm.s32 $0x180;
	s12 =	sadd.s32 $0x200, s12;
	[sflag:s28] =	ssyncadd.s32 $0xFFFFFF80  }
0x196: {  	[tilespmem:s9], [sflag:$0xA] =	stream.indirect.gather [hbm4b:s24+s21], $0x80, s29, s21, $0xb8;
	[tilespmem:$0x1E600] =	vst v63  }
.LBB2_9:
0x197: {  	_ =	sfence.sel $0x180000  }
0x198: {  	[bflag:$0x0] =	sbarrier.arrive $0xFFFF  }
0x199: {  	_ =	strace $0x90000047  }
0x19a: {  	s0 =	stileid.u32;
	[bflag:$0x2] =	sbarrier.arrive $0xFFFF  }
0x19b: {  	p0 =	sne.s32 s0, $0x0;
	s0 =	rddreg [dreg:$0x6]  }
0x19c: {  	s0 =	sadd.s32 @!p0 $0x100000, s0  }
0x19d: {  	[sflag:s0] =	ssyncadd.tile.s32 @!p0 $0x1;
	_ =	shalt  }
.Lfunc_end2:
_tile_overlayer_lowered:
.L_overlay_start_2:
0x19e: {  	(tag) =	ssettag $0x2  }
0x19f: {  	s0 =	rddreg [dreg:$0x0];
	s2 =	stileid.u32  }
0x1a0: {  	s1 =	rddreg [dreg:$0x1];
	p0 =	sne.s32 s2, $0x0  }
0x1a1: {  	s3 =	rddreg [dreg:$0x2];
	[bflag:$0x3] =	sbarrier.arrive $0xFFFF;
	s2 =	simm.s32 @!p0 $0x1C11  }
0x1a2: {  	[timem:s3], [sflag:s2] =	dma.local @!p0 [hbm:s0], s1  }
0x1a3: {  	s0 =	simm.s32 @!p0 $0x11  }
0x1a4: {  	_ =	swait.ge @!p0 [sflag:s0], s1  }
0x1a5: {  	s1 =	ssub.s32 @!p0 $0x0, s1;
	[sflag:s0] =	ssyncset.done @!p0 $0x0  }
0x1a6: {  	[sflag:s0] =	ssyncadd.s32 @!p0 s1  }
0x1a7: {  	[bflag:$0x3] =	sbarrier.arrive $0xFFFF  }
0x1a8: {  	_ =	shalt  }

</sc_bundles>
